<compile_context>
chip_gen: v7x
topology: tpu7x:2x2x1
jax: 0.10.2.dev20260603
libtpu: 0.0.44.dev20260713+nightly
codegen_flags: <defaults>
</compile_context>

<pallas_src>
import functools

import jax
import jax.numpy as jnp
from jax import lax
from jax.experimental import pallas as pl
from jax.experimental.pallas import tpu as pltpu
from jax.experimental.pallas import tpu_sc as plsc

D = 128
HIST = 200
BATCH = 4096
SEG_STRIDE = 201
PAD0 = 2 * SEG_STRIDE
PAD1 = PAD0 + 32
CROWS = 512
NW = 32
BW = BATCH // NW
NBUF = 4
L = 16


def _build_tbl_body(pe_ref, sw_ref, out_ref):
    pe = pe_ref[0:SEG_STRIDE]
    sw0 = sw_ref[0:1]
    sw1 = sw_ref[1:2]
    out_ref[0:SEG_STRIDE] = pe + sw0
    out_ref[SEG_STRIDE:PAD0] = pe + sw1
    zeros = jnp.zeros((CROWS - PAD0, D), jnp.float32)
    out_ref[PAD0:PAD1] = zeros[: PAD1 - PAD0] + sw0
    out_ref[PAD1:CROWS] = zeros[: CROWS - PAD1] + sw1


def _build_combined_table(pe_table, seg_weight):
    return pl.pallas_call(
        _build_tbl_body,
        out_shape=jax.ShapeDtypeStruct((CROWS, D), jnp.float32),
    )(pe_table[0:SEG_STRIDE], seg_weight)


def _sc_body(off_hbm, len_hbm, c_hbm, out_hbm,
             off_v, len_v, tbl_sh,
             idx0, idx1, idx2, idx3, rows0, rows1, rows2, rows3,
             gsem0, gsem1, gsem2, gsem3, ssem0, ssem1, ssem2, ssem3):
    cid = lax.axis_index("c")
    sid = lax.axis_index("s")
    wid = sid * 2 + cid
    b0 = wid * BW

    idx = (idx0, idx1, idx2, idx3)
    rows = (rows0, rows1, rows2, rows3)
    gsem = (gsem0, gsem1, gsem2, gsem3)
    ssem = (ssem0, ssem1, ssem2, ssem3)

    tchunk = CROWS // 16
    tsl = pl.ds(sid * tchunk, tchunk)
    pltpu.sync_copy(c_hbm.at[tsl], rows0.at[pl.ds(0, tchunk)])
    pltpu.sync_copy(rows0.at[pl.ds(0, tchunk)], tbl_sh.at[tsl])
    plsc.subcore_barrier()

    pltpu.sync_copy(off_hbm.at[pl.ds(b0, BW)], off_v)
    pltpu.sync_copy(len_hbm.at[pl.ds(b0, BW)], len_v)

    def compute_idx(x, j):
        for s in range(BW // L):
            sl = pl.ds(s * L, L)
            pos = off_v[sl]
            ln = len_v[sl]
            lt = x < pos
            rel = jnp.where(lt, pos - x, x + 1 - pos)
            live = rel + jnp.where(lt, 0, SEG_STRIDE)
            pad = PAD0 + wid + jnp.where(lt, 0, 32)
            idx[j][sl] = jnp.where(x < ln, live, pad)

    def gather(j):
        return pltpu.make_async_copy(tbl_sh.at[idx[j]], rows[j], gsem[j])

    def store(j, x):
        dst = out_hbm.at[pl.ds(x * BATCH + b0, BW)]
        return pltpu.make_async_copy(rows[j], dst, ssem[j])

    for x in range(NBUF):
        compute_idx(x, x)
        gather(x).start()
        if x >= 2:
            gather(x - 2).wait()
            store(x - 2, x - 2).start()

    def chunk(k, _):
        for j in range(NBUF):
            x = NBUF + NBUF * k + j
            compute_idx(x, j)
            store(j, x).wait()
            gather(j).start()
            gather((j - 2) % NBUF).wait()
            store((j - 2) % NBUF, x - 2).start()
        return _

    lax.fori_loop(0, (HIST - NBUF) // NBUF, chunk, None)

    for x in range(HIST - 2, HIST):
        gather(x % NBUF).wait()
        store(x % NBUF, x).start()
    for j in range(NBUF):
        store(j, 0).wait()


def kernel(input_len, offsets, pe_table, seg_weight):
    ctbl = _build_combined_table(pe_table, seg_weight)
    off = offsets.astype(jnp.int32)
    ln = input_len.astype(jnp.int32)

    sc = functools.partial(
        pl.kernel,
        out_type=jax.ShapeDtypeStruct((HIST * BATCH, D), jnp.float32),
        mesh=plsc.VectorSubcoreMesh(core_axis_name="c", subcore_axis_name="s"),
        scratch_types=[
            pltpu.VMEM((BW,), jnp.int32),
            pltpu.VMEM((BW,), jnp.int32),
            pltpu.VMEM_SHARED((CROWS, D), jnp.float32),
        ] + [pltpu.VMEM((BW,), jnp.int32)] * NBUF
          + [pltpu.VMEM((BW, D), jnp.float32)] * NBUF
          + [pltpu.SemaphoreType.DMA] * (2 * NBUF),
    )(_sc_body)
    flat = sc(off, ln, ctbl)
    return flat.reshape(HIST, BATCH, D)

# --- scband reference (transcript-rebuilt; emitter-appended) ---
"""Pipeline reference for scband-relative-positional-encoding-75127567941739 (READ-ONLY COPY).

The authoritative reference and input builder live on the scoring server;
editing this copy changes nothing except your own understanding.
"""

import jax, jax.numpy as jnp
import numpy as np

D_MODEL = 128
MAX_SEQ_LEN = 512
BATCH = 4096
HIST = 200


def _build_pe():
    pe = np.array([[pos / np.power(10000, 2.0 * (j // 2) / D_MODEL) for j in range(D_MODEL)] for pos in range(MAX_SEQ_LEN)])
    pe[:, 0::2] = np.sin(pe[:, 0::2])
    pe[:, 1::2] = np.cos(pe[:, 1::2])
    pe = np.concatenate([np.zeros((1, D_MODEL)), pe], axis=0).astype(np.float32)
    return jnp.asarray(pe)


def setup_inputs(seed: int = 0):
    key = jax.random.key(seed)
    k1, k2, k3 = jax.random.split(key, 3)
    input_len = jax.random.randint(k1, (BATCH,), 0, 200)
    offsets = jax.random.randint(k2, (BATCH,), 0, 200)
    pe_table = _build_pe()
    seg_weight = jax.random.normal(k3, (2, D_MODEL), dtype=jnp.float32)
    return {"input_len": input_len, "offsets": offsets, "pe_table": pe_table, "seg_weight": seg_weight}


def reference(input_len, offsets, pe_table, seg_weight):
    # type == 'H' branch of the original module, vectorized
    x = jnp.arange(HIST)[:, None]                      # [200, 1]
    pos = offsets[None, :]                             # [1, B]
    # seg_tsr[x, b] = 0 if x < pos[b] else 1, already in [200, B] layout (permute(1,0) applied)
    seg_tsr = (x >= pos).astype(jnp.int32)             # [200, B]
    # relative position: pos - x if x < pos else x + 1 - pos
    rel = jnp.where(x < pos, pos - x, x + 1 - pos)
    # zero-pad beyond each sequence's length
    input_pos = jnp.where(x < input_len[None, :], rel, 0)  # [200, B]
    out = jnp.take(pe_table, input_pos, axis=0) + jnp.take(seg_weight, seg_tsr, axis=0)
    return out

if __name__ == "__main__":
    import jax
    _d = setup_inputs()
    print(jax.jit(kernel)(*tuple(_d.values())))

</pallas_src>

<mosaic_0001>
#map = affine_map<(d0, d1) -> (0)>
#map1 = affine_map<(d0, d1) -> (0, 0)>
module attributes {stable_mosaic.version = 14 : i64} {
  func.func @_sc_body(%arg0: i32, %arg1: i32, %arg2: memref<4096xi32, #tpu.memory_space<hbm>>, %arg3: memref<4096xi32, #tpu.memory_space<hbm>>, %arg4: memref<512x128xf32, #tpu.memory_space<hbm>>, %arg5: memref<819200x128xf32, #tpu.memory_space<hbm>>, %arg6: memref<128xi32, #tpu.memory_space<vmem>>, %arg7: memref<128xi32, #tpu.memory_space<vmem>>, %arg8: memref<512x128xf32, #tpu.memory_space<vmem_shared>>, %arg9: memref<128xi32, #tpu.memory_space<vmem>>, %arg10: memref<128xi32, #tpu.memory_space<vmem>>, %arg11: memref<128xi32, #tpu.memory_space<vmem>>, %arg12: memref<128xi32, #tpu.memory_space<vmem>>, %arg13: memref<128x128xf32, #tpu.memory_space<vmem>>, %arg14: memref<128x128xf32, #tpu.memory_space<vmem>>, %arg15: memref<128x128xf32, #tpu.memory_space<vmem>>, %arg16: memref<128x128xf32, #tpu.memory_space<vmem>>, %arg17: memref<!tpu.dma_semaphore, #tpu.memory_space<semaphore_mem>>, %arg18: memref<!tpu.dma_semaphore, #tpu.memory_space<semaphore_mem>>, %arg19: memref<!tpu.dma_semaphore, #tpu.memory_space<semaphore_mem>>, %arg20: memref<!tpu.dma_semaphore, #tpu.memory_space<semaphore_mem>>, %arg21: memref<!tpu.dma_semaphore, #tpu.memory_space<semaphore_mem>>, %arg22: memref<!tpu.dma_semaphore, #tpu.memory_space<semaphore_mem>>, %arg23: memref<!tpu.dma_semaphore, #tpu.memory_space<semaphore_mem>>, %arg24: memref<!tpu.dma_semaphore, #tpu.memory_space<semaphore_mem>>) attributes {dimension_semantics = [#tpu.dimension_semantics<core_parallel>, #tpu.dimension_semantics<subcore_parallel>], iteration_bounds = array<i64: 2, 16>, scalar_prefetch = 0 : i64, scratch_operands = 19 : i64, tpu.core_type = #tpu.core_type<sc_vector_subcore>, window_params = [{transform_indices = #map}, {transform_indices = #map}, {transform_indices = #map1}, {transform_indices = #map1}]} {
    %mul3A = arith.constant 2 : i32
    %mul3A_0 = arith.muli %arg1, %mul3A : i32
    %add3A = arith.addi %mul3A_0, %arg0 : i32
    %mul3A_1 = arith.constant 128 : i32
    %mul3A_2 = arith.muli %add3A, %mul3A_1 : i32
    %mul3A_3 = arith.constant 32 : i32
    %mul3A_4 = arith.muli %arg1, %mul3A_3 : i32
    "tpu.region"() ({
      %run_scoped3A = tpu.sem_alloc : memref<!tpu.dma_semaphore, #tpu.memory_space<semaphore_mem>>
      %dma_start3A_1320 = arith.constant 0 : i32
      %dma_start3A_1321 = arith.constant 0 : i32
      %dma_start3A_1322 = tpu.memref_slice %arg13[%dma_start3A_1320, %dma_start3A_1321] : memref<128x128xf32, #tpu.memory_space<vmem>> -> memref<32x128xf32, #tpu.memory_space<vmem>>
      %dma_start3A_1323 = arith.constant 0 : i32
      %dma_start3A_1324 = tpu.memref_slice %arg4[%mul3A_4, %dma_start3A_1323] : memref<512x128xf32, #tpu.memory_space<hbm>> -> memref<32x128xf32, #tpu.memory_space<hbm>>
      %dma_start3A_1325 = arith.constant 0 : i32
      %dma_start3A_1326 = arith.constant 0 : i32
      %dma_start3A_1327 = tpu.memref_slice %arg13[%dma_start3A_1325, %dma_start3A_1326] : memref<128x128xf32, #tpu.memory_space<vmem>> -> memref<32x128xf32, #tpu.memory_space<vmem>>
      %dma_start3A_1328 = arith.constant 0 : i32
      %dma_start3A_1329 = tpu.memref_slice %arg4[%mul3A_4, %dma_start3A_1328] : memref<512x128xf32, #tpu.memory_space<hbm>> -> memref<32x128xf32, #tpu.memory_space<hbm>>
      tpu.enqueue_dma source(%dma_start3A_1329 : memref<32x128xf32, #tpu.memory_space<hbm>>) target(%dma_start3A_1327 : memref<32x128xf32, #tpu.memory_space<vmem>>) target_semaphore(%run_scoped3A : memref<!tpu.dma_semaphore, #tpu.memory_space<semaphore_mem>>)
      %dma_wait3A_1330 = arith.constant 0 : i32
      %dma_wait3A_1331 = arith.constant 0 : i32
      %dma_wait3A_1332 = tpu.memref_slice %arg13[%dma_wait3A_1330, %dma_wait3A_1331] : memref<128x128xf32, #tpu.memory_space<vmem>> -> memref<32x128xf32, #tpu.memory_space<vmem>>
      %dma_wait3A_1333 = arith.constant 0 : i32
      %dma_wait3A_1334 = tpu.memref_slice %arg4[%mul3A_4, %dma_wait3A_1333] : memref<512x128xf32, #tpu.memory_space<hbm>> -> memref<32x128xf32, #tpu.memory_space<hbm>>
      %dma_wait3A_1335 = arith.constant 0 : i32
      %dma_wait3A_1336 = arith.constant 0 : i32
      %dma_wait3A_1337 = tpu.memref_slice %arg13[%dma_wait3A_1335, %dma_wait3A_1336] : memref<128x128xf32, #tpu.memory_space<vmem>> -> memref<32x128xf32, #tpu.memory_space<vmem>>
      %dma_wait3A_1338 = arith.constant 0 : i32
      %dma_wait3A_1339 = tpu.memref_slice %arg4[%mul3A_4, %dma_wait3A_1338] : memref<512x128xf32, #tpu.memory_space<hbm>> -> memref<32x128xf32, #tpu.memory_space<hbm>>
      tpu.wait_dma2 semaphore(%run_scoped3A : memref<!tpu.dma_semaphore, #tpu.memory_space<semaphore_mem>>) src(%dma_wait3A_1339 : memref<32x128xf32, #tpu.memory_space<hbm>>) dst(%dma_wait3A_1337 : memref<32x128xf32, #tpu.memory_space<vmem>>)
      tpu.yield
    }) : () -> ()
    "tpu.region"() ({
      %run_scoped3A = tpu.sem_alloc : memref<!tpu.dma_semaphore, #tpu.memory_space<semaphore_mem>>
      %dma_start3A_1320 = arith.constant 0 : i32
      %dma_start3A_1321 = arith.constant 0 : i32
      %dma_start3A_1322 = tpu.memref_slice %arg13[%dma_start3A_1320, %dma_start3A_1321] : memref<128x128xf32, #tpu.memory_space<vmem>> -> memref<32x128xf32, #tpu.memory_space<vmem>>
      %dma_start3A_1323 = arith.constant 0 : i32
      %dma_start3A_1324 = tpu.memref_slice %arg8[%mul3A_4, %dma_start3A_1323] : memref<512x128xf32, #tpu.memory_space<vmem_shared>> -> memref<32x128xf32, #tpu.memory_space<vmem_shared>>
      %dma_start3A_1325 = arith.constant 0 : i32
      %dma_start3A_1326 = tpu.memref_slice %arg8[%mul3A_4, %dma_start3A_1325] : memref<512x128xf32, #tpu.memory_space<vmem_shared>> -> memref<32x128xf32, #tpu.memory_space<vmem_shared>>
      %dma_start3A_1327 = arith.constant 0 : i32
      %dma_start3A_1328 = arith.constant 0 : i32
      %dma_start3A_1329 = tpu.memref_slice %arg13[%dma_start3A_1327, %dma_start3A_1328] : memref<128x128xf32, #tpu.memory_space<vmem>> -> memref<32x128xf32, #tpu.memory_space<vmem>>
      tpu.enqueue_dma source(%dma_start3A_1329 : memref<32x128xf32, #tpu.memory_space<vmem>>) target(%dma_start3A_1326 : memref<32x128xf32, #tpu.memory_space<vmem_shared>>) target_semaphore(%run_scoped3A : memref<!tpu.dma_semaphore, #tpu.memory_space<semaphore_mem>>)
      %dma_wait3A_1330 = arith.constant 0 : i32
      %dma_wait3A_1331 = arith.constant 0 : i32
      %dma_wait3A_1332 = tpu.memref_slice %arg13[%dma_wait3A_1330, %dma_wait3A_1331] : memref<128x128xf32, #tpu.memory_space<vmem>> -> memref<32x128xf32, #tpu.memory_space<vmem>>
      %dma_wait3A_1333 = arith.constant 0 : i32
      %dma_wait3A_1334 = tpu.memref_slice %arg8[%mul3A_4, %dma_wait3A_1333] : memref<512x128xf32, #tpu.memory_space<vmem_shared>> -> memref<32x128xf32, #tpu.memory_space<vmem_shared>>
      %dma_wait3A_1335 = arith.constant 0 : i32
      %dma_wait3A_1336 = tpu.memref_slice %arg8[%mul3A_4, %dma_wait3A_1335] : memref<512x128xf32, #tpu.memory_space<vmem_shared>> -> memref<32x128xf32, #tpu.memory_space<vmem_shared>>
      %dma_wait3A_1337 = arith.constant 0 : i32
      %dma_wait3A_1338 = arith.constant 0 : i32
      %dma_wait3A_1339 = tpu.memref_slice %arg13[%dma_wait3A_1337, %dma_wait3A_1338] : memref<128x128xf32, #tpu.memory_space<vmem>> -> memref<32x128xf32, #tpu.memory_space<vmem>>
      tpu.wait_dma2 semaphore(%run_scoped3A : memref<!tpu.dma_semaphore, #tpu.memory_space<semaphore_mem>>) src(%dma_wait3A_1339 : memref<32x128xf32, #tpu.memory_space<vmem>>) dst(%dma_wait3A_1336 : memref<32x128xf32, #tpu.memory_space<vmem_shared>>)
      tpu.yield
    }) : () -> ()
    %barrier3A = arith.constant 0 : index
    tpu.barrier barrier_id(%barrier3A)
    "tpu.region"() ({
      %run_scoped3A = tpu.sem_alloc : memref<!tpu.dma_semaphore, #tpu.memory_space<semaphore_mem>>
      %dma_start3A_1320 = tpu.memref_slice %arg2[%mul3A_2] : memref<4096xi32, #tpu.memory_space<hbm>> -> memref<128xi32, #tpu.memory_space<hbm>>
      %dma_start3A_1321 = tpu.memref_slice %arg2[%mul3A_2] : memref<4096xi32, #tpu.memory_space<hbm>> -> memref<128xi32, #tpu.memory_space<hbm>>
      tpu.enqueue_dma source(%dma_start3A_1321 : memref<128xi32, #tpu.memory_space<hbm>>) target(%arg6 : memref<128xi32, #tpu.memory_space<vmem>>) target_semaphore(%run_scoped3A : memref<!tpu.dma_semaphore, #tpu.memory_space<semaphore_mem>>)
      %dma_wait3A_1322 = tpu.memref_slice %arg2[%mul3A_2] : memref<4096xi32, #tpu.memory_space<hbm>> -> memref<128xi32, #tpu.memory_space<hbm>>
      %dma_wait3A_1323 = tpu.memref_slice %arg2[%mul3A_2] : memref<4096xi32, #tpu.memory_space<hbm>> -> memref<128xi32, #tpu.memory_space<hbm>>
      tpu.wait_dma2 semaphore(%run_scoped3A : memref<!tpu.dma_semaphore, #tpu.memory_space<semaphore_mem>>) src(%dma_wait3A_1323 : memref<128xi32, #tpu.memory_space<hbm>>) dst(%arg6 : memref<128xi32, #tpu.memory_space<vmem>>)
      tpu.yield
    }) : () -> ()
    "tpu.region"() ({
      %run_scoped3A = tpu.sem_alloc : memref<!tpu.dma_semaphore, #tpu.memory_space<semaphore_mem>>
      %dma_start3A_1320 = tpu.memref_slice %arg3[%mul3A_2] : memref<4096xi32, #tpu.memory_space<hbm>> -> memref<128xi32, #tpu.memory_space<hbm>>
      %dma_start3A_1321 = tpu.memref_slice %arg3[%mul3A_2] : memref<4096xi32, #tpu.memory_space<hbm>> -> memref<128xi32, #tpu.memory_space<hbm>>
      tpu.enqueue_dma source(%dma_start3A_1321 : memref<128xi32, #tpu.memory_space<hbm>>) target(%arg7 : memref<128xi32, #tpu.memory_space<vmem>>) target_semaphore(%run_scoped3A : memref<!tpu.dma_semaphore, #tpu.memory_space<semaphore_mem>>)
      %dma_wait3A_1322 = tpu.memref_slice %arg3[%mul3A_2] : memref<4096xi32, #tpu.memory_space<hbm>> -> memref<128xi32, #tpu.memory_space<hbm>>
      %dma_wait3A_1323 = tpu.memref_slice %arg3[%mul3A_2] : memref<4096xi32, #tpu.memory_space<hbm>> -> memref<128xi32, #tpu.memory_space<hbm>>
      tpu.wait_dma2 semaphore(%run_scoped3A : memref<!tpu.dma_semaphore, #tpu.memory_space<semaphore_mem>>) src(%dma_wait3A_1323 : memref<128xi32, #tpu.memory_space<hbm>>) dst(%arg7 : memref<128xi32, #tpu.memory_space<vmem>>)
      tpu.yield
    }) : () -> ()
    %get3A = arith.constant 0 : index
    %get3A_5 = tpu.vector_load %arg6[%get3A] {strides = array<i32>} : memref<128xi32, #tpu.memory_space<vmem>>, vector<16xi32>,
    %get3A_6 = vector.shape_cast %get3A_5 : vector<16xi32> to vector<16xi32>
    %get3A_7 = arith.constant 0 : index
    %get3A_8 = tpu.vector_load %arg7[%get3A_7] {strides = array<i32>} : memref<128xi32, #tpu.memory_space<vmem>>, vector<16xi32>,
    %get3A_9 = vector.shape_cast %get3A_8 : vector<16xi32> to vector<16xi32>
    %gt3A = arith.constant 0 : i32
    %gt3A_10 = vector.broadcast %gt3A : i32 to vector<16xi32>
    %gt3A_11 = arith.cmpi sgt, %get3A_6, %gt3A_10 : vector<16xi32>
    %sub3A = arith.constant 0 : i32
    %sub3A_12 = vector.broadcast %sub3A : i32 to vector<16xi32>
    %sub3A_13 = arith.subi %get3A_6, %sub3A_12 : vector<16xi32>
    %sub3A_14 = arith.constant 1 : i32
    %sub3A_15 = vector.broadcast %sub3A_14 : i32 to vector<16xi32>
    %sub3A_16 = arith.subi %sub3A_15, %get3A_6 : vector<16xi32>
    %select_n3A = arith.select %gt3A_11, %sub3A_13, %sub3A_16 : vector<16xi1>, vector<16xi32>
    %jit3A = arith.constant 0 : i32
    %jit3A_17 = arith.constant 201 : i32
    %broadcast_in_dim3A = vector.broadcast %jit3A : i32 to vector<16xi32>
    %broadcast_in_dim3A_18 = vector.broadcast %jit3A_17 : i32 to vector<16xi32>
    %select_n3A_19 = arith.select %gt3A_11, %broadcast_in_dim3A, %broadcast_in_dim3A_18 : vector<16xi1>, vector<16xi32>
    %add3A_20 = arith.addi %select_n3A, %select_n3A_19 : vector<16xi32>
    %add3A_21 = arith.constant 402 : i32
    %add3A_22 = arith.addi %add3A_21, %add3A : i32
    %jit3A_23 = arith.constant 0 : i32
    %jit3A_24 = arith.constant 32 : i32
    %broadcast_in_dim3A_25 = vector.broadcast %jit3A_23 : i32 to vector<16xi32>
    %broadcast_in_dim3A_26 = vector.broadcast %jit3A_24 : i32 to vector<16xi32>
    %select_n3A_27 = arith.select %gt3A_11, %broadcast_in_dim3A_25, %broadcast_in_dim3A_26 : vector<16xi1>, vector<16xi32>
    %add3A_28 = vector.broadcast %add3A_22 : i32 to vector<16xi32>
    %add3A_29 = arith.addi %add3A_28, %select_n3A_27 : vector<16xi32>
    %gt3A_30 = arith.constant 0 : i32
    %gt3A_31 = vector.broadcast %gt3A_30 : i32 to vector<16xi32>
    %gt3A_32 = arith.cmpi sgt, %get3A_9, %gt3A_31 : vector<16xi32>
    %select_n3A_33 = arith.select %gt3A_32, %add3A_20, %add3A_29 : vector<16xi1>, vector<16xi32>
    %swap3A = arith.constant 0 : index
    %swap3A_34 = tpu.vector_load %arg9[%swap3A] {strides = array<i32>} : memref<128xi32, #tpu.memory_space<vmem>>, vector<16xi32>,
    %swap3A_35 = vector.shape_cast %swap3A_34 : vector<16xi32> to vector<16xi32>
    %swap3A_36 = vector.shape_cast %select_n3A_33 : vector<16xi32> to vector<16xi32>
    tpu.vector_store %arg9[%swap3A], %swap3A_36 {strides = array<i32>} : memref<128xi32, #tpu.memory_space<vmem>>, vector<16xi32>,
    %get3A_37 = arith.constant 16 : index
    %get3A_38 = tpu.vector_load %arg6[%get3A_37] {strides = array<i32>} : memref<128xi32, #tpu.memory_space<vmem>>, vector<16xi32>,
    %get3A_39 = vector.shape_cast %get3A_38 : vector<16xi32> to vector<16xi32>
    %get3A_40 = arith.constant 16 : index
    %get3A_41 = tpu.vector_load %arg7[%get3A_40] {strides = array<i32>} : memref<128xi32, #tpu.memory_space<vmem>>, vector<16xi32>,
    %get3A_42 = vector.shape_cast %get3A_41 : vector<16xi32> to vector<16xi32>
    %gt3A_43 = arith.constant 0 : i32
    %gt3A_44 = vector.broadcast %gt3A_43 : i32 to vector<16xi32>
    %gt3A_45 = arith.cmpi sgt, %get3A_39, %gt3A_44 : vector<16xi32>
    %sub3A_46 = arith.constant 0 : i32
    %sub3A_47 = vector.broadcast %sub3A_46 : i32 to vector<16xi32>
    %sub3A_48 = arith.subi %get3A_39, %sub3A_47 : vector<16xi32>
    %sub3A_49 = arith.constant 1 : i32
    %sub3A_50 = vector.broadcast %sub3A_49 : i32 to vector<16xi32>
    %sub3A_51 = arith.subi %sub3A_50, %get3A_39 : vector<16xi32>
    %select_n3A_52 = arith.select %gt3A_45, %sub3A_48, %sub3A_51 : vector<16xi1>, vector<16xi32>
    %jit3A_53 = arith.constant 0 : i32
    %jit3A_54 = arith.constant 201 : i32
    %broadcast_in_dim3A_55 = vector.broadcast %jit3A_53 : i32 to vector<16xi32>
    %broadcast_in_dim3A_56 = vector.broadcast %jit3A_54 : i32 to vector<16xi32>
    %select_n3A_57 = arith.select %gt3A_45, %broadcast_in_dim3A_55, %broadcast_in_dim3A_56 : vector<16xi1>, vector<16xi32>
    %add3A_58 = arith.addi %select_n3A_52, %select_n3A_57 : vector<16xi32>
    %add3A_59 = arith.constant 402 : i32
    %add3A_60 = arith.addi %add3A_59, %add3A : i32
    %jit3A_61 = arith.constant 0 : i32
    %jit3A_62 = arith.constant 32 : i32
    %broadcast_in_dim3A_63 = vector.broadcast %jit3A_61 : i32 to vector<16xi32>
    %broadcast_in_dim3A_64 = vector.broadcast %jit3A_62 : i32 to vector<16xi32>
    %select_n3A_65 = arith.select %gt3A_45, %broadcast_in_dim3A_63, %broadcast_in_dim3A_64 : vector<16xi1>, vector<16xi32>
    %add3A_66 = vector.broadcast %add3A_60 : i32 to vector<16xi32>
    %add3A_67 = arith.addi %add3A_66, %select_n3A_65 : vector<16xi32>
    %gt3A_68 = arith.constant 0 : i32
    %gt3A_69 = vector.broadcast %gt3A_68 : i32 to vector<16xi32>
    %gt3A_70 = arith.cmpi sgt, %get3A_42, %gt3A_69 : vector<16xi32>
    %select_n3A_71 = arith.select %gt3A_70, %add3A_58, %add3A_67 : vector<16xi1>, vector<16xi32>
    %swap3A_72 = arith.constant 16 : index
    %swap3A_73 = tpu.vector_load %arg9[%swap3A_72] {strides = array<i32>} : memref<128xi32, #tpu.memory_space<vmem>>, vector<16xi32>,
    %swap3A_74 = vector.shape_cast %swap3A_73 : vector<16xi32> to vector<16xi32>
    %swap3A_75 = vector.shape_cast %select_n3A_71 : vector<16xi32> to vector<16xi32>
    tpu.vector_store %arg9[%swap3A_72], %swap3A_75 {strides = array<i32>} : memref<128xi32, #tpu.memory_space<vmem>>, vector<16xi32>,
    %get3A_76 = arith.constant 32 : index
    %get3A_77 = tpu.vector_load %arg6[%get3A_76] {strides = array<i32>} : memref<128xi32, #tpu.memory_space<vmem>>, vector<16xi32>,
    %get3A_78 = vector.shape_cast %get3A_77 : vector<16xi32> to vector<16xi32>
    %get3A_79 = arith.constant 32 : index
    %get3A_80 = tpu.vector_load %arg7[%get3A_79] {strides = array<i32>} : memref<128xi32, #tpu.memory_space<vmem>>, vector<16xi32>,
    %get3A_81 = vector.shape_cast %get3A_80 : vector<16xi32> to vector<16xi32>
    %gt3A_82 = arith.constant 0 : i32
    %gt3A_83 = vector.broadcast %gt3A_82 : i32 to vector<16xi32>
    %gt3A_84 = arith.cmpi sgt, %get3A_78, %gt3A_83 : vector<16xi32>
    %sub3A_85 = arith.constant 0 : i32
    %sub3A_86 = vector.broadcast %sub3A_85 : i32 to vector<16xi32>
    %sub3A_87 = arith.subi %get3A_78, %sub3A_86 : vector<16xi32>
    %sub3A_88 = arith.constant 1 : i32
    %sub3A_89 = vector.broadcast %sub3A_88 : i32 to vector<16xi32>
    %sub3A_90 = arith.subi %sub3A_89, %get3A_78 : vector<16xi32>
    %select_n3A_91 = arith.select %gt3A_84, %sub3A_87, %sub3A_90 : vector<16xi1>, vector<16xi32>
    %jit3A_92 = arith.constant 0 : i32
    %jit3A_93 = arith.constant 201 : i32
    %broadcast_in_dim3A_94 = vector.broadcast %jit3A_92 : i32 to vector<16xi32>
    %broadcast_in_dim3A_95 = vector.broadcast %jit3A_93 : i32 to vector<16xi32>
    %select_n3A_96 = arith.select %gt3A_84, %broadcast_in_dim3A_94, %broadcast_in_dim3A_95 : vector<16xi1>, vector<16xi32>
    %add3A_97 = arith.addi %select_n3A_91, %select_n3A_96 : vector<16xi32>
    %add3A_98 = arith.constant 402 : i32
    %add3A_99 = arith.addi %add3A_98, %add3A : i32
    %jit3A_100 = arith.constant 0 : i32
    %jit3A_101 = arith.constant 32 : i32
    %broadcast_in_dim3A_102 = vector.broadcast %jit3A_100 : i32 to vector<16xi32>
    %broadcast_in_dim3A_103 = vector.broadcast %jit3A_101 : i32 to vector<16xi32>
    %select_n3A_104 = arith.select %gt3A_84, %broadcast_in_dim3A_102, %broadcast_in_dim3A_103 : vector<16xi1>, vector<16xi32>
    %add3A_105 = vector.broadcast %add3A_99 : i32 to vector<16xi32>
    %add3A_106 = arith.addi %add3A_105, %select_n3A_104 : vector<16xi32>
    %gt3A_107 = arith.constant 0 : i32
    %gt3A_108 = vector.broadcast %gt3A_107 : i32 to vector<16xi32>
    %gt3A_109 = arith.cmpi sgt, %get3A_81, %gt3A_108 : vector<16xi32>
    %select_n3A_110 = arith.select %gt3A_109, %add3A_97, %add3A_106 : vector<16xi1>, vector<16xi32>
    %swap3A_111 = arith.constant 32 : index
    %swap3A_112 = tpu.vector_load %arg9[%swap3A_111] {strides = array<i32>} : memref<128xi32, #tpu.memory_space<vmem>>, vector<16xi32>,
    %swap3A_113 = vector.shape_cast %swap3A_112 : vector<16xi32> to vector<16xi32>
    %swap3A_114 = vector.shape_cast %select_n3A_110 : vector<16xi32> to vector<16xi32>
    tpu.vector_store %arg9[%swap3A_111], %swap3A_114 {strides = array<i32>} : memref<128xi32, #tpu.memory_space<vmem>>, vector<16xi32>,
    %get3A_115 = arith.constant 48 : index
    %get3A_116 = tpu.vector_load %arg6[%get3A_115] {strides = array<i32>} : memref<128xi32, #tpu.memory_space<vmem>>, vector<16xi32>,
    %get3A_117 = vector.shape_cast %get3A_116 : vector<16xi32> to vector<16xi32>
    %get3A_118 = arith.constant 48 : index
    %get3A_119 = tpu.vector_load %arg7[%get3A_118] {strides = array<i32>} : memref<128xi32, #tpu.memory_space<vmem>>, vector<16xi32>,
    %get3A_120 = vector.shape_cast %get3A_119 : vector<16xi32> to vector<16xi32>
    %gt3A_121 = arith.constant 0 : i32
    %gt3A_122 = vector.broadcast %gt3A_121 : i32 to vector<16xi32>
    %gt3A_123 = arith.cmpi sgt, %get3A_117, %gt3A_122 : vector<16xi32>
    %sub3A_124 = arith.constant 0 : i32
    %sub3A_125 = vector.broadcast %sub3A_124 : i32 to vector<16xi32>
    %sub3A_126 = arith.subi %get3A_117, %sub3A_125 : vector<16xi32>
    %sub3A_127 = arith.constant 1 : i32
    %sub3A_128 = vector.broadcast %sub3A_127 : i32 to vector<16xi32>
    %sub3A_129 = arith.subi %sub3A_128, %get3A_117 : vector<16xi32>
    %select_n3A_130 = arith.select %gt3A_123, %sub3A_126, %sub3A_129 : vector<16xi1>, vector<16xi32>
    %jit3A_131 = arith.constant 0 : i32
    %jit3A_132 = arith.constant 201 : i32
    %broadcast_in_dim3A_133 = vector.broadcast %jit3A_131 : i32 to vector<16xi32>
    %broadcast_in_dim3A_134 = vector.broadcast %jit3A_132 : i32 to vector<16xi32>
    %select_n3A_135 = arith.select %gt3A_123, %broadcast_in_dim3A_133, %broadcast_in_dim3A_134 : vector<16xi1>, vector<16xi32>
    %add3A_136 = arith.addi %select_n3A_130, %select_n3A_135 : vector<16xi32>
    %add3A_137 = arith.constant 402 : i32
    %add3A_138 = arith.addi %add3A_137, %add3A : i32
    %jit3A_139 = arith.constant 0 : i32
    %jit3A_140 = arith.constant 32 : i32
    %broadcast_in_dim3A_141 = vector.broadcast %jit3A_139 : i32 to vector<16xi32>
    %broadcast_in_dim3A_142 = vector.broadcast %jit3A_140 : i32 to vector<16xi32>
    %select_n3A_143 = arith.select %gt3A_123, %broadcast_in_dim3A_141, %broadcast_in_dim3A_142 : vector<16xi1>, vector<16xi32>
    %add3A_144 = vector.broadcast %add3A_138 : i32 to vector<16xi32>
    %add3A_145 = arith.addi %add3A_144, %select_n3A_143 : vector<16xi32>
    %gt3A_146 = arith.constant 0 : i32
    %gt3A_147 = vector.broadcast %gt3A_146 : i32 to vector<16xi32>
    %gt3A_148 = arith.cmpi sgt, %get3A_120, %gt3A_147 : vector<16xi32>
    %select_n3A_149 = arith.select %gt3A_148, %add3A_136, %add3A_145 : vector<16xi1>, vector<16xi32>
    %swap3A_150 = arith.constant 48 : index
    %swap3A_151 = tpu.vector_load %arg9[%swap3A_150] {strides = array<i32>} : memref<128xi32, #tpu.memory_space<vmem>>, vector<16xi32>,
    %swap3A_152 = vector.shape_cast %swap3A_151 : vector<16xi32> to vector<16xi32>
    %swap3A_153 = vector.shape_cast %select_n3A_149 : vector<16xi32> to vector<16xi32>
    tpu.vector_store %arg9[%swap3A_150], %swap3A_153 {strides = array<i32>} : memref<128xi32, #tpu.memory_space<vmem>>, vector<16xi32>,
    %get3A_154 = arith.constant 64 : index
    %get3A_155 = tpu.vector_load %arg6[%get3A_154] {strides = array<i32>} : memref<128xi32, #tpu.memory_space<vmem>>, vector<16xi32>,
    %get3A_156 = vector.shape_cast %get3A_155 : vector<16xi32> to vector<16xi32>
    %get3A_157 = arith.constant 64 : index
    %get3A_158 = tpu.vector_load %arg7[%get3A_157] {strides = array<i32>} : memref<128xi32, #tpu.memory_space<vmem>>, vector<16xi32>,
    %get3A_159 = vector.shape_cast %get3A_158 : vector<16xi32> to vector<16xi32>
    %gt3A_160 = arith.constant 0 : i32
    %gt3A_161 = vector.broadcast %gt3A_160 : i32 to vector<16xi32>
    %gt3A_162 = arith.cmpi sgt, %get3A_156, %gt3A_161 : vector<16xi32>
    %sub3A_163 = arith.constant 0 : i32
    %sub3A_164 = vector.broadcast %sub3A_163 : i32 to vector<16xi32>
    %sub3A_165 = arith.subi %get3A_156, %sub3A_164 : vector<16xi32>
    %sub3A_166 = arith.constant 1 : i32
    %sub3A_167 = vector.broadcast %sub3A_166 : i32 to vector<16xi32>
    %sub3A_168 = arith.subi %sub3A_167, %get3A_156 : vector<16xi32>
    %select_n3A_169 = arith.select %gt3A_162, %sub3A_165, %sub3A_168 : vector<16xi1>, vector<16xi32>
    %jit3A_170 = arith.constant 0 : i32
    %jit3A_171 = arith.constant 201 : i32
    %broadcast_in_dim3A_172 = vector.broadcast %jit3A_170 : i32 to vector<16xi32>
    %broadcast_in_dim3A_173 = vector.broadcast %jit3A_171 : i32 to vector<16xi32>
    %select_n3A_174 = arith.select %gt3A_162, %broadcast_in_dim3A_172, %broadcast_in_dim3A_173 : vector<16xi1>, vector<16xi32>
    %add3A_175 = arith.addi %select_n3A_169, %select_n3A_174 : vector<16xi32>
    %add3A_176 = arith.constant 402 : i32
    %add3A_177 = arith.addi %add3A_176, %add3A : i32
    %jit3A_178 = arith.constant 0 : i32
    %jit3A_179 = arith.constant 32 : i32
    %broadcast_in_dim3A_180 = vector.broadcast %jit3A_178 : i32 to vector<16xi32>
    %broadcast_in_dim3A_181 = vector.broadcast %jit3A_179 : i32 to vector<16xi32>
    %select_n3A_182 = arith.select %gt3A_162, %broadcast_in_dim3A_180, %broadcast_in_dim3A_181 : vector<16xi1>, vector<16xi32>
    %add3A_183 = vector.broadcast %add3A_177 : i32 to vector<16xi32>
    %add3A_184 = arith.addi %add3A_183, %select_n3A_182 : vector<16xi32>
    %gt3A_185 = arith.constant 0 : i32
    %gt3A_186 = vector.broadcast %gt3A_185 : i32 to vector<16xi32>
    %gt3A_187 = arith.cmpi sgt, %get3A_159, %gt3A_186 : vector<16xi32>
    %select_n3A_188 = arith.select %gt3A_187, %add3A_175, %add3A_184 : vector<16xi1>, vector<16xi32>
    %swap3A_189 = arith.constant 64 : index
    %swap3A_190 = tpu.vector_load %arg9[%swap3A_189] {strides = array<i32>} : memref<128xi32, #tpu.memory_space<vmem>>, vector<16xi32>,
    %swap3A_191 = vector.shape_cast %swap3A_190 : vector<16xi32> to vector<16xi32>
    %swap3A_192 = vector.shape_cast %select_n3A_188 : vector<16xi32> to vector<16xi32>
    tpu.vector_store %arg9[%swap3A_189], %swap3A_192 {strides = array<i32>} : memref<128xi32, #tpu.memory_space<vmem>>, vector<16xi32>,
    %get3A_193 = arith.constant 80 : index
    %get3A_194 = tpu.vector_load %arg6[%get3A_193] {strides = array<i32>} : memref<128xi32, #tpu.memory_space<vmem>>, vector<16xi32>,
    %get3A_195 = vector.shape_cast %get3A_194 : vector<16xi32> to vector<16xi32>
    %get3A_196 = arith.constant 80 : index
    %get3A_197 = tpu.vector_load %arg7[%get3A_196] {strides = array<i32>} : memref<128xi32, #tpu.memory_space<vmem>>, vector<16xi32>,
    %get3A_198 = vector.shape_cast %get3A_197 : vector<16xi32> to vector<16xi32>
    %gt3A_199 = arith.constant 0 : i32
    %gt3A_200 = vector.broadcast %gt3A_199 : i32 to vector<16xi32>
    %gt3A_201 = arith.cmpi sgt, %get3A_195, %gt3A_200 : vector<16xi32>
    %sub3A_202 = arith.constant 0 : i32
    %sub3A_203 = vector.broadcast %sub3A_202 : i32 to vector<16xi32>
    %sub3A_204 = arith.subi %get3A_195, %sub3A_203 : vector<16xi32>
    %sub3A_205 = arith.constant 1 : i32
    %sub3A_206 = vector.broadcast %sub3A_205 : i32 to vector<16xi32>
    %sub3A_207 = arith.subi %sub3A_206, %get3A_195 : vector<16xi32>
    %select_n3A_208 = arith.select %gt3A_201, %sub3A_204, %sub3A_207 : vector<16xi1>, vector<16xi32>
    %jit3A_209 = arith.constant 0 : i32
    %jit3A_210 = arith.constant 201 : i32
    %broadcast_in_dim3A_211 = vector.broadcast %jit3A_209 : i32 to vector<16xi32>
    %broadcast_in_dim3A_212 = vector.broadcast %jit3A_210 : i32 to vector<16xi32>
    %select_n3A_213 = arith.select %gt3A_201, %broadcast_in_dim3A_211, %broadcast_in_dim3A_212 : vector<16xi1>, vector<16xi32>
    %add3A_214 = arith.addi %select_n3A_208, %select_n3A_213 : vector<16xi32>
    %add3A_215 = arith.constant 402 : i32
    %add3A_216 = arith.addi %add3A_215, %add3A : i32
    %jit3A_217 = arith.constant 0 : i32
    %jit3A_218 = arith.constant 32 : i32
    %broadcast_in_dim3A_219 = vector.broadcast %jit3A_217 : i32 to vector<16xi32>
    %broadcast_in_dim3A_220 = vector.broadcast %jit3A_218 : i32 to vector<16xi32>
    %select_n3A_221 = arith.select %gt3A_201, %broadcast_in_dim3A_219, %broadcast_in_dim3A_220 : vector<16xi1>, vector<16xi32>
    %add3A_222 = vector.broadcast %add3A_216 : i32 to vector<16xi32>
    %add3A_223 = arith.addi %add3A_222, %select_n3A_221 : vector<16xi32>
    %gt3A_224 = arith.constant 0 : i32
    %gt3A_225 = vector.broadcast %gt3A_224 : i32 to vector<16xi32>
    %gt3A_226 = arith.cmpi sgt, %get3A_198, %gt3A_225 : vector<16xi32>
    %select_n3A_227 = arith.select %gt3A_226, %add3A_214, %add3A_223 : vector<16xi1>, vector<16xi32>
    %swap3A_228 = arith.constant 80 : index
    %swap3A_229 = tpu.vector_load %arg9[%swap3A_228] {strides = array<i32>} : memref<128xi32, #tpu.memory_space<vmem>>, vector<16xi32>,
    %swap3A_230 = vector.shape_cast %swap3A_229 : vector<16xi32> to vector<16xi32>
    %swap3A_231 = vector.shape_cast %select_n3A_227 : vector<16xi32> to vector<16xi32>
    tpu.vector_store %arg9[%swap3A_228], %swap3A_231 {strides = array<i32>} : memref<128xi32, #tpu.memory_space<vmem>>, vector<16xi32>,
    %get3A_232 = arith.constant 96 : index
    %get3A_233 = tpu.vector_load %arg6[%get3A_232] {strides = array<i32>} : memref<128xi32, #tpu.memory_space<vmem>>, vector<16xi32>,
    %get3A_234 = vector.shape_cast %get3A_233 : vector<16xi32> to vector<16xi32>
    %get3A_235 = arith.constant 96 : index
    %get3A_236 = tpu.vector_load %arg7[%get3A_235] {strides = array<i32>} : memref<128xi32, #tpu.memory_space<vmem>>, vector<16xi32>,
    %get3A_237 = vector.shape_cast %get3A_236 : vector<16xi32> to vector<16xi32>
    %gt3A_238 = arith.constant 0 : i32
    %gt3A_239 = vector.broadcast %gt3A_238 : i32 to vector<16xi32>
    %gt3A_240 = arith.cmpi sgt, %get3A_234, %gt3A_239 : vector<16xi32>
    %sub3A_241 = arith.constant 0 : i32
    %sub3A_242 = vector.broadcast %sub3A_241 : i32 to vector<16xi32>
    %sub3A_243 = arith.subi %get3A_234, %sub3A_242 : vector<16xi32>
    %sub3A_244 = arith.constant 1 : i32
    %sub3A_245 = vector.broadcast %sub3A_244 : i32 to vector<16xi32>
    %sub3A_246 = arith.subi %sub3A_245, %get3A_234 : vector<16xi32>
    %select_n3A_247 = arith.select %gt3A_240, %sub3A_243, %sub3A_246 : vector<16xi1>, vector<16xi32>
    %jit3A_248 = arith.constant 0 : i32
    %jit3A_249 = arith.constant 201 : i32
    %broadcast_in_dim3A_250 = vector.broadcast %jit3A_248 : i32 to vector<16xi32>
    %broadcast_in_dim3A_251 = vector.broadcast %jit3A_249 : i32 to vector<16xi32>
    %select_n3A_252 = arith.select %gt3A_240, %broadcast_in_dim3A_250, %broadcast_in_dim3A_251 : vector<16xi1>, vector<16xi32>
    %add3A_253 = arith.addi %select_n3A_247, %select_n3A_252 : vector<16xi32>
    %add3A_254 = arith.constant 402 : i32
    %add3A_255 = arith.addi %add3A_254, %add3A : i32
    %jit3A_256 = arith.constant 0 : i32
    %jit3A_257 = arith.constant 32 : i32
    %broadcast_in_dim3A_258 = vector.broadcast %jit3A_256 : i32 to vector<16xi32>
    %broadcast_in_dim3A_259 = vector.broadcast %jit3A_257 : i32 to vector<16xi32>
    %select_n3A_260 = arith.select %gt3A_240, %broadcast_in_dim3A_258, %broadcast_in_dim3A_259 : vector<16xi1>, vector<16xi32>
    %add3A_261 = vector.broadcast %add3A_255 : i32 to vector<16xi32>
    %add3A_262 = arith.addi %add3A_261, %select_n3A_260 : vector<16xi32>
    %gt3A_263 = arith.constant 0 : i32
    %gt3A_264 = vector.broadcast %gt3A_263 : i32 to vector<16xi32>
    %gt3A_265 = arith.cmpi sgt, %get3A_237, %gt3A_264 : vector<16xi32>
    %select_n3A_266 = arith.select %gt3A_265, %add3A_253, %add3A_262 : vector<16xi1>, vector<16xi32>
    %swap3A_267 = arith.constant 96 : index
    %swap3A_268 = tpu.vector_load %arg9[%swap3A_267] {strides = array<i32>} : memref<128xi32, #tpu.memory_space<vmem>>, vector<16xi32>,
    %swap3A_269 = vector.shape_cast %swap3A_268 : vector<16xi32> to vector<16xi32>
    %swap3A_270 = vector.shape_cast %select_n3A_266 : vector<16xi32> to vector<16xi32>
    tpu.vector_store %arg9[%swap3A_267], %swap3A_270 {strides = array<i32>} : memref<128xi32, #tpu.memory_space<vmem>>, vector<16xi32>,
    %get3A_271 = arith.constant 112 : index
    %get3A_272 = tpu.vector_load %arg6[%get3A_271] {strides = array<i32>} : memref<128xi32, #tpu.memory_space<vmem>>, vector<16xi32>,
    %get3A_273 = vector.shape_cast %get3A_272 : vector<16xi32> to vector<16xi32>
    %get3A_274 = arith.constant 112 : index
    %get3A_275 = tpu.vector_load %arg7[%get3A_274] {strides = array<i32>} : memref<128xi32, #tpu.memory_space<vmem>>, vector<16xi32>,
    %get3A_276 = vector.shape_cast %get3A_275 : vector<16xi32> to vector<16xi32>
    %gt3A_277 = arith.constant 0 : i32
    %gt3A_278 = vector.broadcast %gt3A_277 : i32 to vector<16xi32>
    %gt3A_279 = arith.cmpi sgt, %get3A_273, %gt3A_278 : vector<16xi32>
    %sub3A_280 = arith.constant 0 : i32
    %sub3A_281 = vector.broadcast %sub3A_280 : i32 to vector<16xi32>
    %sub3A_282 = arith.subi %get3A_273, %sub3A_281 : vector<16xi32>
    %sub3A_283 = arith.constant 1 : i32
    %sub3A_284 = vector.broadcast %sub3A_283 : i32 to vector<16xi32>
    %sub3A_285 = arith.subi %sub3A_284, %get3A_273 : vector<16xi32>
    %select_n3A_286 = arith.select %gt3A_279, %sub3A_282, %sub3A_285 : vector<16xi1>, vector<16xi32>
    %jit3A_287 = arith.constant 0 : i32
    %jit3A_288 = arith.constant 201 : i32
    %broadcast_in_dim3A_289 = vector.broadcast %jit3A_287 : i32 to vector<16xi32>
    %broadcast_in_dim3A_290 = vector.broadcast %jit3A_288 : i32 to vector<16xi32>
    %select_n3A_291 = arith.select %gt3A_279, %broadcast_in_dim3A_289, %broadcast_in_dim3A_290 : vector<16xi1>, vector<16xi32>
    %add3A_292 = arith.addi %select_n3A_286, %select_n3A_291 : vector<16xi32>
    %add3A_293 = arith.constant 402 : i32
    %add3A_294 = arith.addi %add3A_293, %add3A : i32
    %jit3A_295 = arith.constant 0 : i32
    %jit3A_296 = arith.constant 32 : i32
    %broadcast_in_dim3A_297 = vector.broadcast %jit3A_295 : i32 to vector<16xi32>
    %broadcast_in_dim3A_298 = vector.broadcast %jit3A_296 : i32 to vector<16xi32>
    %select_n3A_299 = arith.select %gt3A_279, %broadcast_in_dim3A_297, %broadcast_in_dim3A_298 : vector<16xi1>, vector<16xi32>
    %add3A_300 = vector.broadcast %add3A_294 : i32 to vector<16xi32>
    %add3A_301 = arith.addi %add3A_300, %select_n3A_299 : vector<16xi32>
    %gt3A_302 = arith.constant 0 : i32
    %gt3A_303 = vector.broadcast %gt3A_302 : i32 to vector<16xi32>
    %gt3A_304 = arith.cmpi sgt, %get3A_276, %gt3A_303 : vector<16xi32>
    %select_n3A_305 = arith.select %gt3A_304, %add3A_292, %add3A_301 : vector<16xi1>, vector<16xi32>
    %swap3A_306 = arith.constant 112 : index
    %swap3A_307 = tpu.vector_load %arg9[%swap3A_306] {strides = array<i32>} : memref<128xi32, #tpu.memory_space<vmem>>, vector<16xi32>,
    %swap3A_308 = vector.shape_cast %swap3A_307 : vector<16xi32> to vector<16xi32>
    %swap3A_309 = vector.shape_cast %select_n3A_305 : vector<16xi32> to vector<16xi32>
    tpu.vector_store %arg9[%swap3A_306], %swap3A_309 {strides = array<i32>} : memref<128xi32, #tpu.memory_space<vmem>>, vector<16xi32>,
    %dma_start3A = arith.constant 0 : i32
    %dma_start3A_310 = arith.constant 0 : i32
    %dma_start3A_311 = tpu.memref_slice %arg8[%dma_start3A, %dma_start3A_310] : memref<512x128xf32, #tpu.memory_space<vmem_shared>> -> memref<512x128xf32, #tpu.memory_space<vmem_shared>>
    tpu.enqueue_indirect_dma source(%dma_start3A_311 : memref<512x128xf32, #tpu.memory_space<vmem_shared>>) target(%arg13 : memref<128x128xf32, #tpu.memory_space<vmem>>) offsets(%arg9 : memref<128xi32, #tpu.memory_space<vmem>>) semaphore(%arg17 : memref<!tpu.dma_semaphore, #tpu.memory_space<semaphore_mem>>)
    %get3A_312 = arith.constant 0 : index
    %get3A_313 = tpu.vector_load %arg6[%get3A_312] {strides = array<i32>} : memref<128xi32, #tpu.memory_space<vmem>>, vector<16xi32>,
    %get3A_314 = vector.shape_cast %get3A_313 : vector<16xi32> to vector<16xi32>
    %get3A_315 = arith.constant 0 : index
    %get3A_316 = tpu.vector_load %arg7[%get3A_315] {strides = array<i32>} : memref<128xi32, #tpu.memory_space<vmem>>, vector<16xi32>,
    %get3A_317 = vector.shape_cast %get3A_316 : vector<16xi32> to vector<16xi32>
    %gt3A_318 = arith.constant 1 : i32
    %gt3A_319 = vector.broadcast %gt3A_318 : i32 to vector<16xi32>
    %gt3A_320 = arith.cmpi sgt, %get3A_314, %gt3A_319 : vector<16xi32>
    %sub3A_321 = arith.constant 1 : i32
    %sub3A_322 = vector.broadcast %sub3A_321 : i32 to vector<16xi32>
    %sub3A_323 = arith.subi %get3A_314, %sub3A_322 : vector<16xi32>
    %sub3A_324 = arith.constant 2 : i32
    %sub3A_325 = vector.broadcast %sub3A_324 : i32 to vector<16xi32>
    %sub3A_326 = arith.subi %sub3A_325, %get3A_314 : vector<16xi32>
    %select_n3A_327 = arith.select %gt3A_320, %sub3A_323, %sub3A_326 : vector<16xi1>, vector<16xi32>
    %jit3A_328 = arith.constant 0 : i32
    %jit3A_329 = arith.constant 201 : i32
    %broadcast_in_dim3A_330 = vector.broadcast %jit3A_328 : i32 to vector<16xi32>
    %broadcast_in_dim3A_331 = vector.broadcast %jit3A_329 : i32 to vector<16xi32>
    %select_n3A_332 = arith.select %gt3A_320, %broadcast_in_dim3A_330, %broadcast_in_dim3A_331 : vector<16xi1>, vector<16xi32>
    %add3A_333 = arith.addi %select_n3A_327, %select_n3A_332 : vector<16xi32>
    %add3A_334 = arith.constant 402 : i32
    %add3A_335 = arith.addi %add3A_334, %add3A : i32
    %jit3A_336 = arith.constant 0 : i32
    %jit3A_337 = arith.constant 32 : i32
    %broadcast_in_dim3A_338 = vector.broadcast %jit3A_336 : i32 to vector<16xi32>
    %broadcast_in_dim3A_339 = vector.broadcast %jit3A_337 : i32 to vector<16xi32>
    %select_n3A_340 = arith.select %gt3A_320, %broadcast_in_dim3A_338, %broadcast_in_dim3A_339 : vector<16xi1>, vector<16xi32>
    %add3A_341 = vector.broadcast %add3A_335 : i32 to vector<16xi32>
    %add3A_342 = arith.addi %add3A_341, %select_n3A_340 : vector<16xi32>
    %gt3A_343 = arith.constant 1 : i32
    %gt3A_344 = vector.broadcast %gt3A_343 : i32 to vector<16xi32>
    %gt3A_345 = arith.cmpi sgt, %get3A_317, %gt3A_344 : vector<16xi32>
    %select_n3A_346 = arith.select %gt3A_345, %add3A_333, %add3A_342 : vector<16xi1>, vector<16xi32>
    %swap3A_347 = arith.constant 0 : index
    %swap3A_348 = tpu.vector_load %arg10[%swap3A_347] {strides = array<i32>} : memref<128xi32, #tpu.memory_space<vmem>>, vector<16xi32>,
    %swap3A_349 = vector.shape_cast %swap3A_348 : vector<16xi32> to vector<16xi32>
    %swap3A_350 = vector.shape_cast %select_n3A_346 : vector<16xi32> to vector<16xi32>
    tpu.vector_store %arg10[%swap3A_347], %swap3A_350 {strides = array<i32>} : memref<128xi32, #tpu.memory_space<vmem>>, vector<16xi32>,
    %get3A_351 = arith.constant 16 : index
    %get3A_352 = tpu.vector_load %arg6[%get3A_351] {strides = array<i32>} : memref<128xi32, #tpu.memory_space<vmem>>, vector<16xi32>,
    %get3A_353 = vector.shape_cast %get3A_352 : vector<16xi32> to vector<16xi32>
    %get3A_354 = arith.constant 16 : index
    %get3A_355 = tpu.vector_load %arg7[%get3A_354] {strides = array<i32>} : memref<128xi32, #tpu.memory_space<vmem>>, vector<16xi32>,
    %get3A_356 = vector.shape_cast %get3A_355 : vector<16xi32> to vector<16xi32>
    %gt3A_357 = arith.constant 1 : i32
    %gt3A_358 = vector.broadcast %gt3A_357 : i32 to vector<16xi32>
    %gt3A_359 = arith.cmpi sgt, %get3A_353, %gt3A_358 : vector<16xi32>
    %sub3A_360 = arith.constant 1 : i32
    %sub3A_361 = vector.broadcast %sub3A_360 : i32 to vector<16xi32>
    %sub3A_362 = arith.subi %get3A_353, %sub3A_361 : vector<16xi32>
    %sub3A_363 = arith.constant 2 : i32
    %sub3A_364 = vector.broadcast %sub3A_363 : i32 to vector<16xi32>
    %sub3A_365 = arith.subi %sub3A_364, %get3A_353 : vector<16xi32>
    %select_n3A_366 = arith.select %gt3A_359, %sub3A_362, %sub3A_365 : vector<16xi1>, vector<16xi32>
    %jit3A_367 = arith.constant 0 : i32
    %jit3A_368 = arith.constant 201 : i32
    %broadcast_in_dim3A_369 = vector.broadcast %jit3A_367 : i32 to vector<16xi32>
    %broadcast_in_dim3A_370 = vector.broadcast %jit3A_368 : i32 to vector<16xi32>
    %select_n3A_371 = arith.select %gt3A_359, %broadcast_in_dim3A_369, %broadcast_in_dim3A_370 : vector<16xi1>, vector<16xi32>
    %add3A_372 = arith.addi %select_n3A_366, %select_n3A_371 : vector<16xi32>
    %add3A_373 = arith.constant 402 : i32
    %add3A_374 = arith.addi %add3A_373, %add3A : i32
    %jit3A_375 = arith.constant 0 : i32
    %jit3A_376 = arith.constant 32 : i32
    %broadcast_in_dim3A_377 = vector.broadcast %jit3A_375 : i32 to vector<16xi32>
    %broadcast_in_dim3A_378 = vector.broadcast %jit3A_376 : i32 to vector<16xi32>
    %select_n3A_379 = arith.select %gt3A_359, %broadcast_in_dim3A_377, %broadcast_in_dim3A_378 : vector<16xi1>, vector<16xi32>
    %add3A_380 = vector.broadcast %add3A_374 : i32 to vector<16xi32>
    %add3A_381 = arith.addi %add3A_380, %select_n3A_379 : vector<16xi32>
    %gt3A_382 = arith.constant 1 : i32
    %gt3A_383 = vector.broadcast %gt3A_382 : i32 to vector<16xi32>
    %gt3A_384 = arith.cmpi sgt, %get3A_356, %gt3A_383 : vector<16xi32>
    %select_n3A_385 = arith.select %gt3A_384, %add3A_372, %add3A_381 : vector<16xi1>, vector<16xi32>
    %swap3A_386 = arith.constant 16 : index
    %swap3A_387 = tpu.vector_load %arg10[%swap3A_386] {strides = array<i32>} : memref<128xi32, #tpu.memory_space<vmem>>, vector<16xi32>,
    %swap3A_388 = vector.shape_cast %swap3A_387 : vector<16xi32> to vector<16xi32>
    %swap3A_389 = vector.shape_cast %select_n3A_385 : vector<16xi32> to vector<16xi32>
    tpu.vector_store %arg10[%swap3A_386], %swap3A_389 {strides = array<i32>} : memref<128xi32, #tpu.memory_space<vmem>>, vector<16xi32>,
    %get3A_390 = arith.constant 32 : index
    %get3A_391 = tpu.vector_load %arg6[%get3A_390] {strides = array<i32>} : memref<128xi32, #tpu.memory_space<vmem>>, vector<16xi32>,
    %get3A_392 = vector.shape_cast %get3A_391 : vector<16xi32> to vector<16xi32>
    %get3A_393 = arith.constant 32 : index
    %get3A_394 = tpu.vector_load %arg7[%get3A_393] {strides = array<i32>} : memref<128xi32, #tpu.memory_space<vmem>>, vector<16xi32>,
    %get3A_395 = vector.shape_cast %get3A_394 : vector<16xi32> to vector<16xi32>
    %gt3A_396 = arith.constant 1 : i32
    %gt3A_397 = vector.broadcast %gt3A_396 : i32 to vector<16xi32>
    %gt3A_398 = arith.cmpi sgt, %get3A_392, %gt3A_397 : vector<16xi32>
    %sub3A_399 = arith.constant 1 : i32
    %sub3A_400 = vector.broadcast %sub3A_399 : i32 to vector<16xi32>
    %sub3A_401 = arith.subi %get3A_392, %sub3A_400 : vector<16xi32>
    %sub3A_402 = arith.constant 2 : i32
    %sub3A_403 = vector.broadcast %sub3A_402 : i32 to vector<16xi32>
    %sub3A_404 = arith.subi %sub3A_403, %get3A_392 : vector<16xi32>
    %select_n3A_405 = arith.select %gt3A_398, %sub3A_401, %sub3A_404 : vector<16xi1>, vector<16xi32>
    %jit3A_406 = arith.constant 0 : i32
    %jit3A_407 = arith.constant 201 : i32
    %broadcast_in_dim3A_408 = vector.broadcast %jit3A_406 : i32 to vector<16xi32>
    %broadcast_in_dim3A_409 = vector.broadcast %jit3A_407 : i32 to vector<16xi32>
    %select_n3A_410 = arith.select %gt3A_398, %broadcast_in_dim3A_408, %broadcast_in_dim3A_409 : vector<16xi1>, vector<16xi32>
    %add3A_411 = arith.addi %select_n3A_405, %select_n3A_410 : vector<16xi32>
    %add3A_412 = arith.constant 402 : i32
    %add3A_413 = arith.addi %add3A_412, %add3A : i32
    %jit3A_414 = arith.constant 0 : i32
    %jit3A_415 = arith.constant 32 : i32
    %broadcast_in_dim3A_416 = vector.broadcast %jit3A_414 : i32 to vector<16xi32>
    %broadcast_in_dim3A_417 = vector.broadcast %jit3A_415 : i32 to vector<16xi32>
    %select_n3A_418 = arith.select %gt3A_398, %broadcast_in_dim3A_416, %broadcast_in_dim3A_417 : vector<16xi1>, vector<16xi32>
    %add3A_419 = vector.broadcast %add3A_413 : i32 to vector<16xi32>
    %add3A_420 = arith.addi %add3A_419, %select_n3A_418 : vector<16xi32>
    %gt3A_421 = arith.constant 1 : i32
    %gt3A_422 = vector.broadcast %gt3A_421 : i32 to vector<16xi32>
    %gt3A_423 = arith.cmpi sgt, %get3A_395, %gt3A_422 : vector<16xi32>
    %select_n3A_424 = arith.select %gt3A_423, %add3A_411, %add3A_420 : vector<16xi1>, vector<16xi32>
    %swap3A_425 = arith.constant 32 : index
    %swap3A_426 = tpu.vector_load %arg10[%swap3A_425] {strides = array<i32>} : memref<128xi32, #tpu.memory_space<vmem>>, vector<16xi32>,
    %swap3A_427 = vector.shape_cast %swap3A_426 : vector<16xi32> to vector<16xi32>
    %swap3A_428 = vector.shape_cast %select_n3A_424 : vector<16xi32> to vector<16xi32>
    tpu.vector_store %arg10[%swap3A_425], %swap3A_428 {strides = array<i32>} : memref<128xi32, #tpu.memory_space<vmem>>, vector<16xi32>,
    %get3A_429 = arith.constant 48 : index
    %get3A_430 = tpu.vector_load %arg6[%get3A_429] {strides = array<i32>} : memref<128xi32, #tpu.memory_space<vmem>>, vector<16xi32>,
    %get3A_431 = vector.shape_cast %get3A_430 : vector<16xi32> to vector<16xi32>
    %get3A_432 = arith.constant 48 : index
    %get3A_433 = tpu.vector_load %arg7[%get3A_432] {strides = array<i32>} : memref<128xi32, #tpu.memory_space<vmem>>, vector<16xi32>,
    %get3A_434 = vector.shape_cast %get3A_433 : vector<16xi32> to vector<16xi32>
    %gt3A_435 = arith.constant 1 : i32
    %gt3A_436 = vector.broadcast %gt3A_435 : i32 to vector<16xi32>
    %gt3A_437 = arith.cmpi sgt, %get3A_431, %gt3A_436 : vector<16xi32>
    %sub3A_438 = arith.constant 1 : i32
    %sub3A_439 = vector.broadcast %sub3A_438 : i32 to vector<16xi32>
    %sub3A_440 = arith.subi %get3A_431, %sub3A_439 : vector<16xi32>
    %sub3A_441 = arith.constant 2 : i32
    %sub3A_442 = vector.broadcast %sub3A_441 : i32 to vector<16xi32>
    %sub3A_443 = arith.subi %sub3A_442, %get3A_431 : vector<16xi32>
    %select_n3A_444 = arith.select %gt3A_437, %sub3A_440, %sub3A_443 : vector<16xi1>, vector<16xi32>
    %jit3A_445 = arith.constant 0 : i32
    %jit3A_446 = arith.constant 201 : i32
    %broadcast_in_dim3A_447 = vector.broadcast %jit3A_445 : i32 to vector<16xi32>
    %broadcast_in_dim3A_448 = vector.broadcast %jit3A_446 : i32 to vector<16xi32>
    %select_n3A_449 = arith.select %gt3A_437, %broadcast_in_dim3A_447, %broadcast_in_dim3A_448 : vector<16xi1>, vector<16xi32>
    %add3A_450 = arith.addi %select_n3A_444, %select_n3A_449 : vector<16xi32>
    %add3A_451 = arith.constant 402 : i32
    %add3A_452 = arith.addi %add3A_451, %add3A : i32
    %jit3A_453 = arith.constant 0 : i32
    %jit3A_454 = arith.constant 32 : i32
    %broadcast_in_dim3A_455 = vector.broadcast %jit3A_453 : i32 to vector<16xi32>
    %broadcast_in_dim3A_456 = vector.broadcast %jit3A_454 : i32 to vector<16xi32>
    %select_n3A_457 = arith.select %gt3A_437, %broadcast_in_dim3A_455, %broadcast_in_dim3A_456 : vector<16xi1>, vector<16xi32>
    %add3A_458 = vector.broadcast %add3A_452 : i32 to vector<16xi32>
    %add3A_459 = arith.addi %add3A_458, %select_n3A_457 : vector<16xi32>
    %gt3A_460 = arith.constant 1 : i32
    %gt3A_461 = vector.broadcast %gt3A_460 : i32 to vector<16xi32>
    %gt3A_462 = arith.cmpi sgt, %get3A_434, %gt3A_461 : vector<16xi32>
    %select_n3A_463 = arith.select %gt3A_462, %add3A_450, %add3A_459 : vector<16xi1>, vector<16xi32>
    %swap3A_464 = arith.constant 48 : index
    %swap3A_465 = tpu.vector_load %arg10[%swap3A_464] {strides = array<i32>} : memref<128xi32, #tpu.memory_space<vmem>>, vector<16xi32>,
    %swap3A_466 = vector.shape_cast %swap3A_465 : vector<16xi32> to vector<16xi32>
    %swap3A_467 = vector.shape_cast %select_n3A_463 : vector<16xi32> to vector<16xi32>
    tpu.vector_store %arg10[%swap3A_464], %swap3A_467 {strides = array<i32>} : memref<128xi32, #tpu.memory_space<vmem>>, vector<16xi32>,
    %get3A_468 = arith.constant 64 : index
    %get3A_469 = tpu.vector_load %arg6[%get3A_468] {strides = array<i32>} : memref<128xi32, #tpu.memory_space<vmem>>, vector<16xi32>,
    %get3A_470 = vector.shape_cast %get3A_469 : vector<16xi32> to vector<16xi32>
    %get3A_471 = arith.constant 64 : index
    %get3A_472 = tpu.vector_load %arg7[%get3A_471] {strides = array<i32>} : memref<128xi32, #tpu.memory_space<vmem>>, vector<16xi32>,
    %get3A_473 = vector.shape_cast %get3A_472 : vector<16xi32> to vector<16xi32>
    %gt3A_474 = arith.constant 1 : i32
    %gt3A_475 = vector.broadcast %gt3A_474 : i32 to vector<16xi32>
    %gt3A_476 = arith.cmpi sgt, %get3A_470, %gt3A_475 : vector<16xi32>
    %sub3A_477 = arith.constant 1 : i32
    %sub3A_478 = vector.broadcast %sub3A_477 : i32 to vector<16xi32>
    %sub3A_479 = arith.subi %get3A_470, %sub3A_478 : vector<16xi32>
    %sub3A_480 = arith.constant 2 : i32
    %sub3A_481 = vector.broadcast %sub3A_480 : i32 to vector<16xi32>
    %sub3A_482 = arith.subi %sub3A_481, %get3A_470 : vector<16xi32>
    %select_n3A_483 = arith.select %gt3A_476, %sub3A_479, %sub3A_482 : vector<16xi1>, vector<16xi32>
    %jit3A_484 = arith.constant 0 : i32
    %jit3A_485 = arith.constant 201 : i32
    %broadcast_in_dim3A_486 = vector.broadcast %jit3A_484 : i32 to vector<16xi32>
    %broadcast_in_dim3A_487 = vector.broadcast %jit3A_485 : i32 to vector<16xi32>
    %select_n3A_488 = arith.select %gt3A_476, %broadcast_in_dim3A_486, %broadcast_in_dim3A_487 : vector<16xi1>, vector<16xi32>
    %add3A_489 = arith.addi %select_n3A_483, %select_n3A_488 : vector<16xi32>
    %add3A_490 = arith.constant 402 : i32
    %add3A_491 = arith.addi %add3A_490, %add3A : i32
    %jit3A_492 = arith.constant 0 : i32
    %jit3A_493 = arith.constant 32 : i32
    %broadcast_in_dim3A_494 = vector.broadcast %jit3A_492 : i32 to vector<16xi32>
    %broadcast_in_dim3A_495 = vector.broadcast %jit3A_493 : i32 to vector<16xi32>
    %select_n3A_496 = arith.select %gt3A_476, %broadcast_in_dim3A_494, %broadcast_in_dim3A_495 : vector<16xi1>, vector<16xi32>
    %add3A_497 = vector.broadcast %add3A_491 : i32 to vector<16xi32>
    %add3A_498 = arith.addi %add3A_497, %select_n3A_496 : vector<16xi32>
    %gt3A_499 = arith.constant 1 : i32
    %gt3A_500 = vector.broadcast %gt3A_499 : i32 to vector<16xi32>
    %gt3A_501 = arith.cmpi sgt, %get3A_473, %gt3A_500 : vector<16xi32>
    %select_n3A_502 = arith.select %gt3A_501, %add3A_489, %add3A_498 : vector<16xi1>, vector<16xi32>
    %swap3A_503 = arith.constant 64 : index
    %swap3A_504 = tpu.vector_load %arg10[%swap3A_503] {strides = array<i32>} : memref<128xi32, #tpu.memory_space<vmem>>, vector<16xi32>,
    %swap3A_505 = vector.shape_cast %swap3A_504 : vector<16xi32> to vector<16xi32>
    %swap3A_506 = vector.shape_cast %select_n3A_502 : vector<16xi32> to vector<16xi32>
    tpu.vector_store %arg10[%swap3A_503], %swap3A_506 {strides = array<i32>} : memref<128xi32, #tpu.memory_space<vmem>>, vector<16xi32>,
    %get3A_507 = arith.constant 80 : index
    %get3A_508 = tpu.vector_load %arg6[%get3A_507] {strides = array<i32>} : memref<128xi32, #tpu.memory_space<vmem>>, vector<16xi32>,
    %get3A_509 = vector.shape_cast %get3A_508 : vector<16xi32> to vector<16xi32>
    %get3A_510 = arith.constant 80 : index
    %get3A_511 = tpu.vector_load %arg7[%get3A_510] {strides = array<i32>} : memref<128xi32, #tpu.memory_space<vmem>>, vector<16xi32>,
    %get3A_512 = vector.shape_cast %get3A_511 : vector<16xi32> to vector<16xi32>
    %gt3A_513 = arith.constant 1 : i32
    %gt3A_514 = vector.broadcast %gt3A_513 : i32 to vector<16xi32>
    %gt3A_515 = arith.cmpi sgt, %get3A_509, %gt3A_514 : vector<16xi32>
    %sub3A_516 = arith.constant 1 : i32
    %sub3A_517 = vector.broadcast %sub3A_516 : i32 to vector<16xi32>
    %sub3A_518 = arith.subi %get3A_509, %sub3A_517 : vector<16xi32>
    %sub3A_519 = arith.constant 2 : i32
    %sub3A_520 = vector.broadcast %sub3A_519 : i32 to vector<16xi32>
    %sub3A_521 = arith.subi %sub3A_520, %get3A_509 : vector<16xi32>
    %select_n3A_522 = arith.select %gt3A_515, %sub3A_518, %sub3A_521 : vector<16xi1>, vector<16xi32>
    %jit3A_523 = arith.constant 0 : i32
    %jit3A_524 = arith.constant 201 : i32
    %broadcast_in_dim3A_525 = vector.broadcast %jit3A_523 : i32 to vector<16xi32>
    %broadcast_in_dim3A_526 = vector.broadcast %jit3A_524 : i32 to vector<16xi32>
    %select_n3A_527 = arith.select %gt3A_515, %broadcast_in_dim3A_525, %broadcast_in_dim3A_526 : vector<16xi1>, vector<16xi32>
    %add3A_528 = arith.addi %select_n3A_522, %select_n3A_527 : vector<16xi32>
    %add3A_529 = arith.constant 402 : i32
    %add3A_530 = arith.addi %add3A_529, %add3A : i32
    %jit3A_531 = arith.constant 0 : i32
    %jit3A_532 = arith.constant 32 : i32
    %broadcast_in_dim3A_533 = vector.broadcast %jit3A_531 : i32 to vector<16xi32>
    %broadcast_in_dim3A_534 = vector.broadcast %jit3A_532 : i32 to vector<16xi32>
    %select_n3A_535 = arith.select %gt3A_515, %broadcast_in_dim3A_533, %broadcast_in_dim3A_534 : vector<16xi1>, vector<16xi32>
    %add3A_536 = vector.broadcast %add3A_530 : i32 to vector<16xi32>
    %add3A_537 = arith.addi %add3A_536, %select_n3A_535 : vector<16xi32>
    %gt3A_538 = arith.constant 1 : i32
    %gt3A_539 = vector.broadcast %gt3A_538 : i32 to vector<16xi32>
    %gt3A_540 = arith.cmpi sgt, %get3A_512, %gt3A_539 : vector<16xi32>
    %select_n3A_541 = arith.select %gt3A_540, %add3A_528, %add3A_537 : vector<16xi1>, vector<16xi32>
    %swap3A_542 = arith.constant 80 : index
    %swap3A_543 = tpu.vector_load %arg10[%swap3A_542] {strides = array<i32>} : memref<128xi32, #tpu.memory_space<vmem>>, vector<16xi32>,
    %swap3A_544 = vector.shape_cast %swap3A_543 : vector<16xi32> to vector<16xi32>
    %swap3A_545 = vector.shape_cast %select_n3A_541 : vector<16xi32> to vector<16xi32>
    tpu.vector_store %arg10[%swap3A_542], %swap3A_545 {strides = array<i32>} : memref<128xi32, #tpu.memory_space<vmem>>, vector<16xi32>,
    %get3A_546 = arith.constant 96 : index
    %get3A_547 = tpu.vector_load %arg6[%get3A_546] {strides = array<i32>} : memref<128xi32, #tpu.memory_space<vmem>>, vector<16xi32>,
    %get3A_548 = vector.shape_cast %get3A_547 : vector<16xi32> to vector<16xi32>
    %get3A_549 = arith.constant 96 : index
    %get3A_550 = tpu.vector_load %arg7[%get3A_549] {strides = array<i32>} : memref<128xi32, #tpu.memory_space<vmem>>, vector<16xi32>,
    %get3A_551 = vector.shape_cast %get3A_550 : vector<16xi32> to vector<16xi32>
    %gt3A_552 = arith.constant 1 : i32
    %gt3A_553 = vector.broadcast %gt3A_552 : i32 to vector<16xi32>
    %gt3A_554 = arith.cmpi sgt, %get3A_548, %gt3A_553 : vector<16xi32>
    %sub3A_555 = arith.constant 1 : i32
    %sub3A_556 = vector.broadcast %sub3A_555 : i32 to vector<16xi32>
    %sub3A_557 = arith.subi %get3A_548, %sub3A_556 : vector<16xi32>
    %sub3A_558 = arith.constant 2 : i32
    %sub3A_559 = vector.broadcast %sub3A_558 : i32 to vector<16xi32>
    %sub3A_560 = arith.subi %sub3A_559, %get3A_548 : vector<16xi32>
    %select_n3A_561 = arith.select %gt3A_554, %sub3A_557, %sub3A_560 : vector<16xi1>, vector<16xi32>
    %jit3A_562 = arith.constant 0 : i32
    %jit3A_563 = arith.constant 201 : i32
    %broadcast_in_dim3A_564 = vector.broadcast %jit3A_562 : i32 to vector<16xi32>
    %broadcast_in_dim3A_565 = vector.broadcast %jit3A_563 : i32 to vector<16xi32>
    %select_n3A_566 = arith.select %gt3A_554, %broadcast_in_dim3A_564, %broadcast_in_dim3A_565 : vector<16xi1>, vector<16xi32>
    %add3A_567 = arith.addi %select_n3A_561, %select_n3A_566 : vector<16xi32>
    %add3A_568 = arith.constant 402 : i32
    %add3A_569 = arith.addi %add3A_568, %add3A : i32
    %jit3A_570 = arith.constant 0 : i32
    %jit3A_571 = arith.constant 32 : i32
    %broadcast_in_dim3A_572 = vector.broadcast %jit3A_570 : i32 to vector<16xi32>
    %broadcast_in_dim3A_573 = vector.broadcast %jit3A_571 : i32 to vector<16xi32>
    %select_n3A_574 = arith.select %gt3A_554, %broadcast_in_dim3A_572, %broadcast_in_dim3A_573 : vector<16xi1>, vector<16xi32>
    %add3A_575 = vector.broadcast %add3A_569 : i32 to vector<16xi32>
    %add3A_576 = arith.addi %add3A_575, %select_n3A_574 : vector<16xi32>
    %gt3A_577 = arith.constant 1 : i32
    %gt3A_578 = vector.broadcast %gt3A_577 : i32 to vector<16xi32>
    %gt3A_579 = arith.cmpi sgt, %get3A_551, %gt3A_578 : vector<16xi32>
    %select_n3A_580 = arith.select %gt3A_579, %add3A_567, %add3A_576 : vector<16xi1>, vector<16xi32>
    %swap3A_581 = arith.constant 96 : index
    %swap3A_582 = tpu.vector_load %arg10[%swap3A_581] {strides = array<i32>} : memref<128xi32, #tpu.memory_space<vmem>>, vector<16xi32>,
    %swap3A_583 = vector.shape_cast %swap3A_582 : vector<16xi32> to vector<16xi32>
    %swap3A_584 = vector.shape_cast %select_n3A_580 : vector<16xi32> to vector<16xi32>
    tpu.vector_store %arg10[%swap3A_581], %swap3A_584 {strides = array<i32>} : memref<128xi32, #tpu.memory_space<vmem>>, vector<16xi32>,
    %get3A_585 = arith.constant 112 : index
    %get3A_586 = tpu.vector_load %arg6[%get3A_585] {strides = array<i32>} : memref<128xi32, #tpu.memory_space<vmem>>, vector<16xi32>,
    %get3A_587 = vector.shape_cast %get3A_586 : vector<16xi32> to vector<16xi32>
    %get3A_588 = arith.constant 112 : index
    %get3A_589 = tpu.vector_load %arg7[%get3A_588] {strides = array<i32>} : memref<128xi32, #tpu.memory_space<vmem>>, vector<16xi32>,
    %get3A_590 = vector.shape_cast %get3A_589 : vector<16xi32> to vector<16xi32>
    %gt3A_591 = arith.constant 1 : i32
    %gt3A_592 = vector.broadcast %gt3A_591 : i32 to vector<16xi32>
    %gt3A_593 = arith.cmpi sgt, %get3A_587, %gt3A_592 : vector<16xi32>
    %sub3A_594 = arith.constant 1 : i32
    %sub3A_595 = vector.broadcast %sub3A_594 : i32 to vector<16xi32>
    %sub3A_596 = arith.subi %get3A_587, %sub3A_595 : vector<16xi32>
    %sub3A_597 = arith.constant 2 : i32
    %sub3A_598 = vector.broadcast %sub3A_597 : i32 to vector<16xi32>
    %sub3A_599 = arith.subi %sub3A_598, %get3A_587 : vector<16xi32>
    %select_n3A_600 = arith.select %gt3A_593, %sub3A_596, %sub3A_599 : vector<16xi1>, vector<16xi32>
    %jit3A_601 = arith.constant 0 : i32
    %jit3A_602 = arith.constant 201 : i32
    %broadcast_in_dim3A_603 = vector.broadcast %jit3A_601 : i32 to vector<16xi32>
    %broadcast_in_dim3A_604 = vector.broadcast %jit3A_602 : i32 to vector<16xi32>
    %select_n3A_605 = arith.select %gt3A_593, %broadcast_in_dim3A_603, %broadcast_in_dim3A_604 : vector<16xi1>, vector<16xi32>
    %add3A_606 = arith.addi %select_n3A_600, %select_n3A_605 : vector<16xi32>
    %add3A_607 = arith.constant 402 : i32
    %add3A_608 = arith.addi %add3A_607, %add3A : i32
    %jit3A_609 = arith.constant 0 : i32
    %jit3A_610 = arith.constant 32 : i32
    %broadcast_in_dim3A_611 = vector.broadcast %jit3A_609 : i32 to vector<16xi32>
    %broadcast_in_dim3A_612 = vector.broadcast %jit3A_610 : i32 to vector<16xi32>
    %select_n3A_613 = arith.select %gt3A_593, %broadcast_in_dim3A_611, %broadcast_in_dim3A_612 : vector<16xi1>, vector<16xi32>
    %add3A_614 = vector.broadcast %add3A_608 : i32 to vector<16xi32>
    %add3A_615 = arith.addi %add3A_614, %select_n3A_613 : vector<16xi32>
    %gt3A_616 = arith.constant 1 : i32
    %gt3A_617 = vector.broadcast %gt3A_616 : i32 to vector<16xi32>
    %gt3A_618 = arith.cmpi sgt, %get3A_590, %gt3A_617 : vector<16xi32>
    %select_n3A_619 = arith.select %gt3A_618, %add3A_606, %add3A_615 : vector<16xi1>, vector<16xi32>
    %swap3A_620 = arith.constant 112 : index
    %swap3A_621 = tpu.vector_load %arg10[%swap3A_620] {strides = array<i32>} : memref<128xi32, #tpu.memory_space<vmem>>, vector<16xi32>,
    %swap3A_622 = vector.shape_cast %swap3A_621 : vector<16xi32> to vector<16xi32>
    %swap3A_623 = vector.shape_cast %select_n3A_619 : vector<16xi32> to vector<16xi32>
    tpu.vector_store %arg10[%swap3A_620], %swap3A_623 {strides = array<i32>} : memref<128xi32, #tpu.memory_space<vmem>>, vector<16xi32>,
    %dma_start3A_624 = arith.constant 0 : i32
    %dma_start3A_625 = arith.constant 0 : i32
    %dma_start3A_626 = tpu.memref_slice %arg8[%dma_start3A_624, %dma_start3A_625] : memref<512x128xf32, #tpu.memory_space<vmem_shared>> -> memref<512x128xf32, #tpu.memory_space<vmem_shared>>
    tpu.enqueue_indirect_dma source(%dma_start3A_626 : memref<512x128xf32, #tpu.memory_space<vmem_shared>>) target(%arg14 : memref<128x128xf32, #tpu.memory_space<vmem>>) offsets(%arg10 : memref<128xi32, #tpu.memory_space<vmem>>) semaphore(%arg18 : memref<!tpu.dma_semaphore, #tpu.memory_space<semaphore_mem>>)
    %get3A_627 = arith.constant 0 : index
    %get3A_628 = tpu.vector_load %arg6[%get3A_627] {strides = array<i32>} : memref<128xi32, #tpu.memory_space<vmem>>, vector<16xi32>,
    %get3A_629 = vector.shape_cast %get3A_628 : vector<16xi32> to vector<16xi32>
    %get3A_630 = arith.constant 0 : index
    %get3A_631 = tpu.vector_load %arg7[%get3A_630] {strides = array<i32>} : memref<128xi32, #tpu.memory_space<vmem>>, vector<16xi32>,
    %get3A_632 = vector.shape_cast %get3A_631 : vector<16xi32> to vector<16xi32>
    %gt3A_633 = arith.constant 2 : i32
    %gt3A_634 = vector.broadcast %gt3A_633 : i32 to vector<16xi32>
    %gt3A_635 = arith.cmpi sgt, %get3A_629, %gt3A_634 : vector<16xi32>
    %sub3A_636 = arith.constant 2 : i32
    %sub3A_637 = vector.broadcast %sub3A_636 : i32 to vector<16xi32>
    %sub3A_638 = arith.subi %get3A_629, %sub3A_637 : vector<16xi32>
    %sub3A_639 = arith.constant 3 : i32
    %sub3A_640 = vector.broadcast %sub3A_639 : i32 to vector<16xi32>
    %sub3A_641 = arith.subi %sub3A_640, %get3A_629 : vector<16xi32>
    %select_n3A_642 = arith.select %gt3A_635, %sub3A_638, %sub3A_641 : vector<16xi1>, vector<16xi32>
    %jit3A_643 = arith.constant 0 : i32
    %jit3A_644 = arith.constant 201 : i32
    %broadcast_in_dim3A_645 = vector.broadcast %jit3A_643 : i32 to vector<16xi32>
    %broadcast_in_dim3A_646 = vector.broadcast %jit3A_644 : i32 to vector<16xi32>
    %select_n3A_647 = arith.select %gt3A_635, %broadcast_in_dim3A_645, %broadcast_in_dim3A_646 : vector<16xi1>, vector<16xi32>
    %add3A_648 = arith.addi %select_n3A_642, %select_n3A_647 : vector<16xi32>
    %add3A_649 = arith.constant 402 : i32
    %add3A_650 = arith.addi %add3A_649, %add3A : i32
    %jit3A_651 = arith.constant 0 : i32
    %jit3A_652 = arith.constant 32 : i32
    %broadcast_in_dim3A_653 = vector.broadcast %jit3A_651 : i32 to vector<16xi32>
    %broadcast_in_dim3A_654 = vector.broadcast %jit3A_652 : i32 to vector<16xi32>
    %select_n3A_655 = arith.select %gt3A_635, %broadcast_in_dim3A_653, %broadcast_in_dim3A_654 : vector<16xi1>, vector<16xi32>
    %add3A_656 = vector.broadcast %add3A_650 : i32 to vector<16xi32>
    %add3A_657 = arith.addi %add3A_656, %select_n3A_655 : vector<16xi32>
    %gt3A_658 = arith.constant 2 : i32
    %gt3A_659 = vector.broadcast %gt3A_658 : i32 to vector<16xi32>
    %gt3A_660 = arith.cmpi sgt, %get3A_632, %gt3A_659 : vector<16xi32>
    %select_n3A_661 = arith.select %gt3A_660, %add3A_648, %add3A_657 : vector<16xi1>, vector<16xi32>
    %swap3A_662 = arith.constant 0 : index
    %swap3A_663 = tpu.vector_load %arg11[%swap3A_662] {strides = array<i32>} : memref<128xi32, #tpu.memory_space<vmem>>, vector<16xi32>,
    %swap3A_664 = vector.shape_cast %swap3A_663 : vector<16xi32> to vector<16xi32>
    %swap3A_665 = vector.shape_cast %select_n3A_661 : vector<16xi32> to vector<16xi32>
    tpu.vector_store %arg11[%swap3A_662], %swap3A_665 {strides = array<i32>} : memref<128xi32, #tpu.memory_space<vmem>>, vector<16xi32>,
    %get3A_666 = arith.constant 16 : index
    %get3A_667 = tpu.vector_load %arg6[%get3A_666] {strides = array<i32>} : memref<128xi32, #tpu.memory_space<vmem>>, vector<16xi32>,
    %get3A_668 = vector.shape_cast %get3A_667 : vector<16xi32> to vector<16xi32>
    %get3A_669 = arith.constant 16 : index
    %get3A_670 = tpu.vector_load %arg7[%get3A_669] {strides = array<i32>} : memref<128xi32, #tpu.memory_space<vmem>>, vector<16xi32>,
    %get3A_671 = vector.shape_cast %get3A_670 : vector<16xi32> to vector<16xi32>
    %gt3A_672 = arith.constant 2 : i32
    %gt3A_673 = vector.broadcast %gt3A_672 : i32 to vector<16xi32>
    %gt3A_674 = arith.cmpi sgt, %get3A_668, %gt3A_673 : vector<16xi32>
    %sub3A_675 = arith.constant 2 : i32
    %sub3A_676 = vector.broadcast %sub3A_675 : i32 to vector<16xi32>
    %sub3A_677 = arith.subi %get3A_668, %sub3A_676 : vector<16xi32>
    %sub3A_678 = arith.constant 3 : i32
    %sub3A_679 = vector.broadcast %sub3A_678 : i32 to vector<16xi32>
    %sub3A_680 = arith.subi %sub3A_679, %get3A_668 : vector<16xi32>
    %select_n3A_681 = arith.select %gt3A_674, %sub3A_677, %sub3A_680 : vector<16xi1>, vector<16xi32>
    %jit3A_682 = arith.constant 0 : i32
    %jit3A_683 = arith.constant 201 : i32
    %broadcast_in_dim3A_684 = vector.broadcast %jit3A_682 : i32 to vector<16xi32>
    %broadcast_in_dim3A_685 = vector.broadcast %jit3A_683 : i32 to vector<16xi32>
    %select_n3A_686 = arith.select %gt3A_674, %broadcast_in_dim3A_684, %broadcast_in_dim3A_685 : vector<16xi1>, vector<16xi32>
    %add3A_687 = arith.addi %select_n3A_681, %select_n3A_686 : vector<16xi32>
    %add3A_688 = arith.constant 402 : i32
    %add3A_689 = arith.addi %add3A_688, %add3A : i32
    %jit3A_690 = arith.constant 0 : i32
    %jit3A_691 = arith.constant 32 : i32
    %broadcast_in_dim3A_692 = vector.broadcast %jit3A_690 : i32 to vector<16xi32>
    %broadcast_in_dim3A_693 = vector.broadcast %jit3A_691 : i32 to vector<16xi32>
    %select_n3A_694 = arith.select %gt3A_674, %broadcast_in_dim3A_692, %broadcast_in_dim3A_693 : vector<16xi1>, vector<16xi32>
    %add3A_695 = vector.broadcast %add3A_689 : i32 to vector<16xi32>
    %add3A_696 = arith.addi %add3A_695, %select_n3A_694 : vector<16xi32>
    %gt3A_697 = arith.constant 2 : i32
    %gt3A_698 = vector.broadcast %gt3A_697 : i32 to vector<16xi32>
    %gt3A_699 = arith.cmpi sgt, %get3A_671, %gt3A_698 : vector<16xi32>
    %select_n3A_700 = arith.select %gt3A_699, %add3A_687, %add3A_696 : vector<16xi1>, vector<16xi32>
    %swap3A_701 = arith.constant 16 : index
    %swap3A_702 = tpu.vector_load %arg11[%swap3A_701] {strides = array<i32>} : memref<128xi32, #tpu.memory_space<vmem>>, vector<16xi32>,
    %swap3A_703 = vector.shape_cast %swap3A_702 : vector<16xi32> to vector<16xi32>
    %swap3A_704 = vector.shape_cast %select_n3A_700 : vector<16xi32> to vector<16xi32>
    tpu.vector_store %arg11[%swap3A_701], %swap3A_704 {strides = array<i32>} : memref<128xi32, #tpu.memory_space<vmem>>, vector<16xi32>,
    %get3A_705 = arith.constant 32 : index
    %get3A_706 = tpu.vector_load %arg6[%get3A_705] {strides = array<i32>} : memref<128xi32, #tpu.memory_space<vmem>>, vector<16xi32>,
    %get3A_707 = vector.shape_cast %get3A_706 : vector<16xi32> to vector<16xi32>
    %get3A_708 = arith.constant 32 : index
    %get3A_709 = tpu.vector_load %arg7[%get3A_708] {strides = array<i32>} : memref<128xi32, #tpu.memory_space<vmem>>, vector<16xi32>,
    %get3A_710 = vector.shape_cast %get3A_709 : vector<16xi32> to vector<16xi32>
    %gt3A_711 = arith.constant 2 : i32
    %gt3A_712 = vector.broadcast %gt3A_711 : i32 to vector<16xi32>
    %gt3A_713 = arith.cmpi sgt, %get3A_707, %gt3A_712 : vector<16xi32>
    %sub3A_714 = arith.constant 2 : i32
    %sub3A_715 = vector.broadcast %sub3A_714 : i32 to vector<16xi32>
    %sub3A_716 = arith.subi %get3A_707, %sub3A_715 : vector<16xi32>
    %sub3A_717 = arith.constant 3 : i32
    %sub3A_718 = vector.broadcast %sub3A_717 : i32 to vector<16xi32>
    %sub3A_719 = arith.subi %sub3A_718, %get3A_707 : vector<16xi32>
    %select_n3A_720 = arith.select %gt3A_713, %sub3A_716, %sub3A_719 : vector<16xi1>, vector<16xi32>
    %jit3A_721 = arith.constant 0 : i32
    %jit3A_722 = arith.constant 201 : i32
    %broadcast_in_dim3A_723 = vector.broadcast %jit3A_721 : i32 to vector<16xi32>
    %broadcast_in_dim3A_724 = vector.broadcast %jit3A_722 : i32 to vector<16xi32>
    %select_n3A_725 = arith.select %gt3A_713, %broadcast_in_dim3A_723, %broadcast_in_dim3A_724 : vector<16xi1>, vector<16xi32>
    %add3A_726 = arith.addi %select_n3A_720, %select_n3A_725 : vector<16xi32>
    %add3A_727 = arith.constant 402 : i32
    %add3A_728 = arith.addi %add3A_727, %add3A : i32
    %jit3A_729 = arith.constant 0 : i32
    %jit3A_730 = arith.constant 32 : i32
    %broadcast_in_dim3A_731 = vector.broadcast %jit3A_729 : i32 to vector<16xi32>
    %broadcast_in_dim3A_732 = vector.broadcast %jit3A_730 : i32 to vector<16xi32>
    %select_n3A_733 = arith.select %gt3A_713, %broadcast_in_dim3A_731, %broadcast_in_dim3A_732 : vector<16xi1>, vector<16xi32>
    %add3A_734 = vector.broadcast %add3A_728 : i32 to vector<16xi32>
    %add3A_735 = arith.addi %add3A_734, %select_n3A_733 : vector<16xi32>
    %gt3A_736 = arith.constant 2 : i32
    %gt3A_737 = vector.broadcast %gt3A_736 : i32 to vector<16xi32>
    %gt3A_738 = arith.cmpi sgt, %get3A_710, %gt3A_737 : vector<16xi32>
    %select_n3A_739 = arith.select %gt3A_738, %add3A_726, %add3A_735 : vector<16xi1>, vector<16xi32>
    %swap3A_740 = arith.constant 32 : index
    %swap3A_741 = tpu.vector_load %arg11[%swap3A_740] {strides = array<i32>} : memref<128xi32, #tpu.memory_space<vmem>>, vector<16xi32>,
    %swap3A_742 = vector.shape_cast %swap3A_741 : vector<16xi32> to vector<16xi32>
    %swap3A_743 = vector.shape_cast %select_n3A_739 : vector<16xi32> to vector<16xi32>
    tpu.vector_store %arg11[%swap3A_740], %swap3A_743 {strides = array<i32>} : memref<128xi32, #tpu.memory_space<vmem>>, vector<16xi32>,
    %get3A_744 = arith.constant 48 : index
    %get3A_745 = tpu.vector_load %arg6[%get3A_744] {strides = array<i32>} : memref<128xi32, #tpu.memory_space<vmem>>, vector<16xi32>,
    %get3A_746 = vector.shape_cast %get3A_745 : vector<16xi32> to vector<16xi32>
    %get3A_747 = arith.constant 48 : index
    %get3A_748 = tpu.vector_load %arg7[%get3A_747] {strides = array<i32>} : memref<128xi32, #tpu.memory_space<vmem>>, vector<16xi32>,
    %get3A_749 = vector.shape_cast %get3A_748 : vector<16xi32> to vector<16xi32>
    %gt3A_750 = arith.constant 2 : i32
    %gt3A_751 = vector.broadcast %gt3A_750 : i32 to vector<16xi32>
    %gt3A_752 = arith.cmpi sgt, %get3A_746, %gt3A_751 : vector<16xi32>
    %sub3A_753 = arith.constant 2 : i32
    %sub3A_754 = vector.broadcast %sub3A_753 : i32 to vector<16xi32>
    %sub3A_755 = arith.subi %get3A_746, %sub3A_754 : vector<16xi32>
    %sub3A_756 = arith.constant 3 : i32
    %sub3A_757 = vector.broadcast %sub3A_756 : i32 to vector<16xi32>
    %sub3A_758 = arith.subi %sub3A_757, %get3A_746 : vector<16xi32>
    %select_n3A_759 = arith.select %gt3A_752, %sub3A_755, %sub3A_758 : vector<16xi1>, vector<16xi32>
    %jit3A_760 = arith.constant 0 : i32
    %jit3A_761 = arith.constant 201 : i32
    %broadcast_in_dim3A_762 = vector.broadcast %jit3A_760 : i32 to vector<16xi32>
    %broadcast_in_dim3A_763 = vector.broadcast %jit3A_761 : i32 to vector<16xi32>
    %select_n3A_764 = arith.select %gt3A_752, %broadcast_in_dim3A_762, %broadcast_in_dim3A_763 : vector<16xi1>, vector<16xi32>
    %add3A_765 = arith.addi %select_n3A_759, %select_n3A_764 : vector<16xi32>
    %add3A_766 = arith.constant 402 : i32
    %add3A_767 = arith.addi %add3A_766, %add3A : i32
    %jit3A_768 = arith.constant 0 : i32
    %jit3A_769 = arith.constant 32 : i32
    %broadcast_in_dim3A_770 = vector.broadcast %jit3A_768 : i32 to vector<16xi32>
    %broadcast_in_dim3A_771 = vector.broadcast %jit3A_769 : i32 to vector<16xi32>
    %select_n3A_772 = arith.select %gt3A_752, %broadcast_in_dim3A_770, %broadcast_in_dim3A_771 : vector<16xi1>, vector<16xi32>
    %add3A_773 = vector.broadcast %add3A_767 : i32 to vector<16xi32>
    %add3A_774 = arith.addi %add3A_773, %select_n3A_772 : vector<16xi32>
    %gt3A_775 = arith.constant 2 : i32
    %gt3A_776 = vector.broadcast %gt3A_775 : i32 to vector<16xi32>
    %gt3A_777 = arith.cmpi sgt, %get3A_749, %gt3A_776 : vector<16xi32>
    %select_n3A_778 = arith.select %gt3A_777, %add3A_765, %add3A_774 : vector<16xi1>, vector<16xi32>
    %swap3A_779 = arith.constant 48 : index
    %swap3A_780 = tpu.vector_load %arg11[%swap3A_779] {strides = array<i32>} : memref<128xi32, #tpu.memory_space<vmem>>, vector<16xi32>,
    %swap3A_781 = vector.shape_cast %swap3A_780 : vector<16xi32> to vector<16xi32>
    %swap3A_782 = vector.shape_cast %select_n3A_778 : vector<16xi32> to vector<16xi32>
    tpu.vector_store %arg11[%swap3A_779], %swap3A_782 {strides = array<i32>} : memref<128xi32, #tpu.memory_space<vmem>>, vector<16xi32>,
    %get3A_783 = arith.constant 64 : index
    %get3A_784 = tpu.vector_load %arg6[%get3A_783] {strides = array<i32>} : memref<128xi32, #tpu.memory_space<vmem>>, vector<16xi32>,
    %get3A_785 = vector.shape_cast %get3A_784 : vector<16xi32> to vector<16xi32>
    %get3A_786 = arith.constant 64 : index
    %get3A_787 = tpu.vector_load %arg7[%get3A_786] {strides = array<i32>} : memref<128xi32, #tpu.memory_space<vmem>>, vector<16xi32>,
    %get3A_788 = vector.shape_cast %get3A_787 : vector<16xi32> to vector<16xi32>
    %gt3A_789 = arith.constant 2 : i32
    %gt3A_790 = vector.broadcast %gt3A_789 : i32 to vector<16xi32>
    %gt3A_791 = arith.cmpi sgt, %get3A_785, %gt3A_790 : vector<16xi32>
    %sub3A_792 = arith.constant 2 : i32
    %sub3A_793 = vector.broadcast %sub3A_792 : i32 to vector<16xi32>
    %sub3A_794 = arith.subi %get3A_785, %sub3A_793 : vector<16xi32>
    %sub3A_795 = arith.constant 3 : i32
    %sub3A_796 = vector.broadcast %sub3A_795 : i32 to vector<16xi32>
    %sub3A_797 = arith.subi %sub3A_796, %get3A_785 : vector<16xi32>
    %select_n3A_798 = arith.select %gt3A_791, %sub3A_794, %sub3A_797 : vector<16xi1>, vector<16xi32>
    %jit3A_799 = arith.constant 0 : i32
    %jit3A_800 = arith.constant 201 : i32
    %broadcast_in_dim3A_801 = vector.broadcast %jit3A_799 : i32 to vector<16xi32>
    %broadcast_in_dim3A_802 = vector.broadcast %jit3A_800 : i32 to vector<16xi32>
    %select_n3A_803 = arith.select %gt3A_791, %broadcast_in_dim3A_801, %broadcast_in_dim3A_802 : vector<16xi1>, vector<16xi32>
    %add3A_804 = arith.addi %select_n3A_798, %select_n3A_803 : vector<16xi32>
    %add3A_805 = arith.constant 402 : i32
    %add3A_806 = arith.addi %add3A_805, %add3A : i32
    %jit3A_807 = arith.constant 0 : i32
    %jit3A_808 = arith.constant 32 : i32
    %broadcast_in_dim3A_809 = vector.broadcast %jit3A_807 : i32 to vector<16xi32>
    %broadcast_in_dim3A_810 = vector.broadcast %jit3A_808 : i32 to vector<16xi32>
    %select_n3A_811 = arith.select %gt3A_791, %broadcast_in_dim3A_809, %broadcast_in_dim3A_810 : vector<16xi1>, vector<16xi32>
    %add3A_812 = vector.broadcast %add3A_806 : i32 to vector<16xi32>
    %add3A_813 = arith.addi %add3A_812, %select_n3A_811 : vector<16xi32>
    %gt3A_814 = arith.constant 2 : i32
    %gt3A_815 = vector.broadcast %gt3A_814 : i32 to vector<16xi32>
    %gt3A_816 = arith.cmpi sgt, %get3A_788, %gt3A_815 : vector<16xi32>
    %select_n3A_817 = arith.select %gt3A_816, %add3A_804, %add3A_813 : vector<16xi1>, vector<16xi32>
    %swap3A_818 = arith.constant 64 : index
    %swap3A_819 = tpu.vector_load %arg11[%swap3A_818] {strides = array<i32>} : memref<128xi32, #tpu.memory_space<vmem>>, vector<16xi32>,
    %swap3A_820 = vector.shape_cast %swap3A_819 : vector<16xi32> to vector<16xi32>
    %swap3A_821 = vector.shape_cast %select_n3A_817 : vector<16xi32> to vector<16xi32>
    tpu.vector_store %arg11[%swap3A_818], %swap3A_821 {strides = array<i32>} : memref<128xi32, #tpu.memory_space<vmem>>, vector<16xi32>,
    %get3A_822 = arith.constant 80 : index
    %get3A_823 = tpu.vector_load %arg6[%get3A_822] {strides = array<i32>} : memref<128xi32, #tpu.memory_space<vmem>>, vector<16xi32>,
    %get3A_824 = vector.shape_cast %get3A_823 : vector<16xi32> to vector<16xi32>
    %get3A_825 = arith.constant 80 : index
    %get3A_826 = tpu.vector_load %arg7[%get3A_825] {strides = array<i32>} : memref<128xi32, #tpu.memory_space<vmem>>, vector<16xi32>,
    %get3A_827 = vector.shape_cast %get3A_826 : vector<16xi32> to vector<16xi32>
    %gt3A_828 = arith.constant 2 : i32
    %gt3A_829 = vector.broadcast %gt3A_828 : i32 to vector<16xi32>
    %gt3A_830 = arith.cmpi sgt, %get3A_824, %gt3A_829 : vector<16xi32>
    %sub3A_831 = arith.constant 2 : i32
    %sub3A_832 = vector.broadcast %sub3A_831 : i32 to vector<16xi32>
    %sub3A_833 = arith.subi %get3A_824, %sub3A_832 : vector<16xi32>
    %sub3A_834 = arith.constant 3 : i32
    %sub3A_835 = vector.broadcast %sub3A_834 : i32 to vector<16xi32>
    %sub3A_836 = arith.subi %sub3A_835, %get3A_824 : vector<16xi32>
    %select_n3A_837 = arith.select %gt3A_830, %sub3A_833, %sub3A_836 : vector<16xi1>, vector<16xi32>
    %jit3A_838 = arith.constant 0 : i32
    %jit3A_839 = arith.constant 201 : i32
    %broadcast_in_dim3A_840 = vector.broadcast %jit3A_838 : i32 to vector<16xi32>
    %broadcast_in_dim3A_841 = vector.broadcast %jit3A_839 : i32 to vector<16xi32>
    %select_n3A_842 = arith.select %gt3A_830, %broadcast_in_dim3A_840, %broadcast_in_dim3A_841 : vector<16xi1>, vector<16xi32>
    %add3A_843 = arith.addi %select_n3A_837, %select_n3A_842 : vector<16xi32>
    %add3A_844 = arith.constant 402 : i32
    %add3A_845 = arith.addi %add3A_844, %add3A : i32
    %jit3A_846 = arith.constant 0 : i32
    %jit3A_847 = arith.constant 32 : i32
    %broadcast_in_dim3A_848 = vector.broadcast %jit3A_846 : i32 to vector<16xi32>
    %broadcast_in_dim3A_849 = vector.broadcast %jit3A_847 : i32 to vector<16xi32>
    %select_n3A_850 = arith.select %gt3A_830, %broadcast_in_dim3A_848, %broadcast_in_dim3A_849 : vector<16xi1>, vector<16xi32>
    %add3A_851 = vector.broadcast %add3A_845 : i32 to vector<16xi32>
    %add3A_852 = arith.addi %add3A_851, %select_n3A_850 : vector<16xi32>
    %gt3A_853 = arith.constant 2 : i32
    %gt3A_854 = vector.broadcast %gt3A_853 : i32 to vector<16xi32>
    %gt3A_855 = arith.cmpi sgt, %get3A_827, %gt3A_854 : vector<16xi32>
    %select_n3A_856 = arith.select %gt3A_855, %add3A_843, %add3A_852 : vector<16xi1>, vector<16xi32>
    %swap3A_857 = arith.constant 80 : index
    %swap3A_858 = tpu.vector_load %arg11[%swap3A_857] {strides = array<i32>} : memref<128xi32, #tpu.memory_space<vmem>>, vector<16xi32>,
    %swap3A_859 = vector.shape_cast %swap3A_858 : vector<16xi32> to vector<16xi32>
    %swap3A_860 = vector.shape_cast %select_n3A_856 : vector<16xi32> to vector<16xi32>
    tpu.vector_store %arg11[%swap3A_857], %swap3A_860 {strides = array<i32>} : memref<128xi32, #tpu.memory_space<vmem>>, vector<16xi32>,
    %get3A_861 = arith.constant 96 : index
    %get3A_862 = tpu.vector_load %arg6[%get3A_861] {strides = array<i32>} : memref<128xi32, #tpu.memory_space<vmem>>, vector<16xi32>,
    %get3A_863 = vector.shape_cast %get3A_862 : vector<16xi32> to vector<16xi32>
    %get3A_864 = arith.constant 96 : index
    %get3A_865 = tpu.vector_load %arg7[%get3A_864] {strides = array<i32>} : memref<128xi32, #tpu.memory_space<vmem>>, vector<16xi32>,
    %get3A_866 = vector.shape_cast %get3A_865 : vector<16xi32> to vector<16xi32>
    %gt3A_867 = arith.constant 2 : i32
    %gt3A_868 = vector.broadcast %gt3A_867 : i32 to vector<16xi32>
    %gt3A_869 = arith.cmpi sgt, %get3A_863, %gt3A_868 : vector<16xi32>
    %sub3A_870 = arith.constant 2 : i32
    %sub3A_871 = vector.broadcast %sub3A_870 : i32 to vector<16xi32>
    %sub3A_872 = arith.subi %get3A_863, %sub3A_871 : vector<16xi32>
    %sub3A_873 = arith.constant 3 : i32
    %sub3A_874 = vector.broadcast %sub3A_873 : i32 to vector<16xi32>
    %sub3A_875 = arith.subi %sub3A_874, %get3A_863 : vector<16xi32>
    %select_n3A_876 = arith.select %gt3A_869, %sub3A_872, %sub3A_875 : vector<16xi1>, vector<16xi32>
    %jit3A_877 = arith.constant 0 : i32
    %jit3A_878 = arith.constant 201 : i32
    %broadcast_in_dim3A_879 = vector.broadcast %jit3A_877 : i32 to vector<16xi32>
    %broadcast_in_dim3A_880 = vector.broadcast %jit3A_878 : i32 to vector<16xi32>
    %select_n3A_881 = arith.select %gt3A_869, %broadcast_in_dim3A_879, %broadcast_in_dim3A_880 : vector<16xi1>, vector<16xi32>
    %add3A_882 = arith.addi %select_n3A_876, %select_n3A_881 : vector<16xi32>
    %add3A_883 = arith.constant 402 : i32
    %add3A_884 = arith.addi %add3A_883, %add3A : i32
    %jit3A_885 = arith.constant 0 : i32
    %jit3A_886 = arith.constant 32 : i32
    %broadcast_in_dim3A_887 = vector.broadcast %jit3A_885 : i32 to vector<16xi32>
    %broadcast_in_dim3A_888 = vector.broadcast %jit3A_886 : i32 to vector<16xi32>
    %select_n3A_889 = arith.select %gt3A_869, %broadcast_in_dim3A_887, %broadcast_in_dim3A_888 : vector<16xi1>, vector<16xi32>
    %add3A_890 = vector.broadcast %add3A_884 : i32 to vector<16xi32>
    %add3A_891 = arith.addi %add3A_890, %select_n3A_889 : vector<16xi32>
    %gt3A_892 = arith.constant 2 : i32
    %gt3A_893 = vector.broadcast %gt3A_892 : i32 to vector<16xi32>
    %gt3A_894 = arith.cmpi sgt, %get3A_866, %gt3A_893 : vector<16xi32>
    %select_n3A_895 = arith.select %gt3A_894, %add3A_882, %add3A_891 : vector<16xi1>, vector<16xi32>
    %swap3A_896 = arith.constant 96 : index
    %swap3A_897 = tpu.vector_load %arg11[%swap3A_896] {strides = array<i32>} : memref<128xi32, #tpu.memory_space<vmem>>, vector<16xi32>,
    %swap3A_898 = vector.shape_cast %swap3A_897 : vector<16xi32> to vector<16xi32>
    %swap3A_899 = vector.shape_cast %select_n3A_895 : vector<16xi32> to vector<16xi32>
    tpu.vector_store %arg11[%swap3A_896], %swap3A_899 {strides = array<i32>} : memref<128xi32, #tpu.memory_space<vmem>>, vector<16xi32>,
    %get3A_900 = arith.constant 112 : index
    %get3A_901 = tpu.vector_load %arg6[%get3A_900] {strides = array<i32>} : memref<128xi32, #tpu.memory_space<vmem>>, vector<16xi32>,
    %get3A_902 = vector.shape_cast %get3A_901 : vector<16xi32> to vector<16xi32>
    %get3A_903 = arith.constant 112 : index
    %get3A_904 = tpu.vector_load %arg7[%get3A_903] {strides = array<i32>} : memref<128xi32, #tpu.memory_space<vmem>>, vector<16xi32>,
    %get3A_905 = vector.shape_cast %get3A_904 : vector<16xi32> to vector<16xi32>
    %gt3A_906 = arith.constant 2 : i32
    %gt3A_907 = vector.broadcast %gt3A_906 : i32 to vector<16xi32>
    %gt3A_908 = arith.cmpi sgt, %get3A_902, %gt3A_907 : vector<16xi32>
    %sub3A_909 = arith.constant 2 : i32
    %sub3A_910 = vector.broadcast %sub3A_909 : i32 to vector<16xi32>
    %sub3A_911 = arith.subi %get3A_902, %sub3A_910 : vector<16xi32>
    %sub3A_912 = arith.constant 3 : i32
    %sub3A_913 = vector.broadcast %sub3A_912 : i32 to vector<16xi32>
    %sub3A_914 = arith.subi %sub3A_913, %get3A_902 : vector<16xi32>
    %select_n3A_915 = arith.select %gt3A_908, %sub3A_911, %sub3A_914 : vector<16xi1>, vector<16xi32>
    %jit3A_916 = arith.constant 0 : i32
    %jit3A_917 = arith.constant 201 : i32
    %broadcast_in_dim3A_918 = vector.broadcast %jit3A_916 : i32 to vector<16xi32>
    %broadcast_in_dim3A_919 = vector.broadcast %jit3A_917 : i32 to vector<16xi32>
    %select_n3A_920 = arith.select %gt3A_908, %broadcast_in_dim3A_918, %broadcast_in_dim3A_919 : vector<16xi1>, vector<16xi32>
    %add3A_921 = arith.addi %select_n3A_915, %select_n3A_920 : vector<16xi32>
    %add3A_922 = arith.constant 402 : i32
    %add3A_923 = arith.addi %add3A_922, %add3A : i32
    %jit3A_924 = arith.constant 0 : i32
    %jit3A_925 = arith.constant 32 : i32
    %broadcast_in_dim3A_926 = vector.broadcast %jit3A_924 : i32 to vector<16xi32>
    %broadcast_in_dim3A_927 = vector.broadcast %jit3A_925 : i32 to vector<16xi32>
    %select_n3A_928 = arith.select %gt3A_908, %broadcast_in_dim3A_926, %broadcast_in_dim3A_927 : vector<16xi1>, vector<16xi32>
    %add3A_929 = vector.broadcast %add3A_923 : i32 to vector<16xi32>
    %add3A_930 = arith.addi %add3A_929, %select_n3A_928 : vector<16xi32>
    %gt3A_931 = arith.constant 2 : i32
    %gt3A_932 = vector.broadcast %gt3A_931 : i32 to vector<16xi32>
    %gt3A_933 = arith.cmpi sgt, %get3A_905, %gt3A_932 : vector<16xi32>
    %select_n3A_934 = arith.select %gt3A_933, %add3A_921, %add3A_930 : vector<16xi1>, vector<16xi32>
    %swap3A_935 = arith.constant 112 : index
    %swap3A_936 = tpu.vector_load %arg11[%swap3A_935] {strides = array<i32>} : memref<128xi32, #tpu.memory_space<vmem>>, vector<16xi32>,
    %swap3A_937 = vector.shape_cast %swap3A_936 : vector<16xi32> to vector<16xi32>
    %swap3A_938 = vector.shape_cast %select_n3A_934 : vector<16xi32> to vector<16xi32>
    tpu.vector_store %arg11[%swap3A_935], %swap3A_938 {strides = array<i32>} : memref<128xi32, #tpu.memory_space<vmem>>, vector<16xi32>,
    %dma_start3A_939 = arith.constant 0 : i32
    %dma_start3A_940 = arith.constant 0 : i32
    %dma_start3A_941 = tpu.memref_slice %arg8[%dma_start3A_939, %dma_start3A_940] : memref<512x128xf32, #tpu.memory_space<vmem_shared>> -> memref<512x128xf32, #tpu.memory_space<vmem_shared>>
    tpu.enqueue_indirect_dma source(%dma_start3A_941 : memref<512x128xf32, #tpu.memory_space<vmem_shared>>) target(%arg15 : memref<128x128xf32, #tpu.memory_space<vmem>>) offsets(%arg11 : memref<128xi32, #tpu.memory_space<vmem>>) semaphore(%arg19 : memref<!tpu.dma_semaphore, #tpu.memory_space<semaphore_mem>>)
    %dma_wait3A = arith.constant 0 : i32
    %dma_wait3A_942 = arith.constant 0 : i32
    %dma_wait3A_943 = tpu.memref_slice %arg8[%dma_wait3A, %dma_wait3A_942] : memref<512x128xf32, #tpu.memory_space<vmem_shared>> -> memref<512x128xf32, #tpu.memory_space<vmem_shared>>
    tpu.wait_indirect_dma semaphore(%arg17 : memref<!tpu.dma_semaphore, #tpu.memory_space<semaphore_mem>>) src(%dma_wait3A_943 : memref<512x128xf32, #tpu.memory_space<vmem_shared>>) dst(%arg13 : memref<128x128xf32, #tpu.memory_space<vmem>>)
    %add3A_944 = arith.constant 0 : i32
    %add3A_945 = arith.addi %add3A_944, %mul3A_2 : i32
    %dma_start3A_946 = arith.constant 0 : i32
    %dma_start3A_947 = tpu.memref_slice %arg5[%add3A_945, %dma_start3A_946] : memref<819200x128xf32, #tpu.memory_space<hbm>> -> memref<128x128xf32, #tpu.memory_space<hbm>>
    %dma_start3A_948 = arith.constant 0 : i32
    %dma_start3A_949 = tpu.memref_slice %arg5[%add3A_945, %dma_start3A_948] : memref<819200x128xf32, #tpu.memory_space<hbm>> -> memref<128x128xf32, #tpu.memory_space<hbm>>
    tpu.enqueue_dma source(%arg13 : memref<128x128xf32, #tpu.memory_space<vmem>>) target(%dma_start3A_949 : memref<128x128xf32, #tpu.memory_space<hbm>>) target_semaphore(%arg21 : memref<!tpu.dma_semaphore, #tpu.memory_space<semaphore_mem>>)
    %get3A_950 = arith.constant 0 : index
    %get3A_951 = tpu.vector_load %arg6[%get3A_950] {strides = array<i32>} : memref<128xi32, #tpu.memory_space<vmem>>, vector<16xi32>,
    %get3A_952 = vector.shape_cast %get3A_951 : vector<16xi32> to vector<16xi32>
    %get3A_953 = arith.constant 0 : index
    %get3A_954 = tpu.vector_load %arg7[%get3A_953] {strides = array<i32>} : memref<128xi32, #tpu.memory_space<vmem>>, vector<16xi32>,
    %get3A_955 = vector.shape_cast %get3A_954 : vector<16xi32> to vector<16xi32>
    %gt3A_956 = arith.constant 3 : i32
    %gt3A_957 = vector.broadcast %gt3A_956 : i32 to vector<16xi32>
    %gt3A_958 = arith.cmpi sgt, %get3A_952, %gt3A_957 : vector<16xi32>
    %sub3A_959 = arith.constant 3 : i32
    %sub3A_960 = vector.broadcast %sub3A_959 : i32 to vector<16xi32>
    %sub3A_961 = arith.subi %get3A_952, %sub3A_960 : vector<16xi32>
    %sub3A_962 = arith.constant 4 : i32
    %sub3A_963 = vector.broadcast %sub3A_962 : i32 to vector<16xi32>
    %sub3A_964 = arith.subi %sub3A_963, %get3A_952 : vector<16xi32>
    %select_n3A_965 = arith.select %gt3A_958, %sub3A_961, %sub3A_964 : vector<16xi1>, vector<16xi32>
    %jit3A_966 = arith.constant 0 : i32
    %jit3A_967 = arith.constant 201 : i32
    %broadcast_in_dim3A_968 = vector.broadcast %jit3A_966 : i32 to vector<16xi32>
    %broadcast_in_dim3A_969 = vector.broadcast %jit3A_967 : i32 to vector<16xi32>
    %select_n3A_970 = arith.select %gt3A_958, %broadcast_in_dim3A_968, %broadcast_in_dim3A_969 : vector<16xi1>, vector<16xi32>
    %add3A_971 = arith.addi %select_n3A_965, %select_n3A_970 : vector<16xi32>
    %add3A_972 = arith.constant 402 : i32
    %add3A_973 = arith.addi %add3A_972, %add3A : i32
    %jit3A_974 = arith.constant 0 : i32
    %jit3A_975 = arith.constant 32 : i32
    %broadcast_in_dim3A_976 = vector.broadcast %jit3A_974 : i32 to vector<16xi32>
    %broadcast_in_dim3A_977 = vector.broadcast %jit3A_975 : i32 to vector<16xi32>
    %select_n3A_978 = arith.select %gt3A_958, %broadcast_in_dim3A_976, %broadcast_in_dim3A_977 : vector<16xi1>, vector<16xi32>
    %add3A_979 = vector.broadcast %add3A_973 : i32 to vector<16xi32>
    %add3A_980 = arith.addi %add3A_979, %select_n3A_978 : vector<16xi32>
    %gt3A_981 = arith.constant 3 : i32
    %gt3A_982 = vector.broadcast %gt3A_981 : i32 to vector<16xi32>
    %gt3A_983 = arith.cmpi sgt, %get3A_955, %gt3A_982 : vector<16xi32>
    %select_n3A_984 = arith.select %gt3A_983, %add3A_971, %add3A_980 : vector<16xi1>, vector<16xi32>
    %swap3A_985 = arith.constant 0 : index
    %swap3A_986 = tpu.vector_load %arg12[%swap3A_985] {strides = array<i32>} : memref<128xi32, #tpu.memory_space<vmem>>, vector<16xi32>,
    %swap3A_987 = vector.shape_cast %swap3A_986 : vector<16xi32> to vector<16xi32>
    %swap3A_988 = vector.shape_cast %select_n3A_984 : vector<16xi32> to vector<16xi32>
    tpu.vector_store %arg12[%swap3A_985], %swap3A_988 {strides = array<i32>} : memref<128xi32, #tpu.memory_space<vmem>>, vector<16xi32>,
    %get3A_989 = arith.constant 16 : index
    %get3A_990 = tpu.vector_load %arg6[%get3A_989] {strides = array<i32>} : memref<128xi32, #tpu.memory_space<vmem>>, vector<16xi32>,
    %get3A_991 = vector.shape_cast %get3A_990 : vector<16xi32> to vector<16xi32>
    %get3A_992 = arith.constant 16 : index
    %get3A_993 = tpu.vector_load %arg7[%get3A_992] {strides = array<i32>} : memref<128xi32, #tpu.memory_space<vmem>>, vector<16xi32>,
    %get3A_994 = vector.shape_cast %get3A_993 : vector<16xi32> to vector<16xi32>
    %gt3A_995 = arith.constant 3 : i32
    %gt3A_996 = vector.broadcast %gt3A_995 : i32 to vector<16xi32>
    %gt3A_997 = arith.cmpi sgt, %get3A_991, %gt3A_996 : vector<16xi32>
    %sub3A_998 = arith.constant 3 : i32
    %sub3A_999 = vector.broadcast %sub3A_998 : i32 to vector<16xi32>
    %sub3A_1000 = arith.subi %get3A_991, %sub3A_999 : vector<16xi32>
    %sub3A_1001 = arith.constant 4 : i32
    %sub3A_1002 = vector.broadcast %sub3A_1001 : i32 to vector<16xi32>
    %sub3A_1003 = arith.subi %sub3A_1002, %get3A_991 : vector<16xi32>
    %select_n3A_1004 = arith.select %gt3A_997, %sub3A_1000, %sub3A_1003 : vector<16xi1>, vector<16xi32>
    %jit3A_1005 = arith.constant 0 : i32
    %jit3A_1006 = arith.constant 201 : i32
    %broadcast_in_dim3A_1007 = vector.broadcast %jit3A_1005 : i32 to vector<16xi32>
    %broadcast_in_dim3A_1008 = vector.broadcast %jit3A_1006 : i32 to vector<16xi32>
    %select_n3A_1009 = arith.select %gt3A_997, %broadcast_in_dim3A_1007, %broadcast_in_dim3A_1008 : vector<16xi1>, vector<16xi32>
    %add3A_1010 = arith.addi %select_n3A_1004, %select_n3A_1009 : vector<16xi32>
    %add3A_1011 = arith.constant 402 : i32
    %add3A_1012 = arith.addi %add3A_1011, %add3A : i32
    %jit3A_1013 = arith.constant 0 : i32
    %jit3A_1014 = arith.constant 32 : i32
    %broadcast_in_dim3A_1015 = vector.broadcast %jit3A_1013 : i32 to vector<16xi32>
    %broadcast_in_dim3A_1016 = vector.broadcast %jit3A_1014 : i32 to vector<16xi32>
    %select_n3A_1017 = arith.select %gt3A_997, %broadcast_in_dim3A_1015, %broadcast_in_dim3A_1016 : vector<16xi1>, vector<16xi32>
    %add3A_1018 = vector.broadcast %add3A_1012 : i32 to vector<16xi32>
    %add3A_1019 = arith.addi %add3A_1018, %select_n3A_1017 : vector<16xi32>
    %gt3A_1020 = arith.constant 3 : i32
    %gt3A_1021 = vector.broadcast %gt3A_1020 : i32 to vector<16xi32>
    %gt3A_1022 = arith.cmpi sgt, %get3A_994, %gt3A_1021 : vector<16xi32>
    %select_n3A_1023 = arith.select %gt3A_1022, %add3A_1010, %add3A_1019 : vector<16xi1>, vector<16xi32>
    %swap3A_1024 = arith.constant 16 : index
    %swap3A_1025 = tpu.vector_load %arg12[%swap3A_1024] {strides = array<i32>} : memref<128xi32, #tpu.memory_space<vmem>>, vector<16xi32>,
    %swap3A_1026 = vector.shape_cast %swap3A_1025 : vector<16xi32> to vector<16xi32>
    %swap3A_1027 = vector.shape_cast %select_n3A_1023 : vector<16xi32> to vector<16xi32>
    tpu.vector_store %arg12[%swap3A_1024], %swap3A_1027 {strides = array<i32>} : memref<128xi32, #tpu.memory_space<vmem>>, vector<16xi32>,
    %get3A_1028 = arith.constant 32 : index
    %get3A_1029 = tpu.vector_load %arg6[%get3A_1028] {strides = array<i32>} : memref<128xi32, #tpu.memory_space<vmem>>, vector<16xi32>,
    %get3A_1030 = vector.shape_cast %get3A_1029 : vector<16xi32> to vector<16xi32>
    %get3A_1031 = arith.constant 32 : index
    %get3A_1032 = tpu.vector_load %arg7[%get3A_1031] {strides = array<i32>} : memref<128xi32, #tpu.memory_space<vmem>>, vector<16xi32>,
    %get3A_1033 = vector.shape_cast %get3A_1032 : vector<16xi32> to vector<16xi32>
    %gt3A_1034 = arith.constant 3 : i32
    %gt3A_1035 = vector.broadcast %gt3A_1034 : i32 to vector<16xi32>
    %gt3A_1036 = arith.cmpi sgt, %get3A_1030, %gt3A_1035 : vector<16xi32>
    %sub3A_1037 = arith.constant 3 : i32
    %sub3A_1038 = vector.broadcast %sub3A_1037 : i32 to vector<16xi32>
    %sub3A_1039 = arith.subi %get3A_1030, %sub3A_1038 : vector<16xi32>
    %sub3A_1040 = arith.constant 4 : i32
    %sub3A_1041 = vector.broadcast %sub3A_1040 : i32 to vector<16xi32>
    %sub3A_1042 = arith.subi %sub3A_1041, %get3A_1030 : vector<16xi32>
    %select_n3A_1043 = arith.select %gt3A_1036, %sub3A_1039, %sub3A_1042 : vector<16xi1>, vector<16xi32>
    %jit3A_1044 = arith.constant 0 : i32
    %jit3A_1045 = arith.constant 201 : i32
    %broadcast_in_dim3A_1046 = vector.broadcast %jit3A_1044 : i32 to vector<16xi32>
    %broadcast_in_dim3A_1047 = vector.broadcast %jit3A_1045 : i32 to vector<16xi32>
    %select_n3A_1048 = arith.select %gt3A_1036, %broadcast_in_dim3A_1046, %broadcast_in_dim3A_1047 : vector<16xi1>, vector<16xi32>
    %add3A_1049 = arith.addi %select_n3A_1043, %select_n3A_1048 : vector<16xi32>
    %add3A_1050 = arith.constant 402 : i32
    %add3A_1051 = arith.addi %add3A_1050, %add3A : i32
    %jit3A_1052 = arith.constant 0 : i32
    %jit3A_1053 = arith.constant 32 : i32
    %broadcast_in_dim3A_1054 = vector.broadcast %jit3A_1052 : i32 to vector<16xi32>
    %broadcast_in_dim3A_1055 = vector.broadcast %jit3A_1053 : i32 to vector<16xi32>
    %select_n3A_1056 = arith.select %gt3A_1036, %broadcast_in_dim3A_1054, %broadcast_in_dim3A_1055 : vector<16xi1>, vector<16xi32>
    %add3A_1057 = vector.broadcast %add3A_1051 : i32 to vector<16xi32>
    %add3A_1058 = arith.addi %add3A_1057, %select_n3A_1056 : vector<16xi32>
    %gt3A_1059 = arith.constant 3 : i32
    %gt3A_1060 = vector.broadcast %gt3A_1059 : i32 to vector<16xi32>
    %gt3A_1061 = arith.cmpi sgt, %get3A_1033, %gt3A_1060 : vector<16xi32>
    %select_n3A_1062 = arith.select %gt3A_1061, %add3A_1049, %add3A_1058 : vector<16xi1>, vector<16xi32>
    %swap3A_1063 = arith.constant 32 : index
    %swap3A_1064 = tpu.vector_load %arg12[%swap3A_1063] {strides = array<i32>} : memref<128xi32, #tpu.memory_space<vmem>>, vector<16xi32>,
    %swap3A_1065 = vector.shape_cast %swap3A_1064 : vector<16xi32> to vector<16xi32>
    %swap3A_1066 = vector.shape_cast %select_n3A_1062 : vector<16xi32> to vector<16xi32>
    tpu.vector_store %arg12[%swap3A_1063], %swap3A_1066 {strides = array<i32>} : memref<128xi32, #tpu.memory_space<vmem>>, vector<16xi32>,
    %get3A_1067 = arith.constant 48 : index
    %get3A_1068 = tpu.vector_load %arg6[%get3A_1067] {strides = array<i32>} : memref<128xi32, #tpu.memory_space<vmem>>, vector<16xi32>,
    %get3A_1069 = vector.shape_cast %get3A_1068 : vector<16xi32> to vector<16xi32>
    %get3A_1070 = arith.constant 48 : index
    %get3A_1071 = tpu.vector_load %arg7[%get3A_1070] {strides = array<i32>} : memref<128xi32, #tpu.memory_space<vmem>>, vector<16xi32>,
    %get3A_1072 = vector.shape_cast %get3A_1071 : vector<16xi32> to vector<16xi32>
    %gt3A_1073 = arith.constant 3 : i32
    %gt3A_1074 = vector.broadcast %gt3A_1073 : i32 to vector<16xi32>
    %gt3A_1075 = arith.cmpi sgt, %get3A_1069, %gt3A_1074 : vector<16xi32>
    %sub3A_1076 = arith.constant 3 : i32
    %sub3A_1077 = vector.broadcast %sub3A_1076 : i32 to vector<16xi32>
    %sub3A_1078 = arith.subi %get3A_1069, %sub3A_1077 : vector<16xi32>
    %sub3A_1079 = arith.constant 4 : i32
    %sub3A_1080 = vector.broadcast %sub3A_1079 : i32 to vector<16xi32>
    %sub3A_1081 = arith.subi %sub3A_1080, %get3A_1069 : vector<16xi32>
    %select_n3A_1082 = arith.select %gt3A_1075, %sub3A_1078, %sub3A_1081 : vector<16xi1>, vector<16xi32>
    %jit3A_1083 = arith.constant 0 : i32
    %jit3A_1084 = arith.constant 201 : i32
    %broadcast_in_dim3A_1085 = vector.broadcast %jit3A_1083 : i32 to vector<16xi32>
    %broadcast_in_dim3A_1086 = vector.broadcast %jit3A_1084 : i32 to vector<16xi32>
    %select_n3A_1087 = arith.select %gt3A_1075, %broadcast_in_dim3A_1085, %broadcast_in_dim3A_1086 : vector<16xi1>, vector<16xi32>
    %add3A_1088 = arith.addi %select_n3A_1082, %select_n3A_1087 : vector<16xi32>
    %add3A_1089 = arith.constant 402 : i32
    %add3A_1090 = arith.addi %add3A_1089, %add3A : i32
    %jit3A_1091 = arith.constant 0 : i32
    %jit3A_1092 = arith.constant 32 : i32
    %broadcast_in_dim3A_1093 = vector.broadcast %jit3A_1091 : i32 to vector<16xi32>
    %broadcast_in_dim3A_1094 = vector.broadcast %jit3A_1092 : i32 to vector<16xi32>
    %select_n3A_1095 = arith.select %gt3A_1075, %broadcast_in_dim3A_1093, %broadcast_in_dim3A_1094 : vector<16xi1>, vector<16xi32>
    %add3A_1096 = vector.broadcast %add3A_1090 : i32 to vector<16xi32>
    %add3A_1097 = arith.addi %add3A_1096, %select_n3A_1095 : vector<16xi32>
    %gt3A_1098 = arith.constant 3 : i32
    %gt3A_1099 = vector.broadcast %gt3A_1098 : i32 to vector<16xi32>
    %gt3A_1100 = arith.cmpi sgt, %get3A_1072, %gt3A_1099 : vector<16xi32>
    %select_n3A_1101 = arith.select %gt3A_1100, %add3A_1088, %add3A_1097 : vector<16xi1>, vector<16xi32>
    %swap3A_1102 = arith.constant 48 : index
    %swap3A_1103 = tpu.vector_load %arg12[%swap3A_1102] {strides = array<i32>} : memref<128xi32, #tpu.memory_space<vmem>>, vector<16xi32>,
    %swap3A_1104 = vector.shape_cast %swap3A_1103 : vector<16xi32> to vector<16xi32>
    %swap3A_1105 = vector.shape_cast %select_n3A_1101 : vector<16xi32> to vector<16xi32>
    tpu.vector_store %arg12[%swap3A_1102], %swap3A_1105 {strides = array<i32>} : memref<128xi32, #tpu.memory_space<vmem>>, vector<16xi32>,
    %get3A_1106 = arith.constant 64 : index
    %get3A_1107 = tpu.vector_load %arg6[%get3A_1106] {strides = array<i32>} : memref<128xi32, #tpu.memory_space<vmem>>, vector<16xi32>,
    %get3A_1108 = vector.shape_cast %get3A_1107 : vector<16xi32> to vector<16xi32>
    %get3A_1109 = arith.constant 64 : index
    %get3A_1110 = tpu.vector_load %arg7[%get3A_1109] {strides = array<i32>} : memref<128xi32, #tpu.memory_space<vmem>>, vector<16xi32>,
    %get3A_1111 = vector.shape_cast %get3A_1110 : vector<16xi32> to vector<16xi32>
    %gt3A_1112 = arith.constant 3 : i32
    %gt3A_1113 = vector.broadcast %gt3A_1112 : i32 to vector<16xi32>
    %gt3A_1114 = arith.cmpi sgt, %get3A_1108, %gt3A_1113 : vector<16xi32>
    %sub3A_1115 = arith.constant 3 : i32
    %sub3A_1116 = vector.broadcast %sub3A_1115 : i32 to vector<16xi32>
    %sub3A_1117 = arith.subi %get3A_1108, %sub3A_1116 : vector<16xi32>
    %sub3A_1118 = arith.constant 4 : i32
    %sub3A_1119 = vector.broadcast %sub3A_1118 : i32 to vector<16xi32>
    %sub3A_1120 = arith.subi %sub3A_1119, %get3A_1108 : vector<16xi32>
    %select_n3A_1121 = arith.select %gt3A_1114, %sub3A_1117, %sub3A_1120 : vector<16xi1>, vector<16xi32>
    %jit3A_1122 = arith.constant 0 : i32
    %jit3A_1123 = arith.constant 201 : i32
    %broadcast_in_dim3A_1124 = vector.broadcast %jit3A_1122 : i32 to vector<16xi32>
    %broadcast_in_dim3A_1125 = vector.broadcast %jit3A_1123 : i32 to vector<16xi32>
    %select_n3A_1126 = arith.select %gt3A_1114, %broadcast_in_dim3A_1124, %broadcast_in_dim3A_1125 : vector<16xi1>, vector<16xi32>
    %add3A_1127 = arith.addi %select_n3A_1121, %select_n3A_1126 : vector<16xi32>
    %add3A_1128 = arith.constant 402 : i32
    %add3A_1129 = arith.addi %add3A_1128, %add3A : i32
    %jit3A_1130 = arith.constant 0 : i32
    %jit3A_1131 = arith.constant 32 : i32
    %broadcast_in_dim3A_1132 = vector.broadcast %jit3A_1130 : i32 to vector<16xi32>
    %broadcast_in_dim3A_1133 = vector.broadcast %jit3A_1131 : i32 to vector<16xi32>
    %select_n3A_1134 = arith.select %gt3A_1114, %broadcast_in_dim3A_1132, %broadcast_in_dim3A_1133 : vector<16xi1>, vector<16xi32>
    %add3A_1135 = vector.broadcast %add3A_1129 : i32 to vector<16xi32>
    %add3A_1136 = arith.addi %add3A_1135, %select_n3A_1134 : vector<16xi32>
    %gt3A_1137 = arith.constant 3 : i32
    %gt3A_1138 = vector.broadcast %gt3A_1137 : i32 to vector<16xi32>
    %gt3A_1139 = arith.cmpi sgt, %get3A_1111, %gt3A_1138 : vector<16xi32>
    %select_n3A_1140 = arith.select %gt3A_1139, %add3A_1127, %add3A_1136 : vector<16xi1>, vector<16xi32>
    %swap3A_1141 = arith.constant 64 : index
    %swap3A_1142 = tpu.vector_load %arg12[%swap3A_1141] {strides = array<i32>} : memref<128xi32, #tpu.memory_space<vmem>>, vector<16xi32>,
    %swap3A_1143 = vector.shape_cast %swap3A_1142 : vector<16xi32> to vector<16xi32>
    %swap3A_1144 = vector.shape_cast %select_n3A_1140 : vector<16xi32> to vector<16xi32>
    tpu.vector_store %arg12[%swap3A_1141], %swap3A_1144 {strides = array<i32>} : memref<128xi32, #tpu.memory_space<vmem>>, vector<16xi32>,
    %get3A_1145 = arith.constant 80 : index
    %get3A_1146 = tpu.vector_load %arg6[%get3A_1145] {strides = array<i32>} : memref<128xi32, #tpu.memory_space<vmem>>, vector<16xi32>,
    %get3A_1147 = vector.shape_cast %get3A_1146 : vector<16xi32> to vector<16xi32>
    %get3A_1148 = arith.constant 80 : index
    %get3A_1149 = tpu.vector_load %arg7[%get3A_1148] {strides = array<i32>} : memref<128xi32, #tpu.memory_space<vmem>>, vector<16xi32>,
    %get3A_1150 = vector.shape_cast %get3A_1149 : vector<16xi32> to vector<16xi32>
    %gt3A_1151 = arith.constant 3 : i32
    %gt3A_1152 = vector.broadcast %gt3A_1151 : i32 to vector<16xi32>
    %gt3A_1153 = arith.cmpi sgt, %get3A_1147, %gt3A_1152 : vector<16xi32>
    %sub3A_1154 = arith.constant 3 : i32
    %sub3A_1155 = vector.broadcast %sub3A_1154 : i32 to vector<16xi32>
    %sub3A_1156 = arith.subi %get3A_1147, %sub3A_1155 : vector<16xi32>
    %sub3A_1157 = arith.constant 4 : i32
    %sub3A_1158 = vector.broadcast %sub3A_1157 : i32 to vector<16xi32>
    %sub3A_1159 = arith.subi %sub3A_1158, %get3A_1147 : vector<16xi32>
    %select_n3A_1160 = arith.select %gt3A_1153, %sub3A_1156, %sub3A_1159 : vector<16xi1>, vector<16xi32>
    %jit3A_1161 = arith.constant 0 : i32
    %jit3A_1162 = arith.constant 201 : i32
    %broadcast_in_dim3A_1163 = vector.broadcast %jit3A_1161 : i32 to vector<16xi32>
    %broadcast_in_dim3A_1164 = vector.broadcast %jit3A_1162 : i32 to vector<16xi32>
    %select_n3A_1165 = arith.select %gt3A_1153, %broadcast_in_dim3A_1163, %broadcast_in_dim3A_1164 : vector<16xi1>, vector<16xi32>
    %add3A_1166 = arith.addi %select_n3A_1160, %select_n3A_1165 : vector<16xi32>
    %add3A_1167 = arith.constant 402 : i32
    %add3A_1168 = arith.addi %add3A_1167, %add3A : i32
    %jit3A_1169 = arith.constant 0 : i32
    %jit3A_1170 = arith.constant 32 : i32
    %broadcast_in_dim3A_1171 = vector.broadcast %jit3A_1169 : i32 to vector<16xi32>
    %broadcast_in_dim3A_1172 = vector.broadcast %jit3A_1170 : i32 to vector<16xi32>
    %select_n3A_1173 = arith.select %gt3A_1153, %broadcast_in_dim3A_1171, %broadcast_in_dim3A_1172 : vector<16xi1>, vector<16xi32>
    %add3A_1174 = vector.broadcast %add3A_1168 : i32 to vector<16xi32>
    %add3A_1175 = arith.addi %add3A_1174, %select_n3A_1173 : vector<16xi32>
    %gt3A_1176 = arith.constant 3 : i32
    %gt3A_1177 = vector.broadcast %gt3A_1176 : i32 to vector<16xi32>
    %gt3A_1178 = arith.cmpi sgt, %get3A_1150, %gt3A_1177 : vector<16xi32>
    %select_n3A_1179 = arith.select %gt3A_1178, %add3A_1166, %add3A_1175 : vector<16xi1>, vector<16xi32>
    %swap3A_1180 = arith.constant 80 : index
    %swap3A_1181 = tpu.vector_load %arg12[%swap3A_1180] {strides = array<i32>} : memref<128xi32, #tpu.memory_space<vmem>>, vector<16xi32>,
    %swap3A_1182 = vector.shape_cast %swap3A_1181 : vector<16xi32> to vector<16xi32>
    %swap3A_1183 = vector.shape_cast %select_n3A_1179 : vector<16xi32> to vector<16xi32>
    tpu.vector_store %arg12[%swap3A_1180], %swap3A_1183 {strides = array<i32>} : memref<128xi32, #tpu.memory_space<vmem>>, vector<16xi32>,
    %get3A_1184 = arith.constant 96 : index
    %get3A_1185 = tpu.vector_load %arg6[%get3A_1184] {strides = array<i32>} : memref<128xi32, #tpu.memory_space<vmem>>, vector<16xi32>,
    %get3A_1186 = vector.shape_cast %get3A_1185 : vector<16xi32> to vector<16xi32>
    %get3A_1187 = arith.constant 96 : index
    %get3A_1188 = tpu.vector_load %arg7[%get3A_1187] {strides = array<i32>} : memref<128xi32, #tpu.memory_space<vmem>>, vector<16xi32>,
    %get3A_1189 = vector.shape_cast %get3A_1188 : vector<16xi32> to vector<16xi32>
    %gt3A_1190 = arith.constant 3 : i32
    %gt3A_1191 = vector.broadcast %gt3A_1190 : i32 to vector<16xi32>
    %gt3A_1192 = arith.cmpi sgt, %get3A_1186, %gt3A_1191 : vector<16xi32>
    %sub3A_1193 = arith.constant 3 : i32
    %sub3A_1194 = vector.broadcast %sub3A_1193 : i32 to vector<16xi32>
    %sub3A_1195 = arith.subi %get3A_1186, %sub3A_1194 : vector<16xi32>
    %sub3A_1196 = arith.constant 4 : i32
    %sub3A_1197 = vector.broadcast %sub3A_1196 : i32 to vector<16xi32>
    %sub3A_1198 = arith.subi %sub3A_1197, %get3A_1186 : vector<16xi32>
    %select_n3A_1199 = arith.select %gt3A_1192, %sub3A_1195, %sub3A_1198 : vector<16xi1>, vector<16xi32>
    %jit3A_1200 = arith.constant 0 : i32
    %jit3A_1201 = arith.constant 201 : i32
    %broadcast_in_dim3A_1202 = vector.broadcast %jit3A_1200 : i32 to vector<16xi32>
    %broadcast_in_dim3A_1203 = vector.broadcast %jit3A_1201 : i32 to vector<16xi32>
    %select_n3A_1204 = arith.select %gt3A_1192, %broadcast_in_dim3A_1202, %broadcast_in_dim3A_1203 : vector<16xi1>, vector<16xi32>
    %add3A_1205 = arith.addi %select_n3A_1199, %select_n3A_1204 : vector<16xi32>
    %add3A_1206 = arith.constant 402 : i32
    %add3A_1207 = arith.addi %add3A_1206, %add3A : i32
    %jit3A_1208 = arith.constant 0 : i32
    %jit3A_1209 = arith.constant 32 : i32
    %broadcast_in_dim3A_1210 = vector.broadcast %jit3A_1208 : i32 to vector<16xi32>
    %broadcast_in_dim3A_1211 = vector.broadcast %jit3A_1209 : i32 to vector<16xi32>
    %select_n3A_1212 = arith.select %gt3A_1192, %broadcast_in_dim3A_1210, %broadcast_in_dim3A_1211 : vector<16xi1>, vector<16xi32>
    %add3A_1213 = vector.broadcast %add3A_1207 : i32 to vector<16xi32>
    %add3A_1214 = arith.addi %add3A_1213, %select_n3A_1212 : vector<16xi32>
    %gt3A_1215 = arith.constant 3 : i32
    %gt3A_1216 = vector.broadcast %gt3A_1215 : i32 to vector<16xi32>
    %gt3A_1217 = arith.cmpi sgt, %get3A_1189, %gt3A_1216 : vector<16xi32>
    %select_n3A_1218 = arith.select %gt3A_1217, %add3A_1205, %add3A_1214 : vector<16xi1>, vector<16xi32>
    %swap3A_1219 = arith.constant 96 : index
    %swap3A_1220 = tpu.vector_load %arg12[%swap3A_1219] {strides = array<i32>} : memref<128xi32, #tpu.memory_space<vmem>>, vector<16xi32>,
    %swap3A_1221 = vector.shape_cast %swap3A_1220 : vector<16xi32> to vector<16xi32>
    %swap3A_1222 = vector.shape_cast %select_n3A_1218 : vector<16xi32> to vector<16xi32>
    tpu.vector_store %arg12[%swap3A_1219], %swap3A_1222 {strides = array<i32>} : memref<128xi32, #tpu.memory_space<vmem>>, vector<16xi32>,
    %get3A_1223 = arith.constant 112 : index
    %get3A_1224 = tpu.vector_load %arg6[%get3A_1223] {strides = array<i32>} : memref<128xi32, #tpu.memory_space<vmem>>, vector<16xi32>,
    %get3A_1225 = vector.shape_cast %get3A_1224 : vector<16xi32> to vector<16xi32>
    %get3A_1226 = arith.constant 112 : index
    %get3A_1227 = tpu.vector_load %arg7[%get3A_1226] {strides = array<i32>} : memref<128xi32, #tpu.memory_space<vmem>>, vector<16xi32>,
    %get3A_1228 = vector.shape_cast %get3A_1227 : vector<16xi32> to vector<16xi32>
    %gt3A_1229 = arith.constant 3 : i32
    %gt3A_1230 = vector.broadcast %gt3A_1229 : i32 to vector<16xi32>
    %gt3A_1231 = arith.cmpi sgt, %get3A_1225, %gt3A_1230 : vector<16xi32>
    %sub3A_1232 = arith.constant 3 : i32
    %sub3A_1233 = vector.broadcast %sub3A_1232 : i32 to vector<16xi32>
    %sub3A_1234 = arith.subi %get3A_1225, %sub3A_1233 : vector<16xi32>
    %sub3A_1235 = arith.constant 4 : i32
    %sub3A_1236 = vector.broadcast %sub3A_1235 : i32 to vector<16xi32>
    %sub3A_1237 = arith.subi %sub3A_1236, %get3A_1225 : vector<16xi32>
    %select_n3A_1238 = arith.select %gt3A_1231, %sub3A_1234, %sub3A_1237 : vector<16xi1>, vector<16xi32>
    %jit3A_1239 = arith.constant 0 : i32
    %jit3A_1240 = arith.constant 201 : i32
    %broadcast_in_dim3A_1241 = vector.broadcast %jit3A_1239 : i32 to vector<16xi32>
    %broadcast_in_dim3A_1242 = vector.broadcast %jit3A_1240 : i32 to vector<16xi32>
    %select_n3A_1243 = arith.select %gt3A_1231, %broadcast_in_dim3A_1241, %broadcast_in_dim3A_1242 : vector<16xi1>, vector<16xi32>
    %add3A_1244 = arith.addi %select_n3A_1238, %select_n3A_1243 : vector<16xi32>
    %add3A_1245 = arith.constant 402 : i32
    %add3A_1246 = arith.addi %add3A_1245, %add3A : i32
    %jit3A_1247 = arith.constant 0 : i32
    %jit3A_1248 = arith.constant 32 : i32
    %broadcast_in_dim3A_1249 = vector.broadcast %jit3A_1247 : i32 to vector<16xi32>
    %broadcast_in_dim3A_1250 = vector.broadcast %jit3A_1248 : i32 to vector<16xi32>
    %select_n3A_1251 = arith.select %gt3A_1231, %broadcast_in_dim3A_1249, %broadcast_in_dim3A_1250 : vector<16xi1>, vector<16xi32>
    %add3A_1252 = vector.broadcast %add3A_1246 : i32 to vector<16xi32>
    %add3A_1253 = arith.addi %add3A_1252, %select_n3A_1251 : vector<16xi32>
    %gt3A_1254 = arith.constant 3 : i32
    %gt3A_1255 = vector.broadcast %gt3A_1254 : i32 to vector<16xi32>
    %gt3A_1256 = arith.cmpi sgt, %get3A_1228, %gt3A_1255 : vector<16xi32>
    %select_n3A_1257 = arith.select %gt3A_1256, %add3A_1244, %add3A_1253 : vector<16xi1>, vector<16xi32>
    %swap3A_1258 = arith.constant 112 : index
    %swap3A_1259 = tpu.vector_load %arg12[%swap3A_1258] {strides = array<i32>} : memref<128xi32, #tpu.memory_space<vmem>>, vector<16xi32>,
    %swap3A_1260 = vector.shape_cast %swap3A_1259 : vector<16xi32> to vector<16xi32>
    %swap3A_1261 = vector.shape_cast %select_n3A_1257 : vector<16xi32> to vector<16xi32>
    tpu.vector_store %arg12[%swap3A_1258], %swap3A_1261 {strides = array<i32>} : memref<128xi32, #tpu.memory_space<vmem>>, vector<16xi32>,
    %dma_start3A_1262 = arith.constant 0 : i32
    %dma_start3A_1263 = arith.constant 0 : i32
    %dma_start3A_1264 = tpu.memref_slice %arg8[%dma_start3A_1262, %dma_start3A_1263] : memref<512x128xf32, #tpu.memory_space<vmem_shared>> -> memref<512x128xf32, #tpu.memory_space<vmem_shared>>
    tpu.enqueue_indirect_dma source(%dma_start3A_1264 : memref<512x128xf32, #tpu.memory_space<vmem_shared>>) target(%arg16 : memref<128x128xf32, #tpu.memory_space<vmem>>) offsets(%arg12 : memref<128xi32, #tpu.memory_space<vmem>>) semaphore(%arg20 : memref<!tpu.dma_semaphore, #tpu.memory_space<semaphore_mem>>)
    %dma_wait3A_1265 = arith.constant 0 : i32
    %dma_wait3A_1266 = arith.constant 0 : i32
    %dma_wait3A_1267 = tpu.memref_slice %arg8[%dma_wait3A_1265, %dma_wait3A_1266] : memref<512x128xf32, #tpu.memory_space<vmem_shared>> -> memref<512x128xf32, #tpu.memory_space<vmem_shared>>
    tpu.wait_indirect_dma semaphore(%arg18 : memref<!tpu.dma_semaphore, #tpu.memory_space<semaphore_mem>>) src(%dma_wait3A_1267 : memref<512x128xf32, #tpu.memory_space<vmem_shared>>) dst(%arg14 : memref<128x128xf32, #tpu.memory_space<vmem>>)
    %add3A_1268 = arith.constant 4096 : i32
    %add3A_1269 = arith.addi %add3A_1268, %mul3A_2 : i32
    %dma_start3A_1270 = arith.constant 0 : i32
    %dma_start3A_1271 = tpu.memref_slice %arg5[%add3A_1269, %dma_start3A_1270] : memref<819200x128xf32, #tpu.memory_space<hbm>> -> memref<128x128xf32, #tpu.memory_space<hbm>>
    %dma_start3A_1272 = arith.constant 0 : i32
    %dma_start3A_1273 = tpu.memref_slice %arg5[%add3A_1269, %dma_start3A_1272] : memref<819200x128xf32, #tpu.memory_space<hbm>> -> memref<128x128xf32, #tpu.memory_space<hbm>>
    tpu.enqueue_dma source(%arg14 : memref<128x128xf32, #tpu.memory_space<vmem>>) target(%dma_start3A_1273 : memref<128x128xf32, #tpu.memory_space<hbm>>) target_semaphore(%arg22 : memref<!tpu.dma_semaphore, #tpu.memory_space<semaphore_mem>>)
    %scan3A = arith.constant 0 : i32
    %scan3A_1274 = arith.constant 49 : i32
    %scan3A_1275 = arith.addi %scan3A, %scan3A_1274 : i32
    %scan3A_1276 = arith.constant 1 : i32
    scf.for %scan3A_1320 = %scan3A to %scan3A_1275 step %scan3A_1276  : i32 {
      %mul3A_1321 = arith.constant 4 : i32
      %mul3A_1322 = arith.muli %mul3A_1321, %scan3A_1320 : i32
      %add3A_1323 = arith.constant 4 : i32
      %add3A_1324 = arith.addi %add3A_1323, %mul3A_1322 : i32
      %add3A_1325 = arith.constant 0 : i32
      %add3A_1326 = arith.addi %add3A_1324, %add3A_1325 : i32
      %get3A_1327 = arith.constant 0 : index
      %get3A_1328 = tpu.vector_load %arg6[%get3A_1327] {strides = array<i32>} : memref<128xi32, #tpu.memory_space<vmem>>, vector<16xi32>,
      %get3A_1329 = vector.shape_cast %get3A_1328 : vector<16xi32> to vector<16xi32>
      %get3A_1330 = arith.constant 0 : index
      %get3A_1331 = tpu.vector_load %arg7[%get3A_1330] {strides = array<i32>} : memref<128xi32, #tpu.memory_space<vmem>>, vector<16xi32>,
      %get3A_1332 = vector.shape_cast %get3A_1331 : vector<16xi32> to vector<16xi32>
      %lt3A = vector.broadcast %add3A_1326 : i32 to vector<16xi32>
      %lt3A_1333 = arith.cmpi slt, %lt3A, %get3A_1329 : vector<16xi32>
      %sub3A_1334 = vector.broadcast %add3A_1326 : i32 to vector<16xi32>
      %sub3A_1335 = arith.subi %get3A_1329, %sub3A_1334 : vector<16xi32>
      %add3A_1336 = arith.constant 1 : i32
      %add3A_1337 = arith.addi %add3A_1326, %add3A_1336 : i32
      %sub3A_1338 = vector.broadcast %add3A_1337 : i32 to vector<16xi32>
      %sub3A_1339 = arith.subi %sub3A_1338, %get3A_1329 : vector<16xi32>
      %select_n3A_1340 = arith.select %lt3A_1333, %sub3A_1335, %sub3A_1339 : vector<16xi1>, vector<16xi32>
      %jit3A_1341 = arith.constant 0 : i32
      %jit3A_1342 = arith.constant 201 : i32
      %broadcast_in_dim3A_1343 = vector.broadcast %jit3A_1341 : i32 to vector<16xi32>
      %broadcast_in_dim3A_1344 = vector.broadcast %jit3A_1342 : i32 to vector<16xi32>
      %select_n3A_1345 = arith.select %lt3A_1333, %broadcast_in_dim3A_1343, %broadcast_in_dim3A_1344 : vector<16xi1>, vector<16xi32>
      %add3A_1346 = arith.addi %select_n3A_1340, %select_n3A_1345 : vector<16xi32>
      %add3A_1347 = arith.constant 402 : i32
      %add3A_1348 = arith.addi %add3A_1347, %add3A : i32
      %jit3A_1349 = arith.constant 0 : i32
      %jit3A_1350 = arith.constant 32 : i32
      %broadcast_in_dim3A_1351 = vector.broadcast %jit3A_1349 : i32 to vector<16xi32>
      %broadcast_in_dim3A_1352 = vector.broadcast %jit3A_1350 : i32 to vector<16xi32>
      %select_n3A_1353 = arith.select %lt3A_1333, %broadcast_in_dim3A_1351, %broadcast_in_dim3A_1352 : vector<16xi1>, vector<16xi32>
      %add3A_1354 = vector.broadcast %add3A_1348 : i32 to vector<16xi32>
      %add3A_1355 = arith.addi %add3A_1354, %select_n3A_1353 : vector<16xi32>
      %lt3A_1356 = vector.broadcast %add3A_1326 : i32 to vector<16xi32>
      %lt3A_1357 = arith.cmpi slt, %lt3A_1356, %get3A_1332 : vector<16xi32>
      %select_n3A_1358 = arith.select %lt3A_1357, %add3A_1346, %add3A_1355 : vector<16xi1>, vector<16xi32>
      %swap3A_1359 = arith.constant 0 : index
      %swap3A_1360 = tpu.vector_load %arg9[%swap3A_1359] {strides = array<i32>} : memref<128xi32, #tpu.memory_space<vmem>>, vector<16xi32>,
      %swap3A_1361 = vector.shape_cast %swap3A_1360 : vector<16xi32> to vector<16xi32>
      %swap3A_1362 = vector.shape_cast %select_n3A_1358 : vector<16xi32> to vector<16xi32>
      tpu.vector_store %arg9[%swap3A_1359], %swap3A_1362 {strides = array<i32>} : memref<128xi32, #tpu.memory_space<vmem>>, vector<16xi32>,
      %get3A_1363 = arith.constant 16 : index
      %get3A_1364 = tpu.vector_load %arg6[%get3A_1363] {strides = array<i32>} : memref<128xi32, #tpu.memory_space<vmem>>, vector<16xi32>,
      %get3A_1365 = vector.shape_cast %get3A_1364 : vector<16xi32> to vector<16xi32>
      %get3A_1366 = arith.constant 16 : index
      %get3A_1367 = tpu.vector_load %arg7[%get3A_1366] {strides = array<i32>} : memref<128xi32, #tpu.memory_space<vmem>>, vector<16xi32>,
      %get3A_1368 = vector.shape_cast %get3A_1367 : vector<16xi32> to vector<16xi32>
      %lt3A_1369 = vector.broadcast %add3A_1326 : i32 to vector<16xi32>
      %lt3A_1370 = arith.cmpi slt, %lt3A_1369, %get3A_1365 : vector<16xi32>
      %sub3A_1371 = vector.broadcast %add3A_1326 : i32 to vector<16xi32>
      %sub3A_1372 = arith.subi %get3A_1365, %sub3A_1371 : vector<16xi32>
      %add3A_1373 = arith.constant 1 : i32
      %add3A_1374 = arith.addi %add3A_1326, %add3A_1373 : i32
      %sub3A_1375 = vector.broadcast %add3A_1374 : i32 to vector<16xi32>
      %sub3A_1376 = arith.subi %sub3A_1375, %get3A_1365 : vector<16xi32>
      %select_n3A_1377 = arith.select %lt3A_1370, %sub3A_1372, %sub3A_1376 : vector<16xi1>, vector<16xi32>
      %jit3A_1378 = arith.constant 0 : i32
      %jit3A_1379 = arith.constant 201 : i32
      %broadcast_in_dim3A_1380 = vector.broadcast %jit3A_1378 : i32 to vector<16xi32>
      %broadcast_in_dim3A_1381 = vector.broadcast %jit3A_1379 : i32 to vector<16xi32>
      %select_n3A_1382 = arith.select %lt3A_1370, %broadcast_in_dim3A_1380, %broadcast_in_dim3A_1381 : vector<16xi1>, vector<16xi32>
      %add3A_1383 = arith.addi %select_n3A_1377, %select_n3A_1382 : vector<16xi32>
      %add3A_1384 = arith.constant 402 : i32
      %add3A_1385 = arith.addi %add3A_1384, %add3A : i32
      %jit3A_1386 = arith.constant 0 : i32
      %jit3A_1387 = arith.constant 32 : i32
      %broadcast_in_dim3A_1388 = vector.broadcast %jit3A_1386 : i32 to vector<16xi32>
      %broadcast_in_dim3A_1389 = vector.broadcast %jit3A_1387 : i32 to vector<16xi32>
      %select_n3A_1390 = arith.select %lt3A_1370, %broadcast_in_dim3A_1388, %broadcast_in_dim3A_1389 : vector<16xi1>, vector<16xi32>
      %add3A_1391 = vector.broadcast %add3A_1385 : i32 to vector<16xi32>
      %add3A_1392 = arith.addi %add3A_1391, %select_n3A_1390 : vector<16xi32>
      %lt3A_1393 = vector.broadcast %add3A_1326 : i32 to vector<16xi32>
      %lt3A_1394 = arith.cmpi slt, %lt3A_1393, %get3A_1368 : vector<16xi32>
      %select_n3A_1395 = arith.select %lt3A_1394, %add3A_1383, %add3A_1392 : vector<16xi1>, vector<16xi32>
      %swap3A_1396 = arith.constant 16 : index
      %swap3A_1397 = tpu.vector_load %arg9[%swap3A_1396] {strides = array<i32>} : memref<128xi32, #tpu.memory_space<vmem>>, vector<16xi32>,
      %swap3A_1398 = vector.shape_cast %swap3A_1397 : vector<16xi32> to vector<16xi32>
      %swap3A_1399 = vector.shape_cast %select_n3A_1395 : vector<16xi32> to vector<16xi32>
      tpu.vector_store %arg9[%swap3A_1396], %swap3A_1399 {strides = array<i32>} : memref<128xi32, #tpu.memory_space<vmem>>, vector<16xi32>,
      %get3A_1400 = arith.constant 32 : index
      %get3A_1401 = tpu.vector_load %arg6[%get3A_1400] {strides = array<i32>} : memref<128xi32, #tpu.memory_space<vmem>>, vector<16xi32>,
      %get3A_1402 = vector.shape_cast %get3A_1401 : vector<16xi32> to vector<16xi32>
      %get3A_1403 = arith.constant 32 : index
      %get3A_1404 = tpu.vector_load %arg7[%get3A_1403] {strides = array<i32>} : memref<128xi32, #tpu.memory_space<vmem>>, vector<16xi32>,
      %get3A_1405 = vector.shape_cast %get3A_1404 : vector<16xi32> to vector<16xi32>
      %lt3A_1406 = vector.broadcast %add3A_1326 : i32 to vector<16xi32>
      %lt3A_1407 = arith.cmpi slt, %lt3A_1406, %get3A_1402 : vector<16xi32>
      %sub3A_1408 = vector.broadcast %add3A_1326 : i32 to vector<16xi32>
      %sub3A_1409 = arith.subi %get3A_1402, %sub3A_1408 : vector<16xi32>
      %add3A_1410 = arith.constant 1 : i32
      %add3A_1411 = arith.addi %add3A_1326, %add3A_1410 : i32
      %sub3A_1412 = vector.broadcast %add3A_1411 : i32 to vector<16xi32>
      %sub3A_1413 = arith.subi %sub3A_1412, %get3A_1402 : vector<16xi32>
      %select_n3A_1414 = arith.select %lt3A_1407, %sub3A_1409, %sub3A_1413 : vector<16xi1>, vector<16xi32>
      %jit3A_1415 = arith.constant 0 : i32
      %jit3A_1416 = arith.constant 201 : i32
      %broadcast_in_dim3A_1417 = vector.broadcast %jit3A_1415 : i32 to vector<16xi32>
      %broadcast_in_dim3A_1418 = vector.broadcast %jit3A_1416 : i32 to vector<16xi32>
      %select_n3A_1419 = arith.select %lt3A_1407, %broadcast_in_dim3A_1417, %broadcast_in_dim3A_1418 : vector<16xi1>, vector<16xi32>
      %add3A_1420 = arith.addi %select_n3A_1414, %select_n3A_1419 : vector<16xi32>
      %add3A_1421 = arith.constant 402 : i32
      %add3A_1422 = arith.addi %add3A_1421, %add3A : i32
      %jit3A_1423 = arith.constant 0 : i32
      %jit3A_1424 = arith.constant 32 : i32
      %broadcast_in_dim3A_1425 = vector.broadcast %jit3A_1423 : i32 to vector<16xi32>
      %broadcast_in_dim3A_1426 = vector.broadcast %jit3A_1424 : i32 to vector<16xi32>
      %select_n3A_1427 = arith.select %lt3A_1407, %broadcast_in_dim3A_1425, %broadcast_in_dim3A_1426 : vector<16xi1>, vector<16xi32>
      %add3A_1428 = vector.broadcast %add3A_1422 : i32 to vector<16xi32>
      %add3A_1429 = arith.addi %add3A_1428, %select_n3A_1427 : vector<16xi32>
      %lt3A_1430 = vector.broadcast %add3A_1326 : i32 to vector<16xi32>
      %lt3A_1431 = arith.cmpi slt, %lt3A_1430, %get3A_1405 : vector<16xi32>
      %select_n3A_1432 = arith.select %lt3A_1431, %add3A_1420, %add3A_1429 : vector<16xi1>, vector<16xi32>
      %swap3A_1433 = arith.constant 32 : index
      %swap3A_1434 = tpu.vector_load %arg9[%swap3A_1433] {strides = array<i32>} : memref<128xi32, #tpu.memory_space<vmem>>, vector<16xi32>,
      %swap3A_1435 = vector.shape_cast %swap3A_1434 : vector<16xi32> to vector<16xi32>
      %swap3A_1436 = vector.shape_cast %select_n3A_1432 : vector<16xi32> to vector<16xi32>
      tpu.vector_store %arg9[%swap3A_1433], %swap3A_1436 {strides = array<i32>} : memref<128xi32, #tpu.memory_space<vmem>>, vector<16xi32>,
      %get3A_1437 = arith.constant 48 : index
      %get3A_1438 = tpu.vector_load %arg6[%get3A_1437] {strides = array<i32>} : memref<128xi32, #tpu.memory_space<vmem>>, vector<16xi32>,
      %get3A_1439 = vector.shape_cast %get3A_1438 : vector<16xi32> to vector<16xi32>
      %get3A_1440 = arith.constant 48 : index
      %get3A_1441 = tpu.vector_load %arg7[%get3A_1440] {strides = array<i32>} : memref<128xi32, #tpu.memory_space<vmem>>, vector<16xi32>,
      %get3A_1442 = vector.shape_cast %get3A_1441 : vector<16xi32> to vector<16xi32>
      %lt3A_1443 = vector.broadcast %add3A_1326 : i32 to vector<16xi32>
      %lt3A_1444 = arith.cmpi slt, %lt3A_1443, %get3A_1439 : vector<16xi32>
      %sub3A_1445 = vector.broadcast %add3A_1326 : i32 to vector<16xi32>
      %sub3A_1446 = arith.subi %get3A_1439, %sub3A_1445 : vector<16xi32>
      %add3A_1447 = arith.constant 1 : i32
      %add3A_1448 = arith.addi %add3A_1326, %add3A_1447 : i32
      %sub3A_1449 = vector.broadcast %add3A_1448 : i32 to vector<16xi32>
      %sub3A_1450 = arith.subi %sub3A_1449, %get3A_1439 : vector<16xi32>
      %select_n3A_1451 = arith.select %lt3A_1444, %sub3A_1446, %sub3A_1450 : vector<16xi1>, vector<16xi32>
      %jit3A_1452 = arith.constant 0 : i32
      %jit3A_1453 = arith.constant 201 : i32
      %broadcast_in_dim3A_1454 = vector.broadcast %jit3A_1452 : i32 to vector<16xi32>
      %broadcast_in_dim3A_1455 = vector.broadcast %jit3A_1453 : i32 to vector<16xi32>
      %select_n3A_1456 = arith.select %lt3A_1444, %broadcast_in_dim3A_1454, %broadcast_in_dim3A_1455 : vector<16xi1>, vector<16xi32>
      %add3A_1457 = arith.addi %select_n3A_1451, %select_n3A_1456 : vector<16xi32>
      %add3A_1458 = arith.constant 402 : i32
      %add3A_1459 = arith.addi %add3A_1458, %add3A : i32
      %jit3A_1460 = arith.constant 0 : i32
      %jit3A_1461 = arith.constant 32 : i32
      %broadcast_in_dim3A_1462 = vector.broadcast %jit3A_1460 : i32 to vector<16xi32>
      %broadcast_in_dim3A_1463 = vector.broadcast %jit3A_1461 : i32 to vector<16xi32>
      %select_n3A_1464 = arith.select %lt3A_1444, %broadcast_in_dim3A_1462, %broadcast_in_dim3A_1463 : vector<16xi1>, vector<16xi32>
      %add3A_1465 = vector.broadcast %add3A_1459 : i32 to vector<16xi32>
      %add3A_1466 = arith.addi %add3A_1465, %select_n3A_1464 : vector<16xi32>
      %lt3A_1467 = vector.broadcast %add3A_1326 : i32 to vector<16xi32>
      %lt3A_1468 = arith.cmpi slt, %lt3A_1467, %get3A_1442 : vector<16xi32>
      %select_n3A_1469 = arith.select %lt3A_1468, %add3A_1457, %add3A_1466 : vector<16xi1>, vector<16xi32>
      %swap3A_1470 = arith.constant 48 : index
      %swap3A_1471 = tpu.vector_load %arg9[%swap3A_1470] {strides = array<i32>} : memref<128xi32, #tpu.memory_space<vmem>>, vector<16xi32>,
      %swap3A_1472 = vector.shape_cast %swap3A_1471 : vector<16xi32> to vector<16xi32>
      %swap3A_1473 = vector.shape_cast %select_n3A_1469 : vector<16xi32> to vector<16xi32>
      tpu.vector_store %arg9[%swap3A_1470], %swap3A_1473 {strides = array<i32>} : memref<128xi32, #tpu.memory_space<vmem>>, vector<16xi32>,
      %get3A_1474 = arith.constant 64 : index
      %get3A_1475 = tpu.vector_load %arg6[%get3A_1474] {strides = array<i32>} : memref<128xi32, #tpu.memory_space<vmem>>, vector<16xi32>,
      %get3A_1476 = vector.shape_cast %get3A_1475 : vector<16xi32> to vector<16xi32>
      %get3A_1477 = arith.constant 64 : index
      %get3A_1478 = tpu.vector_load %arg7[%get3A_1477] {strides = array<i32>} : memref<128xi32, #tpu.memory_space<vmem>>, vector<16xi32>,
      %get3A_1479 = vector.shape_cast %get3A_1478 : vector<16xi32> to vector<16xi32>
      %lt3A_1480 = vector.broadcast %add3A_1326 : i32 to vector<16xi32>
      %lt3A_1481 = arith.cmpi slt, %lt3A_1480, %get3A_1476 : vector<16xi32>
      %sub3A_1482 = vector.broadcast %add3A_1326 : i32 to vector<16xi32>
      %sub3A_1483 = arith.subi %get3A_1476, %sub3A_1482 : vector<16xi32>
      %add3A_1484 = arith.constant 1 : i32
      %add3A_1485 = arith.addi %add3A_1326, %add3A_1484 : i32
      %sub3A_1486 = vector.broadcast %add3A_1485 : i32 to vector<16xi32>
      %sub3A_1487 = arith.subi %sub3A_1486, %get3A_1476 : vector<16xi32>
      %select_n3A_1488 = arith.select %lt3A_1481, %sub3A_1483, %sub3A_1487 : vector<16xi1>, vector<16xi32>
      %jit3A_1489 = arith.constant 0 : i32
      %jit3A_1490 = arith.constant 201 : i32
      %broadcast_in_dim3A_1491 = vector.broadcast %jit3A_1489 : i32 to vector<16xi32>
      %broadcast_in_dim3A_1492 = vector.broadcast %jit3A_1490 : i32 to vector<16xi32>
      %select_n3A_1493 = arith.select %lt3A_1481, %broadcast_in_dim3A_1491, %broadcast_in_dim3A_1492 : vector<16xi1>, vector<16xi32>
      %add3A_1494 = arith.addi %select_n3A_1488, %select_n3A_1493 : vector<16xi32>
      %add3A_1495 = arith.constant 402 : i32
      %add3A_1496 = arith.addi %add3A_1495, %add3A : i32
      %jit3A_1497 = arith.constant 0 : i32
      %jit3A_1498 = arith.constant 32 : i32
      %broadcast_in_dim3A_1499 = vector.broadcast %jit3A_1497 : i32 to vector<16xi32>
      %broadcast_in_dim3A_1500 = vector.broadcast %jit3A_1498 : i32 to vector<16xi32>
      %select_n3A_1501 = arith.select %lt3A_1481, %broadcast_in_dim3A_1499, %broadcast_in_dim3A_1500 : vector<16xi1>, vector<16xi32>
      %add3A_1502 = vector.broadcast %add3A_1496 : i32 to vector<16xi32>
      %add3A_1503 = arith.addi %add3A_1502, %select_n3A_1501 : vector<16xi32>
      %lt3A_1504 = vector.broadcast %add3A_1326 : i32 to vector<16xi32>
      %lt3A_1505 = arith.cmpi slt, %lt3A_1504, %get3A_1479 : vector<16xi32>
      %select_n3A_1506 = arith.select %lt3A_1505, %add3A_1494, %add3A_1503 : vector<16xi1>, vector<16xi32>
      %swap3A_1507 = arith.constant 64 : index
      %swap3A_1508 = tpu.vector_load %arg9[%swap3A_1507] {strides = array<i32>} : memref<128xi32, #tpu.memory_space<vmem>>, vector<16xi32>,
      %swap3A_1509 = vector.shape_cast %swap3A_1508 : vector<16xi32> to vector<16xi32>
      %swap3A_1510 = vector.shape_cast %select_n3A_1506 : vector<16xi32> to vector<16xi32>
      tpu.vector_store %arg9[%swap3A_1507], %swap3A_1510 {strides = array<i32>} : memref<128xi32, #tpu.memory_space<vmem>>, vector<16xi32>,
      %get3A_1511 = arith.constant 80 : index
      %get3A_1512 = tpu.vector_load %arg6[%get3A_1511] {strides = array<i32>} : memref<128xi32, #tpu.memory_space<vmem>>, vector<16xi32>,
      %get3A_1513 = vector.shape_cast %get3A_1512 : vector<16xi32> to vector<16xi32>
      %get3A_1514 = arith.constant 80 : index
      %get3A_1515 = tpu.vector_load %arg7[%get3A_1514] {strides = array<i32>} : memref<128xi32, #tpu.memory_space<vmem>>, vector<16xi32>,
      %get3A_1516 = vector.shape_cast %get3A_1515 : vector<16xi32> to vector<16xi32>
      %lt3A_1517 = vector.broadcast %add3A_1326 : i32 to vector<16xi32>
      %lt3A_1518 = arith.cmpi slt, %lt3A_1517, %get3A_1513 : vector<16xi32>
      %sub3A_1519 = vector.broadcast %add3A_1326 : i32 to vector<16xi32>
      %sub3A_1520 = arith.subi %get3A_1513, %sub3A_1519 : vector<16xi32>
      %add3A_1521 = arith.constant 1 : i32
      %add3A_1522 = arith.addi %add3A_1326, %add3A_1521 : i32
      %sub3A_1523 = vector.broadcast %add3A_1522 : i32 to vector<16xi32>
      %sub3A_1524 = arith.subi %sub3A_1523, %get3A_1513 : vector<16xi32>
      %select_n3A_1525 = arith.select %lt3A_1518, %sub3A_1520, %sub3A_1524 : vector<16xi1>, vector<16xi32>
      %jit3A_1526 = arith.constant 0 : i32
      %jit3A_1527 = arith.constant 201 : i32
      %broadcast_in_dim3A_1528 = vector.broadcast %jit3A_1526 : i32 to vector<16xi32>
      %broadcast_in_dim3A_1529 = vector.broadcast %jit3A_1527 : i32 to vector<16xi32>
      %select_n3A_1530 = arith.select %lt3A_1518, %broadcast_in_dim3A_1528, %broadcast_in_dim3A_1529 : vector<16xi1>, vector<16xi32>
      %add3A_1531 = arith.addi %select_n3A_1525, %select_n3A_1530 : vector<16xi32>
      %add3A_1532 = arith.constant 402 : i32
      %add3A_1533 = arith.addi %add3A_1532, %add3A : i32
      %jit3A_1534 = arith.constant 0 : i32
      %jit3A_1535 = arith.constant 32 : i32
      %broadcast_in_dim3A_1536 = vector.broadcast %jit3A_1534 : i32 to vector<16xi32>
      %broadcast_in_dim3A_1537 = vector.broadcast %jit3A_1535 : i32 to vector<16xi32>
      %select_n3A_1538 = arith.select %lt3A_1518, %broadcast_in_dim3A_1536, %broadcast_in_dim3A_1537 : vector<16xi1>, vector<16xi32>
      %add3A_1539 = vector.broadcast %add3A_1533 : i32 to vector<16xi32>
      %add3A_1540 = arith.addi %add3A_1539, %select_n3A_1538 : vector<16xi32>
      %lt3A_1541 = vector.broadcast %add3A_1326 : i32 to vector<16xi32>
      %lt3A_1542 = arith.cmpi slt, %lt3A_1541, %get3A_1516 : vector<16xi32>
      %select_n3A_1543 = arith.select %lt3A_1542, %add3A_1531, %add3A_1540 : vector<16xi1>, vector<16xi32>
      %swap3A_1544 = arith.constant 80 : index
      %swap3A_1545 = tpu.vector_load %arg9[%swap3A_1544] {strides = array<i32>} : memref<128xi32, #tpu.memory_space<vmem>>, vector<16xi32>,
      %swap3A_1546 = vector.shape_cast %swap3A_1545 : vector<16xi32> to vector<16xi32>
      %swap3A_1547 = vector.shape_cast %select_n3A_1543 : vector<16xi32> to vector<16xi32>
      tpu.vector_store %arg9[%swap3A_1544], %swap3A_1547 {strides = array<i32>} : memref<128xi32, #tpu.memory_space<vmem>>, vector<16xi32>,
      %get3A_1548 = arith.constant 96 : index
      %get3A_1549 = tpu.vector_load %arg6[%get3A_1548] {strides = array<i32>} : memref<128xi32, #tpu.memory_space<vmem>>, vector<16xi32>,
      %get3A_1550 = vector.shape_cast %get3A_1549 : vector<16xi32> to vector<16xi32>
      %get3A_1551 = arith.constant 96 : index
      %get3A_1552 = tpu.vector_load %arg7[%get3A_1551] {strides = array<i32>} : memref<128xi32, #tpu.memory_space<vmem>>, vector<16xi32>,
      %get3A_1553 = vector.shape_cast %get3A_1552 : vector<16xi32> to vector<16xi32>
      %lt3A_1554 = vector.broadcast %add3A_1326 : i32 to vector<16xi32>
      %lt3A_1555 = arith.cmpi slt, %lt3A_1554, %get3A_1550 : vector<16xi32>
      %sub3A_1556 = vector.broadcast %add3A_1326 : i32 to vector<16xi32>
      %sub3A_1557 = arith.subi %get3A_1550, %sub3A_1556 : vector<16xi32>
      %add3A_1558 = arith.constant 1 : i32
      %add3A_1559 = arith.addi %add3A_1326, %add3A_1558 : i32
      %sub3A_1560 = vector.broadcast %add3A_1559 : i32 to vector<16xi32>
      %sub3A_1561 = arith.subi %sub3A_1560, %get3A_1550 : vector<16xi32>
      %select_n3A_1562 = arith.select %lt3A_1555, %sub3A_1557, %sub3A_1561 : vector<16xi1>, vector<16xi32>
      %jit3A_1563 = arith.constant 0 : i32
      %jit3A_1564 = arith.constant 201 : i32
      %broadcast_in_dim3A_1565 = vector.broadcast %jit3A_1563 : i32 to vector<16xi32>
      %broadcast_in_dim3A_1566 = vector.broadcast %jit3A_1564 : i32 to vector<16xi32>
      %select_n3A_1567 = arith.select %lt3A_1555, %broadcast_in_dim3A_1565, %broadcast_in_dim3A_1566 : vector<16xi1>, vector<16xi32>
      %add3A_1568 = arith.addi %select_n3A_1562, %select_n3A_1567 : vector<16xi32>
      %add3A_1569 = arith.constant 402 : i32
      %add3A_1570 = arith.addi %add3A_1569, %add3A : i32
      %jit3A_1571 = arith.constant 0 : i32
      %jit3A_1572 = arith.constant 32 : i32
      %broadcast_in_dim3A_1573 = vector.broadcast %jit3A_1571 : i32 to vector<16xi32>
      %broadcast_in_dim3A_1574 = vector.broadcast %jit3A_1572 : i32 to vector<16xi32>
      %select_n3A_1575 = arith.select %lt3A_1555, %broadcast_in_dim3A_1573, %broadcast_in_dim3A_1574 : vector<16xi1>, vector<16xi32>
      %add3A_1576 = vector.broadcast %add3A_1570 : i32 to vector<16xi32>
      %add3A_1577 = arith.addi %add3A_1576, %select_n3A_1575 : vector<16xi32>
      %lt3A_1578 = vector.broadcast %add3A_1326 : i32 to vector<16xi32>
      %lt3A_1579 = arith.cmpi slt, %lt3A_1578, %get3A_1553 : vector<16xi32>
      %select_n3A_1580 = arith.select %lt3A_1579, %add3A_1568, %add3A_1577 : vector<16xi1>, vector<16xi32>
      %swap3A_1581 = arith.constant 96 : index
      %swap3A_1582 = tpu.vector_load %arg9[%swap3A_1581] {strides = array<i32>} : memref<128xi32, #tpu.memory_space<vmem>>, vector<16xi32>,
      %swap3A_1583 = vector.shape_cast %swap3A_1582 : vector<16xi32> to vector<16xi32>
      %swap3A_1584 = vector.shape_cast %select_n3A_1580 : vector<16xi32> to vector<16xi32>
      tpu.vector_store %arg9[%swap3A_1581], %swap3A_1584 {strides = array<i32>} : memref<128xi32, #tpu.memory_space<vmem>>, vector<16xi32>,
      %get3A_1585 = arith.constant 112 : index
      %get3A_1586 = tpu.vector_load %arg6[%get3A_1585] {strides = array<i32>} : memref<128xi32, #tpu.memory_space<vmem>>, vector<16xi32>,
      %get3A_1587 = vector.shape_cast %get3A_1586 : vector<16xi32> to vector<16xi32>
      %get3A_1588 = arith.constant 112 : index
      %get3A_1589 = tpu.vector_load %arg7[%get3A_1588] {strides = array<i32>} : memref<128xi32, #tpu.memory_space<vmem>>, vector<16xi32>,
      %get3A_1590 = vector.shape_cast %get3A_1589 : vector<16xi32> to vector<16xi32>
      %lt3A_1591 = vector.broadcast %add3A_1326 : i32 to vector<16xi32>
      %lt3A_1592 = arith.cmpi slt, %lt3A_1591, %get3A_1587 : vector<16xi32>
      %sub3A_1593 = vector.broadcast %add3A_1326 : i32 to vector<16xi32>
      %sub3A_1594 = arith.subi %get3A_1587, %sub3A_1593 : vector<16xi32>
      %add3A_1595 = arith.constant 1 : i32
      %add3A_1596 = arith.addi %add3A_1326, %add3A_1595 : i32
      %sub3A_1597 = vector.broadcast %add3A_1596 : i32 to vector<16xi32>
      %sub3A_1598 = arith.subi %sub3A_1597, %get3A_1587 : vector<16xi32>
      %select_n3A_1599 = arith.select %lt3A_1592, %sub3A_1594, %sub3A_1598 : vector<16xi1>, vector<16xi32>
      %jit3A_1600 = arith.constant 0 : i32
      %jit3A_1601 = arith.constant 201 : i32
      %broadcast_in_dim3A_1602 = vector.broadcast %jit3A_1600 : i32 to vector<16xi32>
      %broadcast_in_dim3A_1603 = vector.broadcast %jit3A_1601 : i32 to vector<16xi32>
      %select_n3A_1604 = arith.select %lt3A_1592, %broadcast_in_dim3A_1602, %broadcast_in_dim3A_1603 : vector<16xi1>, vector<16xi32>
      %add3A_1605 = arith.addi %select_n3A_1599, %select_n3A_1604 : vector<16xi32>
      %add3A_1606 = arith.constant 402 : i32
      %add3A_1607 = arith.addi %add3A_1606, %add3A : i32
      %jit3A_1608 = arith.constant 0 : i32
      %jit3A_1609 = arith.constant 32 : i32
      %broadcast_in_dim3A_1610 = vector.broadcast %jit3A_1608 : i32 to vector<16xi32>
      %broadcast_in_dim3A_1611 = vector.broadcast %jit3A_1609 : i32 to vector<16xi32>
      %select_n3A_1612 = arith.select %lt3A_1592, %broadcast_in_dim3A_1610, %broadcast_in_dim3A_1611 : vector<16xi1>, vector<16xi32>
      %add3A_1613 = vector.broadcast %add3A_1607 : i32 to vector<16xi32>
      %add3A_1614 = arith.addi %add3A_1613, %select_n3A_1612 : vector<16xi32>
      %lt3A_1615 = vector.broadcast %add3A_1326 : i32 to vector<16xi32>
      %lt3A_1616 = arith.cmpi slt, %lt3A_1615, %get3A_1590 : vector<16xi32>
      %select_n3A_1617 = arith.select %lt3A_1616, %add3A_1605, %add3A_1614 : vector<16xi1>, vector<16xi32>
      %swap3A_1618 = arith.constant 112 : index
      %swap3A_1619 = tpu.vector_load %arg9[%swap3A_1618] {strides = array<i32>} : memref<128xi32, #tpu.memory_space<vmem>>, vector<16xi32>,
      %swap3A_1620 = vector.shape_cast %swap3A_1619 : vector<16xi32> to vector<16xi32>
      %swap3A_1621 = vector.shape_cast %select_n3A_1617 : vector<16xi32> to vector<16xi32>
      tpu.vector_store %arg9[%swap3A_1618], %swap3A_1621 {strides = array<i32>} : memref<128xi32, #tpu.memory_space<vmem>>, vector<16xi32>,
      %mul3A_1622 = arith.constant 4096 : i32
      %mul3A_1623 = arith.muli %add3A_1326, %mul3A_1622 : i32
      %add3A_1624 = arith.addi %mul3A_1623, %mul3A_2 : i32
      %dma_wait3A_1625 = arith.constant 0 : i32
      %dma_wait3A_1626 = tpu.memref_slice %arg5[%add3A_1624, %dma_wait3A_1625] : memref<819200x128xf32, #tpu.memory_space<hbm>> -> memref<128x128xf32, #tpu.memory_space<hbm>>
      %dma_wait3A_1627 = arith.constant 0 : i32
      %dma_wait3A_1628 = tpu.memref_slice %arg5[%add3A_1624, %dma_wait3A_1627] : memref<819200x128xf32, #tpu.memory_space<hbm>> -> memref<128x128xf32, #tpu.memory_space<hbm>>
      tpu.wait_dma2 semaphore(%arg21 : memref<!tpu.dma_semaphore, #tpu.memory_space<semaphore_mem>>) src(%arg13 : memref<128x128xf32, #tpu.memory_space<vmem>>) dst(%dma_wait3A_1628 : memref<128x128xf32, #tpu.memory_space<hbm>>)
      %dma_start3A_1629 = arith.constant 0 : i32
      %dma_start3A_1630 = arith.constant 0 : i32
      %dma_start3A_1631 = tpu.memref_slice %arg8[%dma_start3A_1629, %dma_start3A_1630] : memref<512x128xf32, #tpu.memory_space<vmem_shared>> -> memref<512x128xf32, #tpu.memory_space<vmem_shared>>
      tpu.enqueue_indirect_dma source(%dma_start3A_1631 : memref<512x128xf32, #tpu.memory_space<vmem_shared>>) target(%arg13 : memref<128x128xf32, #tpu.memory_space<vmem>>) offsets(%arg9 : memref<128xi32, #tpu.memory_space<vmem>>) semaphore(%arg17 : memref<!tpu.dma_semaphore, #tpu.memory_space<semaphore_mem>>)
      %dma_wait3A_1632 = arith.constant 0 : i32
      %dma_wait3A_1633 = arith.constant 0 : i32
      %dma_wait3A_1634 = tpu.memref_slice %arg8[%dma_wait3A_1632, %dma_wait3A_1633] : memref<512x128xf32, #tpu.memory_space<vmem_shared>> -> memref<512x128xf32, #tpu.memory_space<vmem_shared>>
      tpu.wait_indirect_dma semaphore(%arg19 : memref<!tpu.dma_semaphore, #tpu.memory_space<semaphore_mem>>) src(%dma_wait3A_1634 : memref<512x128xf32, #tpu.memory_space<vmem_shared>>) dst(%arg15 : memref<128x128xf32, #tpu.memory_space<vmem>>)
      %sub3A_1635 = arith.constant 2 : i32
      %sub3A_1636 = arith.subi %add3A_1326, %sub3A_1635 : i32
      %mul3A_1637 = arith.constant 4096 : i32
      %mul3A_1638 = arith.muli %sub3A_1636, %mul3A_1637 : i32
      %add3A_1639 = arith.addi %mul3A_1638, %mul3A_2 : i32
      %dma_start3A_1640 = arith.constant 0 : i32
      %dma_start3A_1641 = tpu.memref_slice %arg5[%add3A_1639, %dma_start3A_1640] : memref<819200x128xf32, #tpu.memory_space<hbm>> -> memref<128x128xf32, #tpu.memory_space<hbm>>
      %dma_start3A_1642 = arith.constant 0 : i32
      %dma_start3A_1643 = tpu.memref_slice %arg5[%add3A_1639, %dma_start3A_1642] : memref<819200x128xf32, #tpu.memory_space<hbm>> -> memref<128x128xf32, #tpu.memory_space<hbm>>
      tpu.enqueue_dma source(%arg15 : memref<128x128xf32, #tpu.memory_space<vmem>>) target(%dma_start3A_1643 : memref<128x128xf32, #tpu.memory_space<hbm>>) target_semaphore(%arg23 : memref<!tpu.dma_semaphore, #tpu.memory_space<semaphore_mem>>)
      %mul3A_1644 = arith.constant 4 : i32
      %mul3A_1645 = arith.muli %mul3A_1644, %scan3A_1320 : i32
      %add3A_1646 = arith.constant 4 : i32
      %add3A_1647 = arith.addi %add3A_1646, %mul3A_1645 : i32
      %add3A_1648 = arith.constant 1 : i32
      %add3A_1649 = arith.addi %add3A_1647, %add3A_1648 : i32
      %get3A_1650 = arith.constant 0 : index
      %get3A_1651 = tpu.vector_load %arg6[%get3A_1650] {strides = array<i32>} : memref<128xi32, #tpu.memory_space<vmem>>, vector<16xi32>,
      %get3A_1652 = vector.shape_cast %get3A_1651 : vector<16xi32> to vector<16xi32>
      %get3A_1653 = arith.constant 0 : index
      %get3A_1654 = tpu.vector_load %arg7[%get3A_1653] {strides = array<i32>} : memref<128xi32, #tpu.memory_space<vmem>>, vector<16xi32>,
      %get3A_1655 = vector.shape_cast %get3A_1654 : vector<16xi32> to vector<16xi32>
      %lt3A_1656 = vector.broadcast %add3A_1649 : i32 to vector<16xi32>
      %lt3A_1657 = arith.cmpi slt, %lt3A_1656, %get3A_1652 : vector<16xi32>
      %sub3A_1658 = vector.broadcast %add3A_1649 : i32 to vector<16xi32>
      %sub3A_1659 = arith.subi %get3A_1652, %sub3A_1658 : vector<16xi32>
      %add3A_1660 = arith.constant 1 : i32
      %add3A_1661 = arith.addi %add3A_1649, %add3A_1660 : i32
      %sub3A_1662 = vector.broadcast %add3A_1661 : i32 to vector<16xi32>
      %sub3A_1663 = arith.subi %sub3A_1662, %get3A_1652 : vector<16xi32>
      %select_n3A_1664 = arith.select %lt3A_1657, %sub3A_1659, %sub3A_1663 : vector<16xi1>, vector<16xi32>
      %jit3A_1665 = arith.constant 0 : i32
      %jit3A_1666 = arith.constant 201 : i32
      %broadcast_in_dim3A_1667 = vector.broadcast %jit3A_1665 : i32 to vector<16xi32>
      %broadcast_in_dim3A_1668 = vector.broadcast %jit3A_1666 : i32 to vector<16xi32>
      %select_n3A_1669 = arith.select %lt3A_1657, %broadcast_in_dim3A_1667, %broadcast_in_dim3A_1668 : vector<16xi1>, vector<16xi32>
      %add3A_1670 = arith.addi %select_n3A_1664, %select_n3A_1669 : vector<16xi32>
      %add3A_1671 = arith.constant 402 : i32
      %add3A_1672 = arith.addi %add3A_1671, %add3A : i32
      %jit3A_1673 = arith.constant 0 : i32
      %jit3A_1674 = arith.constant 32 : i32
      %broadcast_in_dim3A_1675 = vector.broadcast %jit3A_1673 : i32 to vector<16xi32>
      %broadcast_in_dim3A_1676 = vector.broadcast %jit3A_1674 : i32 to vector<16xi32>
      %select_n3A_1677 = arith.select %lt3A_1657, %broadcast_in_dim3A_1675, %broadcast_in_dim3A_1676 : vector<16xi1>, vector<16xi32>
      %add3A_1678 = vector.broadcast %add3A_1672 : i32 to vector<16xi32>
      %add3A_1679 = arith.addi %add3A_1678, %select_n3A_1677 : vector<16xi32>
      %lt3A_1680 = vector.broadcast %add3A_1649 : i32 to vector<16xi32>
      %lt3A_1681 = arith.cmpi slt, %lt3A_1680, %get3A_1655 : vector<16xi32>
      %select_n3A_1682 = arith.select %lt3A_1681, %add3A_1670, %add3A_1679 : vector<16xi1>, vector<16xi32>
      %swap3A_1683 = arith.constant 0 : index
      %swap3A_1684 = tpu.vector_load %arg10[%swap3A_1683] {strides = array<i32>} : memref<128xi32, #tpu.memory_space<vmem>>, vector<16xi32>,
      %swap3A_1685 = vector.shape_cast %swap3A_1684 : vector<16xi32> to vector<16xi32>
      %swap3A_1686 = vector.shape_cast %select_n3A_1682 : vector<16xi32> to vector<16xi32>
      tpu.vector_store %arg10[%swap3A_1683], %swap3A_1686 {strides = array<i32>} : memref<128xi32, #tpu.memory_space<vmem>>, vector<16xi32>,
      %get3A_1687 = arith.constant 16 : index
      %get3A_1688 = tpu.vector_load %arg6[%get3A_1687] {strides = array<i32>} : memref<128xi32, #tpu.memory_space<vmem>>, vector<16xi32>,
      %get3A_1689 = vector.shape_cast %get3A_1688 : vector<16xi32> to vector<16xi32>
      %get3A_1690 = arith.constant 16 : index
      %get3A_1691 = tpu.vector_load %arg7[%get3A_1690] {strides = array<i32>} : memref<128xi32, #tpu.memory_space<vmem>>, vector<16xi32>,
      %get3A_1692 = vector.shape_cast %get3A_1691 : vector<16xi32> to vector<16xi32>
      %lt3A_1693 = vector.broadcast %add3A_1649 : i32 to vector<16xi32>
      %lt3A_1694 = arith.cmpi slt, %lt3A_1693, %get3A_1689 : vector<16xi32>
      %sub3A_1695 = vector.broadcast %add3A_1649 : i32 to vector<16xi32>
      %sub3A_1696 = arith.subi %get3A_1689, %sub3A_1695 : vector<16xi32>
      %add3A_1697 = arith.constant 1 : i32
      %add3A_1698 = arith.addi %add3A_1649, %add3A_1697 : i32
      %sub3A_1699 = vector.broadcast %add3A_1698 : i32 to vector<16xi32>
      %sub3A_1700 = arith.subi %sub3A_1699, %get3A_1689 : vector<16xi32>
      %select_n3A_1701 = arith.select %lt3A_1694, %sub3A_1696, %sub3A_1700 : vector<16xi1>, vector<16xi32>
      %jit3A_1702 = arith.constant 0 : i32
      %jit3A_1703 = arith.constant 201 : i32
      %broadcast_in_dim3A_1704 = vector.broadcast %jit3A_1702 : i32 to vector<16xi32>
      %broadcast_in_dim3A_1705 = vector.broadcast %jit3A_1703 : i32 to vector<16xi32>
      %select_n3A_1706 = arith.select %lt3A_1694, %broadcast_in_dim3A_1704, %broadcast_in_dim3A_1705 : vector<16xi1>, vector<16xi32>
      %add3A_1707 = arith.addi %select_n3A_1701, %select_n3A_1706 : vector<16xi32>
      %add3A_1708 = arith.constant 402 : i32
      %add3A_1709 = arith.addi %add3A_1708, %add3A : i32
      %jit3A_1710 = arith.constant 0 : i32
      %jit3A_1711 = arith.constant 32 : i32
      %broadcast_in_dim3A_1712 = vector.broadcast %jit3A_1710 : i32 to vector<16xi32>
      %broadcast_in_dim3A_1713 = vector.broadcast %jit3A_1711 : i32 to vector<16xi32>
      %select_n3A_1714 = arith.select %lt3A_1694, %broadcast_in_dim3A_1712, %broadcast_in_dim3A_1713 : vector<16xi1>, vector<16xi32>
      %add3A_1715 = vector.broadcast %add3A_1709 : i32 to vector<16xi32>
      %add3A_1716 = arith.addi %add3A_1715, %select_n3A_1714 : vector<16xi32>
      %lt3A_1717 = vector.broadcast %add3A_1649 : i32 to vector<16xi32>
      %lt3A_1718 = arith.cmpi slt, %lt3A_1717, %get3A_1692 : vector<16xi32>
      %select_n3A_1719 = arith.select %lt3A_1718, %add3A_1707, %add3A_1716 : vector<16xi1>, vector<16xi32>
      %swap3A_1720 = arith.constant 16 : index
      %swap3A_1721 = tpu.vector_load %arg10[%swap3A_1720] {strides = array<i32>} : memref<128xi32, #tpu.memory_space<vmem>>, vector<16xi32>,
      %swap3A_1722 = vector.shape_cast %swap3A_1721 : vector<16xi32> to vector<16xi32>
      %swap3A_1723 = vector.shape_cast %select_n3A_1719 : vector<16xi32> to vector<16xi32>
      tpu.vector_store %arg10[%swap3A_1720], %swap3A_1723 {strides = array<i32>} : memref<128xi32, #tpu.memory_space<vmem>>, vector<16xi32>,
      %get3A_1724 = arith.constant 32 : index
      %get3A_1725 = tpu.vector_load %arg6[%get3A_1724] {strides = array<i32>} : memref<128xi32, #tpu.memory_space<vmem>>, vector<16xi32>,
      %get3A_1726 = vector.shape_cast %get3A_1725 : vector<16xi32> to vector<16xi32>
      %get3A_1727 = arith.constant 32 : index
      %get3A_1728 = tpu.vector_load %arg7[%get3A_1727] {strides = array<i32>} : memref<128xi32, #tpu.memory_space<vmem>>, vector<16xi32>,
      %get3A_1729 = vector.shape_cast %get3A_1728 : vector<16xi32> to vector<16xi32>
      %lt3A_1730 = vector.broadcast %add3A_1649 : i32 to vector<16xi32>
      %lt3A_1731 = arith.cmpi slt, %lt3A_1730, %get3A_1726 : vector<16xi32>
      %sub3A_1732 = vector.broadcast %add3A_1649 : i32 to vector<16xi32>
      %sub3A_1733 = arith.subi %get3A_1726, %sub3A_1732 : vector<16xi32>
      %add3A_1734 = arith.constant 1 : i32
      %add3A_1735 = arith.addi %add3A_1649, %add3A_1734 : i32
      %sub3A_1736 = vector.broadcast %add3A_1735 : i32 to vector<16xi32>
      %sub3A_1737 = arith.subi %sub3A_1736, %get3A_1726 : vector<16xi32>
      %select_n3A_1738 = arith.select %lt3A_1731, %sub3A_1733, %sub3A_1737 : vector<16xi1>, vector<16xi32>
      %jit3A_1739 = arith.constant 0 : i32
      %jit3A_1740 = arith.constant 201 : i32
      %broadcast_in_dim3A_1741 = vector.broadcast %jit3A_1739 : i32 to vector<16xi32>
      %broadcast_in_dim3A_1742 = vector.broadcast %jit3A_1740 : i32 to vector<16xi32>
      %select_n3A_1743 = arith.select %lt3A_1731, %broadcast_in_dim3A_1741, %broadcast_in_dim3A_1742 : vector<16xi1>, vector<16xi32>
      %add3A_1744 = arith.addi %select_n3A_1738, %select_n3A_1743 : vector<16xi32>
      %add3A_1745 = arith.constant 402 : i32
      %add3A_1746 = arith.addi %add3A_1745, %add3A : i32
      %jit3A_1747 = arith.constant 0 : i32
      %jit3A_1748 = arith.constant 32 : i32
      %broadcast_in_dim3A_1749 = vector.broadcast %jit3A_1747 : i32 to vector<16xi32>
      %broadcast_in_dim3A_1750 = vector.broadcast %jit3A_1748 : i32 to vector<16xi32>
      %select_n3A_1751 = arith.select %lt3A_1731, %broadcast_in_dim3A_1749, %broadcast_in_dim3A_1750 : vector<16xi1>, vector<16xi32>
      %add3A_1752 = vector.broadcast %add3A_1746 : i32 to vector<16xi32>
      %add3A_1753 = arith.addi %add3A_1752, %select_n3A_1751 : vector<16xi32>
      %lt3A_1754 = vector.broadcast %add3A_1649 : i32 to vector<16xi32>
      %lt3A_1755 = arith.cmpi slt, %lt3A_1754, %get3A_1729 : vector<16xi32>
      %select_n3A_1756 = arith.select %lt3A_1755, %add3A_1744, %add3A_1753 : vector<16xi1>, vector<16xi32>
      %swap3A_1757 = arith.constant 32 : index
      %swap3A_1758 = tpu.vector_load %arg10[%swap3A_1757] {strides = array<i32>} : memref<128xi32, #tpu.memory_space<vmem>>, vector<16xi32>,
      %swap3A_1759 = vector.shape_cast %swap3A_1758 : vector<16xi32> to vector<16xi32>
      %swap3A_1760 = vector.shape_cast %select_n3A_1756 : vector<16xi32> to vector<16xi32>
      tpu.vector_store %arg10[%swap3A_1757], %swap3A_1760 {strides = array<i32>} : memref<128xi32, #tpu.memory_space<vmem>>, vector<16xi32>,
      %get3A_1761 = arith.constant 48 : index
      %get3A_1762 = tpu.vector_load %arg6[%get3A_1761] {strides = array<i32>} : memref<128xi32, #tpu.memory_space<vmem>>, vector<16xi32>,
      %get3A_1763 = vector.shape_cast %get3A_1762 : vector<16xi32> to vector<16xi32>
      %get3A_1764 = arith.constant 48 : index
      %get3A_1765 = tpu.vector_load %arg7[%get3A_1764] {strides = array<i32>} : memref<128xi32, #tpu.memory_space<vmem>>, vector<16xi32>,
      %get3A_1766 = vector.shape_cast %get3A_1765 : vector<16xi32> to vector<16xi32>
      %lt3A_1767 = vector.broadcast %add3A_1649 : i32 to vector<16xi32>
      %lt3A_1768 = arith.cmpi slt, %lt3A_1767, %get3A_1763 : vector<16xi32>
      %sub3A_1769 = vector.broadcast %add3A_1649 : i32 to vector<16xi32>
      %sub3A_1770 = arith.subi %get3A_1763, %sub3A_1769 : vector<16xi32>
      %add3A_1771 = arith.constant 1 : i32
      %add3A_1772 = arith.addi %add3A_1649, %add3A_1771 : i32
      %sub3A_1773 = vector.broadcast %add3A_1772 : i32 to vector<16xi32>
      %sub3A_1774 = arith.subi %sub3A_1773, %get3A_1763 : vector<16xi32>
      %select_n3A_1775 = arith.select %lt3A_1768, %sub3A_1770, %sub3A_1774 : vector<16xi1>, vector<16xi32>
      %jit3A_1776 = arith.constant 0 : i32
      %jit3A_1777 = arith.constant 201 : i32
      %broadcast_in_dim3A_1778 = vector.broadcast %jit3A_1776 : i32 to vector<16xi32>
      %broadcast_in_dim3A_1779 = vector.broadcast %jit3A_1777 : i32 to vector<16xi32>
      %select_n3A_1780 = arith.select %lt3A_1768, %broadcast_in_dim3A_1778, %broadcast_in_dim3A_1779 : vector<16xi1>, vector<16xi32>
      %add3A_1781 = arith.addi %select_n3A_1775, %select_n3A_1780 : vector<16xi32>
      %add3A_1782 = arith.constant 402 : i32
      %add3A_1783 = arith.addi %add3A_1782, %add3A : i32
      %jit3A_1784 = arith.constant 0 : i32
      %jit3A_1785 = arith.constant 32 : i32
      %broadcast_in_dim3A_1786 = vector.broadcast %jit3A_1784 : i32 to vector<16xi32>
      %broadcast_in_dim3A_1787 = vector.broadcast %jit3A_1785 : i32 to vector<16xi32>
      %select_n3A_1788 = arith.select %lt3A_1768, %broadcast_in_dim3A_1786, %broadcast_in_dim3A_1787 : vector<16xi1>, vector<16xi32>
      %add3A_1789 = vector.broadcast %add3A_1783 : i32 to vector<16xi32>
      %add3A_1790 = arith.addi %add3A_1789, %select_n3A_1788 : vector<16xi32>
      %lt3A_1791 = vector.broadcast %add3A_1649 : i32 to vector<16xi32>
      %lt3A_1792 = arith.cmpi slt, %lt3A_1791, %get3A_1766 : vector<16xi32>
      %select_n3A_1793 = arith.select %lt3A_1792, %add3A_1781, %add3A_1790 : vector<16xi1>, vector<16xi32>
      %swap3A_1794 = arith.constant 48 : index
      %swap3A_1795 = tpu.vector_load %arg10[%swap3A_1794] {strides = array<i32>} : memref<128xi32, #tpu.memory_space<vmem>>, vector<16xi32>,
      %swap3A_1796 = vector.shape_cast %swap3A_1795 : vector<16xi32> to vector<16xi32>
      %swap3A_1797 = vector.shape_cast %select_n3A_1793 : vector<16xi32> to vector<16xi32>
      tpu.vector_store %arg10[%swap3A_1794], %swap3A_1797 {strides = array<i32>} : memref<128xi32, #tpu.memory_space<vmem>>, vector<16xi32>,
      %get3A_1798 = arith.constant 64 : index
      %get3A_1799 = tpu.vector_load %arg6[%get3A_1798] {strides = array<i32>} : memref<128xi32, #tpu.memory_space<vmem>>, vector<16xi32>,
      %get3A_1800 = vector.shape_cast %get3A_1799 : vector<16xi32> to vector<16xi32>
      %get3A_1801 = arith.constant 64 : index
      %get3A_1802 = tpu.vector_load %arg7[%get3A_1801] {strides = array<i32>} : memref<128xi32, #tpu.memory_space<vmem>>, vector<16xi32>,
      %get3A_1803 = vector.shape_cast %get3A_1802 : vector<16xi32> to vector<16xi32>
      %lt3A_1804 = vector.broadcast %add3A_1649 : i32 to vector<16xi32>
      %lt3A_1805 = arith.cmpi slt, %lt3A_1804, %get3A_1800 : vector<16xi32>
      %sub3A_1806 = vector.broadcast %add3A_1649 : i32 to vector<16xi32>
      %sub3A_1807 = arith.subi %get3A_1800, %sub3A_1806 : vector<16xi32>
      %add3A_1808 = arith.constant 1 : i32
      %add3A_1809 = arith.addi %add3A_1649, %add3A_1808 : i32
      %sub3A_1810 = vector.broadcast %add3A_1809 : i32 to vector<16xi32>
      %sub3A_1811 = arith.subi %sub3A_1810, %get3A_1800 : vector<16xi32>
      %select_n3A_1812 = arith.select %lt3A_1805, %sub3A_1807, %sub3A_1811 : vector<16xi1>, vector<16xi32>
      %jit3A_1813 = arith.constant 0 : i32
      %jit3A_1814 = arith.constant 201 : i32
      %broadcast_in_dim3A_1815 = vector.broadcast %jit3A_1813 : i32 to vector<16xi32>
      %broadcast_in_dim3A_1816 = vector.broadcast %jit3A_1814 : i32 to vector<16xi32>
      %select_n3A_1817 = arith.select %lt3A_1805, %broadcast_in_dim3A_1815, %broadcast_in_dim3A_1816 : vector<16xi1>, vector<16xi32>
      %add3A_1818 = arith.addi %select_n3A_1812, %select_n3A_1817 : vector<16xi32>
      %add3A_1819 = arith.constant 402 : i32
      %add3A_1820 = arith.addi %add3A_1819, %add3A : i32
      %jit3A_1821 = arith.constant 0 : i32
      %jit3A_1822 = arith.constant 32 : i32
      %broadcast_in_dim3A_1823 = vector.broadcast %jit3A_1821 : i32 to vector<16xi32>
      %broadcast_in_dim3A_1824 = vector.broadcast %jit3A_1822 : i32 to vector<16xi32>
      %select_n3A_1825 = arith.select %lt3A_1805, %broadcast_in_dim3A_1823, %broadcast_in_dim3A_1824 : vector<16xi1>, vector<16xi32>
      %add3A_1826 = vector.broadcast %add3A_1820 : i32 to vector<16xi32>
      %add3A_1827 = arith.addi %add3A_1826, %select_n3A_1825 : vector<16xi32>
      %lt3A_1828 = vector.broadcast %add3A_1649 : i32 to vector<16xi32>
      %lt3A_1829 = arith.cmpi slt, %lt3A_1828, %get3A_1803 : vector<16xi32>
      %select_n3A_1830 = arith.select %lt3A_1829, %add3A_1818, %add3A_1827 : vector<16xi1>, vector<16xi32>
      %swap3A_1831 = arith.constant 64 : index
      %swap3A_1832 = tpu.vector_load %arg10[%swap3A_1831] {strides = array<i32>} : memref<128xi32, #tpu.memory_space<vmem>>, vector<16xi32>,
      %swap3A_1833 = vector.shape_cast %swap3A_1832 : vector<16xi32> to vector<16xi32>
      %swap3A_1834 = vector.shape_cast %select_n3A_1830 : vector<16xi32> to vector<16xi32>
      tpu.vector_store %arg10[%swap3A_1831], %swap3A_1834 {strides = array<i32>} : memref<128xi32, #tpu.memory_space<vmem>>, vector<16xi32>,
      %get3A_1835 = arith.constant 80 : index
      %get3A_1836 = tpu.vector_load %arg6[%get3A_1835] {strides = array<i32>} : memref<128xi32, #tpu.memory_space<vmem>>, vector<16xi32>,
      %get3A_1837 = vector.shape_cast %get3A_1836 : vector<16xi32> to vector<16xi32>
      %get3A_1838 = arith.constant 80 : index
      %get3A_1839 = tpu.vector_load %arg7[%get3A_1838] {strides = array<i32>} : memref<128xi32, #tpu.memory_space<vmem>>, vector<16xi32>,
      %get3A_1840 = vector.shape_cast %get3A_1839 : vector<16xi32> to vector<16xi32>
      %lt3A_1841 = vector.broadcast %add3A_1649 : i32 to vector<16xi32>
      %lt3A_1842 = arith.cmpi slt, %lt3A_1841, %get3A_1837 : vector<16xi32>
      %sub3A_1843 = vector.broadcast %add3A_1649 : i32 to vector<16xi32>
      %sub3A_1844 = arith.subi %get3A_1837, %sub3A_1843 : vector<16xi32>
      %add3A_1845 = arith.constant 1 : i32
      %add3A_1846 = arith.addi %add3A_1649, %add3A_1845 : i32
      %sub3A_1847 = vector.broadcast %add3A_1846 : i32 to vector<16xi32>
      %sub3A_1848 = arith.subi %sub3A_1847, %get3A_1837 : vector<16xi32>
      %select_n3A_1849 = arith.select %lt3A_1842, %sub3A_1844, %sub3A_1848 : vector<16xi1>, vector<16xi32>
      %jit3A_1850 = arith.constant 0 : i32
      %jit3A_1851 = arith.constant 201 : i32
      %broadcast_in_dim3A_1852 = vector.broadcast %jit3A_1850 : i32 to vector<16xi32>
      %broadcast_in_dim3A_1853 = vector.broadcast %jit3A_1851 : i32 to vector<16xi32>
      %select_n3A_1854 = arith.select %lt3A_1842, %broadcast_in_dim3A_1852, %broadcast_in_dim3A_1853 : vector<16xi1>, vector<16xi32>
      %add3A_1855 = arith.addi %select_n3A_1849, %select_n3A_1854 : vector<16xi32>
      %add3A_1856 = arith.constant 402 : i32
      %add3A_1857 = arith.addi %add3A_1856, %add3A : i32
      %jit3A_1858 = arith.constant 0 : i32
      %jit3A_1859 = arith.constant 32 : i32
      %broadcast_in_dim3A_1860 = vector.broadcast %jit3A_1858 : i32 to vector<16xi32>
      %broadcast_in_dim3A_1861 = vector.broadcast %jit3A_1859 : i32 to vector<16xi32>
      %select_n3A_1862 = arith.select %lt3A_1842, %broadcast_in_dim3A_1860, %broadcast_in_dim3A_1861 : vector<16xi1>, vector<16xi32>
      %add3A_1863 = vector.broadcast %add3A_1857 : i32 to vector<16xi32>
      %add3A_1864 = arith.addi %add3A_1863, %select_n3A_1862 : vector<16xi32>
      %lt3A_1865 = vector.broadcast %add3A_1649 : i32 to vector<16xi32>
      %lt3A_1866 = arith.cmpi slt, %lt3A_1865, %get3A_1840 : vector<16xi32>
      %select_n3A_1867 = arith.select %lt3A_1866, %add3A_1855, %add3A_1864 : vector<16xi1>, vector<16xi32>
      %swap3A_1868 = arith.constant 80 : index
      %swap3A_1869 = tpu.vector_load %arg10[%swap3A_1868] {strides = array<i32>} : memref<128xi32, #tpu.memory_space<vmem>>, vector<16xi32>,
      %swap3A_1870 = vector.shape_cast %swap3A_1869 : vector<16xi32> to vector<16xi32>
      %swap3A_1871 = vector.shape_cast %select_n3A_1867 : vector<16xi32> to vector<16xi32>
      tpu.vector_store %arg10[%swap3A_1868], %swap3A_1871 {strides = array<i32>} : memref<128xi32, #tpu.memory_space<vmem>>, vector<16xi32>,
      %get3A_1872 = arith.constant 96 : index
      %get3A_1873 = tpu.vector_load %arg6[%get3A_1872] {strides = array<i32>} : memref<128xi32, #tpu.memory_space<vmem>>, vector<16xi32>,
      %get3A_1874 = vector.shape_cast %get3A_1873 : vector<16xi32> to vector<16xi32>
      %get3A_1875 = arith.constant 96 : index
      %get3A_1876 = tpu.vector_load %arg7[%get3A_1875] {strides = array<i32>} : memref<128xi32, #tpu.memory_space<vmem>>, vector<16xi32>,
      %get3A_1877 = vector.shape_cast %get3A_1876 : vector<16xi32> to vector<16xi32>
      %lt3A_1878 = vector.broadcast %add3A_1649 : i32 to vector<16xi32>
      %lt3A_1879 = arith.cmpi slt, %lt3A_1878, %get3A_1874 : vector<16xi32>
      %sub3A_1880 = vector.broadcast %add3A_1649 : i32 to vector<16xi32>
      %sub3A_1881 = arith.subi %get3A_1874, %sub3A_1880 : vector<16xi32>
      %add3A_1882 = arith.constant 1 : i32
      %add3A_1883 = arith.addi %add3A_1649, %add3A_1882 : i32
      %sub3A_1884 = vector.broadcast %add3A_1883 : i32 to vector<16xi32>
      %sub3A_1885 = arith.subi %sub3A_1884, %get3A_1874 : vector<16xi32>
      %select_n3A_1886 = arith.select %lt3A_1879, %sub3A_1881, %sub3A_1885 : vector<16xi1>, vector<16xi32>
      %jit3A_1887 = arith.constant 0 : i32
      %jit3A_1888 = arith.constant 201 : i32
      %broadcast_in_dim3A_1889 = vector.broadcast %jit3A_1887 : i32 to vector<16xi32>
      %broadcast_in_dim3A_1890 = vector.broadcast %jit3A_1888 : i32 to vector<16xi32>
      %select_n3A_1891 = arith.select %lt3A_1879, %broadcast_in_dim3A_1889, %broadcast_in_dim3A_1890 : vector<16xi1>, vector<16xi32>
      %add3A_1892 = arith.addi %select_n3A_1886, %select_n3A_1891 : vector<16xi32>
      %add3A_1893 = arith.constant 402 : i32
      %add3A_1894 = arith.addi %add3A_1893, %add3A : i32
      %jit3A_1895 = arith.constant 0 : i32
      %jit3A_1896 = arith.constant 32 : i32
      %broadcast_in_dim3A_1897 = vector.broadcast %jit3A_1895 : i32 to vector<16xi32>
      %broadcast_in_dim3A_1898 = vector.broadcast %jit3A_1896 : i32 to vector<16xi32>
      %select_n3A_1899 = arith.select %lt3A_1879, %broadcast_in_dim3A_1897, %broadcast_in_dim3A_1898 : vector<16xi1>, vector<16xi32>
      %add3A_1900 = vector.broadcast %add3A_1894 : i32 to vector<16xi32>
      %add3A_1901 = arith.addi %add3A_1900, %select_n3A_1899 : vector<16xi32>
      %lt3A_1902 = vector.broadcast %add3A_1649 : i32 to vector<16xi32>
      %lt3A_1903 = arith.cmpi slt, %lt3A_1902, %get3A_1877 : vector<16xi32>
      %select_n3A_1904 = arith.select %lt3A_1903, %add3A_1892, %add3A_1901 : vector<16xi1>, vector<16xi32>
      %swap3A_1905 = arith.constant 96 : index
      %swap3A_1906 = tpu.vector_load %arg10[%swap3A_1905] {strides = array<i32>} : memref<128xi32, #tpu.memory_space<vmem>>, vector<16xi32>,
      %swap3A_1907 = vector.shape_cast %swap3A_1906 : vector<16xi32> to vector<16xi32>
      %swap3A_1908 = vector.shape_cast %select_n3A_1904 : vector<16xi32> to vector<16xi32>
      tpu.vector_store %arg10[%swap3A_1905], %swap3A_1908 {strides = array<i32>} : memref<128xi32, #tpu.memory_space<vmem>>, vector<16xi32>,
      %get3A_1909 = arith.constant 112 : index
      %get3A_1910 = tpu.vector_load %arg6[%get3A_1909] {strides = array<i32>} : memref<128xi32, #tpu.memory_space<vmem>>, vector<16xi32>,
      %get3A_1911 = vector.shape_cast %get3A_1910 : vector<16xi32> to vector<16xi32>
      %get3A_1912 = arith.constant 112 : index
      %get3A_1913 = tpu.vector_load %arg7[%get3A_1912] {strides = array<i32>} : memref<128xi32, #tpu.memory_space<vmem>>, vector<16xi32>,
      %get3A_1914 = vector.shape_cast %get3A_1913 : vector<16xi32> to vector<16xi32>
      %lt3A_1915 = vector.broadcast %add3A_1649 : i32 to vector<16xi32>
      %lt3A_1916 = arith.cmpi slt, %lt3A_1915, %get3A_1911 : vector<16xi32>
      %sub3A_1917 = vector.broadcast %add3A_1649 : i32 to vector<16xi32>
      %sub3A_1918 = arith.subi %get3A_1911, %sub3A_1917 : vector<16xi32>
      %add3A_1919 = arith.constant 1 : i32
      %add3A_1920 = arith.addi %add3A_1649, %add3A_1919 : i32
      %sub3A_1921 = vector.broadcast %add3A_1920 : i32 to vector<16xi32>
      %sub3A_1922 = arith.subi %sub3A_1921, %get3A_1911 : vector<16xi32>
      %select_n3A_1923 = arith.select %lt3A_1916, %sub3A_1918, %sub3A_1922 : vector<16xi1>, vector<16xi32>
      %jit3A_1924 = arith.constant 0 : i32
      %jit3A_1925 = arith.constant 201 : i32
      %broadcast_in_dim3A_1926 = vector.broadcast %jit3A_1924 : i32 to vector<16xi32>
      %broadcast_in_dim3A_1927 = vector.broadcast %jit3A_1925 : i32 to vector<16xi32>
      %select_n3A_1928 = arith.select %lt3A_1916, %broadcast_in_dim3A_1926, %broadcast_in_dim3A_1927 : vector<16xi1>, vector<16xi32>
      %add3A_1929 = arith.addi %select_n3A_1923, %select_n3A_1928 : vector<16xi32>
      %add3A_1930 = arith.constant 402 : i32
      %add3A_1931 = arith.addi %add3A_1930, %add3A : i32
      %jit3A_1932 = arith.constant 0 : i32
      %jit3A_1933 = arith.constant 32 : i32
      %broadcast_in_dim3A_1934 = vector.broadcast %jit3A_1932 : i32 to vector<16xi32>
      %broadcast_in_dim3A_1935 = vector.broadcast %jit3A_1933 : i32 to vector<16xi32>
      %select_n3A_1936 = arith.select %lt3A_1916, %broadcast_in_dim3A_1934, %broadcast_in_dim3A_1935 : vector<16xi1>, vector<16xi32>
      %add3A_1937 = vector.broadcast %add3A_1931 : i32 to vector<16xi32>
      %add3A_1938 = arith.addi %add3A_1937, %select_n3A_1936 : vector<16xi32>
      %lt3A_1939 = vector.broadcast %add3A_1649 : i32 to vector<16xi32>
      %lt3A_1940 = arith.cmpi slt, %lt3A_1939, %get3A_1914 : vector<16xi32>
      %select_n3A_1941 = arith.select %lt3A_1940, %add3A_1929, %add3A_1938 : vector<16xi1>, vector<16xi32>
      %swap3A_1942 = arith.constant 112 : index
      %swap3A_1943 = tpu.vector_load %arg10[%swap3A_1942] {strides = array<i32>} : memref<128xi32, #tpu.memory_space<vmem>>, vector<16xi32>,
      %swap3A_1944 = vector.shape_cast %swap3A_1943 : vector<16xi32> to vector<16xi32>
      %swap3A_1945 = vector.shape_cast %select_n3A_1941 : vector<16xi32> to vector<16xi32>
      tpu.vector_store %arg10[%swap3A_1942], %swap3A_1945 {strides = array<i32>} : memref<128xi32, #tpu.memory_space<vmem>>, vector<16xi32>,
      %mul3A_1946 = arith.constant 4096 : i32
      %mul3A_1947 = arith.muli %add3A_1649, %mul3A_1946 : i32
      %add3A_1948 = arith.addi %mul3A_1947, %mul3A_2 : i32
      %dma_wait3A_1949 = arith.constant 0 : i32
      %dma_wait3A_1950 = tpu.memref_slice %arg5[%add3A_1948, %dma_wait3A_1949] : memref<819200x128xf32, #tpu.memory_space<hbm>> -> memref<128x128xf32, #tpu.memory_space<hbm>>
      %dma_wait3A_1951 = arith.constant 0 : i32
      %dma_wait3A_1952 = tpu.memref_slice %arg5[%add3A_1948, %dma_wait3A_1951] : memref<819200x128xf32, #tpu.memory_space<hbm>> -> memref<128x128xf32, #tpu.memory_space<hbm>>
      tpu.wait_dma2 semaphore(%arg22 : memref<!tpu.dma_semaphore, #tpu.memory_space<semaphore_mem>>) src(%arg14 : memref<128x128xf32, #tpu.memory_space<vmem>>) dst(%dma_wait3A_1952 : memref<128x128xf32, #tpu.memory_space<hbm>>)
      %dma_start3A_1953 = arith.constant 0 : i32
      %dma_start3A_1954 = arith.constant 0 : i32
      %dma_start3A_1955 = tpu.memref_slice %arg8[%dma_start3A_1953, %dma_start3A_1954] : memref<512x128xf32, #tpu.memory_space<vmem_shared>> -> memref<512x128xf32, #tpu.memory_space<vmem_shared>>
      tpu.enqueue_indirect_dma source(%dma_start3A_1955 : memref<512x128xf32, #tpu.memory_space<vmem_shared>>) target(%arg14 : memref<128x128xf32, #tpu.memory_space<vmem>>) offsets(%arg10 : memref<128xi32, #tpu.memory_space<vmem>>) semaphore(%arg18 : memref<!tpu.dma_semaphore, #tpu.memory_space<semaphore_mem>>)
      %dma_wait3A_1956 = arith.constant 0 : i32
      %dma_wait3A_1957 = arith.constant 0 : i32
      %dma_wait3A_1958 = tpu.memref_slice %arg8[%dma_wait3A_1956, %dma_wait3A_1957] : memref<512x128xf32, #tpu.memory_space<vmem_shared>> -> memref<512x128xf32, #tpu.memory_space<vmem_shared>>
      tpu.wait_indirect_dma semaphore(%arg20 : memref<!tpu.dma_semaphore, #tpu.memory_space<semaphore_mem>>) src(%dma_wait3A_1958 : memref<512x128xf32, #tpu.memory_space<vmem_shared>>) dst(%arg16 : memref<128x128xf32, #tpu.memory_space<vmem>>)
      %sub3A_1959 = arith.constant 2 : i32
      %sub3A_1960 = arith.subi %add3A_1649, %sub3A_1959 : i32
      %mul3A_1961 = arith.constant 4096 : i32
      %mul3A_1962 = arith.muli %sub3A_1960, %mul3A_1961 : i32
      %add3A_1963 = arith.addi %mul3A_1962, %mul3A_2 : i32
      %dma_start3A_1964 = arith.constant 0 : i32
      %dma_start3A_1965 = tpu.memref_slice %arg5[%add3A_1963, %dma_start3A_1964] : memref<819200x128xf32, #tpu.memory_space<hbm>> -> memref<128x128xf32, #tpu.memory_space<hbm>>
      %dma_start3A_1966 = arith.constant 0 : i32
      %dma_start3A_1967 = tpu.memref_slice %arg5[%add3A_1963, %dma_start3A_1966] : memref<819200x128xf32, #tpu.memory_space<hbm>> -> memref<128x128xf32, #tpu.memory_space<hbm>>
      tpu.enqueue_dma source(%arg16 : memref<128x128xf32, #tpu.memory_space<vmem>>) target(%dma_start3A_1967 : memref<128x128xf32, #tpu.memory_space<hbm>>) target_semaphore(%arg24 : memref<!tpu.dma_semaphore, #tpu.memory_space<semaphore_mem>>)
      %mul3A_1968 = arith.constant 4 : i32
      %mul3A_1969 = arith.muli %mul3A_1968, %scan3A_1320 : i32
      %add3A_1970 = arith.constant 4 : i32
      %add3A_1971 = arith.addi %add3A_1970, %mul3A_1969 : i32
      %add3A_1972 = arith.constant 2 : i32
      %add3A_1973 = arith.addi %add3A_1971, %add3A_1972 : i32
      %get3A_1974 = arith.constant 0 : index
      %get3A_1975 = tpu.vector_load %arg6[%get3A_1974] {strides = array<i32>} : memref<128xi32, #tpu.memory_space<vmem>>, vector<16xi32>,
      %get3A_1976 = vector.shape_cast %get3A_1975 : vector<16xi32> to vector<16xi32>
      %get3A_1977 = arith.constant 0 : index
      %get3A_1978 = tpu.vector_load %arg7[%get3A_1977] {strides = array<i32>} : memref<128xi32, #tpu.memory_space<vmem>>, vector<16xi32>,
      %get3A_1979 = vector.shape_cast %get3A_1978 : vector<16xi32> to vector<16xi32>
      %lt3A_1980 = vector.broadcast %add3A_1973 : i32 to vector<16xi32>
      %lt3A_1981 = arith.cmpi slt, %lt3A_1980, %get3A_1976 : vector<16xi32>
      %sub3A_1982 = vector.broadcast %add3A_1973 : i32 to vector<16xi32>
      %sub3A_1983 = arith.subi %get3A_1976, %sub3A_1982 : vector<16xi32>
      %add3A_1984 = arith.constant 1 : i32
      %add3A_1985 = arith.addi %add3A_1973, %add3A_1984 : i32
      %sub3A_1986 = vector.broadcast %add3A_1985 : i32 to vector<16xi32>
      %sub3A_1987 = arith.subi %sub3A_1986, %get3A_1976 : vector<16xi32>
      %select_n3A_1988 = arith.select %lt3A_1981, %sub3A_1983, %sub3A_1987 : vector<16xi1>, vector<16xi32>
      %jit3A_1989 = arith.constant 0 : i32
      %jit3A_1990 = arith.constant 201 : i32
      %broadcast_in_dim3A_1991 = vector.broadcast %jit3A_1989 : i32 to vector<16xi32>
      %broadcast_in_dim3A_1992 = vector.broadcast %jit3A_1990 : i32 to vector<16xi32>
      %select_n3A_1993 = arith.select %lt3A_1981, %broadcast_in_dim3A_1991, %broadcast_in_dim3A_1992 : vector<16xi1>, vector<16xi32>
      %add3A_1994 = arith.addi %select_n3A_1988, %select_n3A_1993 : vector<16xi32>
      %add3A_1995 = arith.constant 402 : i32
      %add3A_1996 = arith.addi %add3A_1995, %add3A : i32
      %jit3A_1997 = arith.constant 0 : i32
      %jit3A_1998 = arith.constant 32 : i32
      %broadcast_in_dim3A_1999 = vector.broadcast %jit3A_1997 : i32 to vector<16xi32>
      %broadcast_in_dim3A_2000 = vector.broadcast %jit3A_1998 : i32 to vector<16xi32>
      %select_n3A_2001 = arith.select %lt3A_1981, %broadcast_in_dim3A_1999, %broadcast_in_dim3A_2000 : vector<16xi1>, vector<16xi32>
      %add3A_2002 = vector.broadcast %add3A_1996 : i32 to vector<16xi32>
      %add3A_2003 = arith.addi %add3A_2002, %select_n3A_2001 : vector<16xi32>
      %lt3A_2004 = vector.broadcast %add3A_1973 : i32 to vector<16xi32>
      %lt3A_2005 = arith.cmpi slt, %lt3A_2004, %get3A_1979 : vector<16xi32>
      %select_n3A_2006 = arith.select %lt3A_2005, %add3A_1994, %add3A_2003 : vector<16xi1>, vector<16xi32>
      %swap3A_2007 = arith.constant 0 : index
      %swap3A_2008 = tpu.vector_load %arg11[%swap3A_2007] {strides = array<i32>} : memref<128xi32, #tpu.memory_space<vmem>>, vector<16xi32>,
      %swap3A_2009 = vector.shape_cast %swap3A_2008 : vector<16xi32> to vector<16xi32>
      %swap3A_2010 = vector.shape_cast %select_n3A_2006 : vector<16xi32> to vector<16xi32>
      tpu.vector_store %arg11[%swap3A_2007], %swap3A_2010 {strides = array<i32>} : memref<128xi32, #tpu.memory_space<vmem>>, vector<16xi32>,
      %get3A_2011 = arith.constant 16 : index
      %get3A_2012 = tpu.vector_load %arg6[%get3A_2011] {strides = array<i32>} : memref<128xi32, #tpu.memory_space<vmem>>, vector<16xi32>,
      %get3A_2013 = vector.shape_cast %get3A_2012 : vector<16xi32> to vector<16xi32>
      %get3A_2014 = arith.constant 16 : index
      %get3A_2015 = tpu.vector_load %arg7[%get3A_2014] {strides = array<i32>} : memref<128xi32, #tpu.memory_space<vmem>>, vector<16xi32>,
      %get3A_2016 = vector.shape_cast %get3A_2015 : vector<16xi32> to vector<16xi32>
      %lt3A_2017 = vector.broadcast %add3A_1973 : i32 to vector<16xi32>
      %lt3A_2018 = arith.cmpi slt, %lt3A_2017, %get3A_2013 : vector<16xi32>
      %sub3A_2019 = vector.broadcast %add3A_1973 : i32 to vector<16xi32>
      %sub3A_2020 = arith.subi %get3A_2013, %sub3A_2019 : vector<16xi32>
      %add3A_2021 = arith.constant 1 : i32
      %add3A_2022 = arith.addi %add3A_1973, %add3A_2021 : i32
      %sub3A_2023 = vector.broadcast %add3A_2022 : i32 to vector<16xi32>
      %sub3A_2024 = arith.subi %sub3A_2023, %get3A_2013 : vector<16xi32>
      %select_n3A_2025 = arith.select %lt3A_2018, %sub3A_2020, %sub3A_2024 : vector<16xi1>, vector<16xi32>
      %jit3A_2026 = arith.constant 0 : i32
      %jit3A_2027 = arith.constant 201 : i32
      %broadcast_in_dim3A_2028 = vector.broadcast %jit3A_2026 : i32 to vector<16xi32>
      %broadcast_in_dim3A_2029 = vector.broadcast %jit3A_2027 : i32 to vector<16xi32>
      %select_n3A_2030 = arith.select %lt3A_2018, %broadcast_in_dim3A_2028, %broadcast_in_dim3A_2029 : vector<16xi1>, vector<16xi32>
      %add3A_2031 = arith.addi %select_n3A_2025, %select_n3A_2030 : vector<16xi32>
      %add3A_2032 = arith.constant 402 : i32
      %add3A_2033 = arith.addi %add3A_2032, %add3A : i32
      %jit3A_2034 = arith.constant 0 : i32
      %jit3A_2035 = arith.constant 32 : i32
      %broadcast_in_dim3A_2036 = vector.broadcast %jit3A_2034 : i32 to vector<16xi32>
      %broadcast_in_dim3A_2037 = vector.broadcast %jit3A_2035 : i32 to vector<16xi32>
      %select_n3A_2038 = arith.select %lt3A_2018, %broadcast_in_dim3A_2036, %broadcast_in_dim3A_2037 : vector<16xi1>, vector<16xi32>
      %add3A_2039 = vector.broadcast %add3A_2033 : i32 to vector<16xi32>
      %add3A_2040 = arith.addi %add3A_2039, %select_n3A_2038 : vector<16xi32>
      %lt3A_2041 = vector.broadcast %add3A_1973 : i32 to vector<16xi32>
      %lt3A_2042 = arith.cmpi slt, %lt3A_2041, %get3A_2016 : vector<16xi32>
      %select_n3A_2043 = arith.select %lt3A_2042, %add3A_2031, %add3A_2040 : vector<16xi1>, vector<16xi32>
      %swap3A_2044 = arith.constant 16 : index
      %swap3A_2045 = tpu.vector_load %arg11[%swap3A_2044] {strides = array<i32>} : memref<128xi32, #tpu.memory_space<vmem>>, vector<16xi32>,
      %swap3A_2046 = vector.shape_cast %swap3A_2045 : vector<16xi32> to vector<16xi32>
      %swap3A_2047 = vector.shape_cast %select_n3A_2043 : vector<16xi32> to vector<16xi32>
      tpu.vector_store %arg11[%swap3A_2044], %swap3A_2047 {strides = array<i32>} : memref<128xi32, #tpu.memory_space<vmem>>, vector<16xi32>,
      %get3A_2048 = arith.constant 32 : index
      %get3A_2049 = tpu.vector_load %arg6[%get3A_2048] {strides = array<i32>} : memref<128xi32, #tpu.memory_space<vmem>>, vector<16xi32>,
      %get3A_2050 = vector.shape_cast %get3A_2049 : vector<16xi32> to vector<16xi32>
      %get3A_2051 = arith.constant 32 : index
      %get3A_2052 = tpu.vector_load %arg7[%get3A_2051] {strides = array<i32>} : memref<128xi32, #tpu.memory_space<vmem>>, vector<16xi32>,
      %get3A_2053 = vector.shape_cast %get3A_2052 : vector<16xi32> to vector<16xi32>
      %lt3A_2054 = vector.broadcast %add3A_1973 : i32 to vector<16xi32>
      %lt3A_2055 = arith.cmpi slt, %lt3A_2054, %get3A_2050 : vector<16xi32>
      %sub3A_2056 = vector.broadcast %add3A_1973 : i32 to vector<16xi32>
      %sub3A_2057 = arith.subi %get3A_2050, %sub3A_2056 : vector<16xi32>
      %add3A_2058 = arith.constant 1 : i32
      %add3A_2059 = arith.addi %add3A_1973, %add3A_2058 : i32
      %sub3A_2060 = vector.broadcast %add3A_2059 : i32 to vector<16xi32>
      %sub3A_2061 = arith.subi %sub3A_2060, %get3A_2050 : vector<16xi32>
      %select_n3A_2062 = arith.select %lt3A_2055, %sub3A_2057, %sub3A_2061 : vector<16xi1>, vector<16xi32>
      %jit3A_2063 = arith.constant 0 : i32
      %jit3A_2064 = arith.constant 201 : i32
      %broadcast_in_dim3A_2065 = vector.broadcast %jit3A_2063 : i32 to vector<16xi32>
      %broadcast_in_dim3A_2066 = vector.broadcast %jit3A_2064 : i32 to vector<16xi32>
      %select_n3A_2067 = arith.select %lt3A_2055, %broadcast_in_dim3A_2065, %broadcast_in_dim3A_2066 : vector<16xi1>, vector<16xi32>
      %add3A_2068 = arith.addi %select_n3A_2062, %select_n3A_2067 : vector<16xi32>
      %add3A_2069 = arith.constant 402 : i32
      %add3A_2070 = arith.addi %add3A_2069, %add3A : i32
      %jit3A_2071 = arith.constant 0 : i32
      %jit3A_2072 = arith.constant 32 : i32
      %broadcast_in_dim3A_2073 = vector.broadcast %jit3A_2071 : i32 to vector<16xi32>
      %broadcast_in_dim3A_2074 = vector.broadcast %jit3A_2072 : i32 to vector<16xi32>
      %select_n3A_2075 = arith.select %lt3A_2055, %broadcast_in_dim3A_2073, %broadcast_in_dim3A_2074 : vector<16xi1>, vector<16xi32>
      %add3A_2076 = vector.broadcast %add3A_2070 : i32 to vector<16xi32>
      %add3A_2077 = arith.addi %add3A_2076, %select_n3A_2075 : vector<16xi32>
      %lt3A_2078 = vector.broadcast %add3A_1973 : i32 to vector<16xi32>
      %lt3A_2079 = arith.cmpi slt, %lt3A_2078, %get3A_2053 : vector<16xi32>
      %select_n3A_2080 = arith.select %lt3A_2079, %add3A_2068, %add3A_2077 : vector<16xi1>, vector<16xi32>
      %swap3A_2081 = arith.constant 32 : index
      %swap3A_2082 = tpu.vector_load %arg11[%swap3A_2081] {strides = array<i32>} : memref<128xi32, #tpu.memory_space<vmem>>, vector<16xi32>,
      %swap3A_2083 = vector.shape_cast %swap3A_2082 : vector<16xi32> to vector<16xi32>
      %swap3A_2084 = vector.shape_cast %select_n3A_2080 : vector<16xi32> to vector<16xi32>
      tpu.vector_store %arg11[%swap3A_2081], %swap3A_2084 {strides = array<i32>} : memref<128xi32, #tpu.memory_space<vmem>>, vector<16xi32>,
      %get3A_2085 = arith.constant 48 : index
      %get3A_2086 = tpu.vector_load %arg6[%get3A_2085] {strides = array<i32>} : memref<128xi32, #tpu.memory_space<vmem>>, vector<16xi32>,
      %get3A_2087 = vector.shape_cast %get3A_2086 : vector<16xi32> to vector<16xi32>
      %get3A_2088 = arith.constant 48 : index
      %get3A_2089 = tpu.vector_load %arg7[%get3A_2088] {strides = array<i32>} : memref<128xi32, #tpu.memory_space<vmem>>, vector<16xi32>,
      %get3A_2090 = vector.shape_cast %get3A_2089 : vector<16xi32> to vector<16xi32>
      %lt3A_2091 = vector.broadcast %add3A_1973 : i32 to vector<16xi32>
      %lt3A_2092 = arith.cmpi slt, %lt3A_2091, %get3A_2087 : vector<16xi32>
      %sub3A_2093 = vector.broadcast %add3A_1973 : i32 to vector<16xi32>
      %sub3A_2094 = arith.subi %get3A_2087, %sub3A_2093 : vector<16xi32>
      %add3A_2095 = arith.constant 1 : i32
      %add3A_2096 = arith.addi %add3A_1973, %add3A_2095 : i32
      %sub3A_2097 = vector.broadcast %add3A_2096 : i32 to vector<16xi32>
      %sub3A_2098 = arith.subi %sub3A_2097, %get3A_2087 : vector<16xi32>
      %select_n3A_2099 = arith.select %lt3A_2092, %sub3A_2094, %sub3A_2098 : vector<16xi1>, vector<16xi32>
      %jit3A_2100 = arith.constant 0 : i32
      %jit3A_2101 = arith.constant 201 : i32
      %broadcast_in_dim3A_2102 = vector.broadcast %jit3A_2100 : i32 to vector<16xi32>
      %broadcast_in_dim3A_2103 = vector.broadcast %jit3A_2101 : i32 to vector<16xi32>
      %select_n3A_2104 = arith.select %lt3A_2092, %broadcast_in_dim3A_2102, %broadcast_in_dim3A_2103 : vector<16xi1>, vector<16xi32>
      %add3A_2105 = arith.addi %select_n3A_2099, %select_n3A_2104 : vector<16xi32>
      %add3A_2106 = arith.constant 402 : i32
      %add3A_2107 = arith.addi %add3A_2106, %add3A : i32
      %jit3A_2108 = arith.constant 0 : i32
      %jit3A_2109 = arith.constant 32 : i32
      %broadcast_in_dim3A_2110 = vector.broadcast %jit3A_2108 : i32 to vector<16xi32>
      %broadcast_in_dim3A_2111 = vector.broadcast %jit3A_2109 : i32 to vector<16xi32>
      %select_n3A_2112 = arith.select %lt3A_2092, %broadcast_in_dim3A_2110, %broadcast_in_dim3A_2111 : vector<16xi1>, vector<16xi32>
      %add3A_2113 = vector.broadcast %add3A_2107 : i32 to vector<16xi32>
      %add3A_2114 = arith.addi %add3A_2113, %select_n3A_2112 : vector<16xi32>
      %lt3A_2115 = vector.broadcast %add3A_1973 : i32 to vector<16xi32>
      %lt3A_2116 = arith.cmpi slt, %lt3A_2115, %get3A_2090 : vector<16xi32>
      %select_n3A_2117 = arith.select %lt3A_2116, %add3A_2105, %add3A_2114 : vector<16xi1>, vector<16xi32>
      %swap3A_2118 = arith.constant 48 : index
      %swap3A_2119 = tpu.vector_load %arg11[%swap3A_2118] {strides = array<i32>} : memref<128xi32, #tpu.memory_space<vmem>>, vector<16xi32>,
      %swap3A_2120 = vector.shape_cast %swap3A_2119 : vector<16xi32> to vector<16xi32>
      %swap3A_2121 = vector.shape_cast %select_n3A_2117 : vector<16xi32> to vector<16xi32>
      tpu.vector_store %arg11[%swap3A_2118], %swap3A_2121 {strides = array<i32>} : memref<128xi32, #tpu.memory_space<vmem>>, vector<16xi32>,
      %get3A_2122 = arith.constant 64 : index
      %get3A_2123 = tpu.vector_load %arg6[%get3A_2122] {strides = array<i32>} : memref<128xi32, #tpu.memory_space<vmem>>, vector<16xi32>,
      %get3A_2124 = vector.shape_cast %get3A_2123 : vector<16xi32> to vector<16xi32>
      %get3A_2125 = arith.constant 64 : index
      %get3A_2126 = tpu.vector_load %arg7[%get3A_2125] {strides = array<i32>} : memref<128xi32, #tpu.memory_space<vmem>>, vector<16xi32>,
      %get3A_2127 = vector.shape_cast %get3A_2126 : vector<16xi32> to vector<16xi32>
      %lt3A_2128 = vector.broadcast %add3A_1973 : i32 to vector<16xi32>
      %lt3A_2129 = arith.cmpi slt, %lt3A_2128, %get3A_2124 : vector<16xi32>
      %sub3A_2130 = vector.broadcast %add3A_1973 : i32 to vector<16xi32>
      %sub3A_2131 = arith.subi %get3A_2124, %sub3A_2130 : vector<16xi32>
      %add3A_2132 = arith.constant 1 : i32
      %add3A_2133 = arith.addi %add3A_1973, %add3A_2132 : i32
      %sub3A_2134 = vector.broadcast %add3A_2133 : i32 to vector<16xi32>
      %sub3A_2135 = arith.subi %sub3A_2134, %get3A_2124 : vector<16xi32>
      %select_n3A_2136 = arith.select %lt3A_2129, %sub3A_2131, %sub3A_2135 : vector<16xi1>, vector<16xi32>
      %jit3A_2137 = arith.constant 0 : i32
      %jit3A_2138 = arith.constant 201 : i32
      %broadcast_in_dim3A_2139 = vector.broadcast %jit3A_2137 : i32 to vector<16xi32>
      %broadcast_in_dim3A_2140 = vector.broadcast %jit3A_2138 : i32 to vector<16xi32>
      %select_n3A_2141 = arith.select %lt3A_2129, %broadcast_in_dim3A_2139, %broadcast_in_dim3A_2140 : vector<16xi1>, vector<16xi32>
      %add3A_2142 = arith.addi %select_n3A_2136, %select_n3A_2141 : vector<16xi32>
      %add3A_2143 = arith.constant 402 : i32
      %add3A_2144 = arith.addi %add3A_2143, %add3A : i32
      %jit3A_2145 = arith.constant 0 : i32
      %jit3A_2146 = arith.constant 32 : i32
      %broadcast_in_dim3A_2147 = vector.broadcast %jit3A_2145 : i32 to vector<16xi32>
      %broadcast_in_dim3A_2148 = vector.broadcast %jit3A_2146 : i32 to vector<16xi32>
      %select_n3A_2149 = arith.select %lt3A_2129, %broadcast_in_dim3A_2147, %broadcast_in_dim3A_2148 : vector<16xi1>, vector<16xi32>
      %add3A_2150 = vector.broadcast %add3A_2144 : i32 to vector<16xi32>
      %add3A_2151 = arith.addi %add3A_2150, %select_n3A_2149 : vector<16xi32>
      %lt3A_2152 = vector.broadcast %add3A_1973 : i32 to vector<16xi32>
      %lt3A_2153 = arith.cmpi slt, %lt3A_2152, %get3A_2127 : vector<16xi32>
      %select_n3A_2154 = arith.select %lt3A_2153, %add3A_2142, %add3A_2151 : vector<16xi1>, vector<16xi32>
      %swap3A_2155 = arith.constant 64 : index
      %swap3A_2156 = tpu.vector_load %arg11[%swap3A_2155] {strides = array<i32>} : memref<128xi32, #tpu.memory_space<vmem>>, vector<16xi32>,
      %swap3A_2157 = vector.shape_cast %swap3A_2156 : vector<16xi32> to vector<16xi32>
      %swap3A_2158 = vector.shape_cast %select_n3A_2154 : vector<16xi32> to vector<16xi32>
      tpu.vector_store %arg11[%swap3A_2155], %swap3A_2158 {strides = array<i32>} : memref<128xi32, #tpu.memory_space<vmem>>, vector<16xi32>,
      %get3A_2159 = arith.constant 80 : index
      %get3A_2160 = tpu.vector_load %arg6[%get3A_2159] {strides = array<i32>} : memref<128xi32, #tpu.memory_space<vmem>>, vector<16xi32>,
      %get3A_2161 = vector.shape_cast %get3A_2160 : vector<16xi32> to vector<16xi32>
      %get3A_2162 = arith.constant 80 : index
      %get3A_2163 = tpu.vector_load %arg7[%get3A_2162] {strides = array<i32>} : memref<128xi32, #tpu.memory_space<vmem>>, vector<16xi32>,
      %get3A_2164 = vector.shape_cast %get3A_2163 : vector<16xi32> to vector<16xi32>
      %lt3A_2165 = vector.broadcast %add3A_1973 : i32 to vector<16xi32>
      %lt3A_2166 = arith.cmpi slt, %lt3A_2165, %get3A_2161 : vector<16xi32>
      %sub3A_2167 = vector.broadcast %add3A_1973 : i32 to vector<16xi32>
      %sub3A_2168 = arith.subi %get3A_2161, %sub3A_2167 : vector<16xi32>
      %add3A_2169 = arith.constant 1 : i32
      %add3A_2170 = arith.addi %add3A_1973, %add3A_2169 : i32
      %sub3A_2171 = vector.broadcast %add3A_2170 : i32 to vector<16xi32>
      %sub3A_2172 = arith.subi %sub3A_2171, %get3A_2161 : vector<16xi32>
      %select_n3A_2173 = arith.select %lt3A_2166, %sub3A_2168, %sub3A_2172 : vector<16xi1>, vector<16xi32>
      %jit3A_2174 = arith.constant 0 : i32
      %jit3A_2175 = arith.constant 201 : i32
      %broadcast_in_dim3A_2176 = vector.broadcast %jit3A_2174 : i32 to vector<16xi32>
      %broadcast_in_dim3A_2177 = vector.broadcast %jit3A_2175 : i32 to vector<16xi32>
      %select_n3A_2178 = arith.select %lt3A_2166, %broadcast_in_dim3A_2176, %broadcast_in_dim3A_2177 : vector<16xi1>, vector<16xi32>
      %add3A_2179 = arith.addi %select_n3A_2173, %select_n3A_2178 : vector<16xi32>
      %add3A_2180 = arith.constant 402 : i32
      %add3A_2181 = arith.addi %add3A_2180, %add3A : i32
      %jit3A_2182 = arith.constant 0 : i32
      %jit3A_2183 = arith.constant 32 : i32
      %broadcast_in_dim3A_2184 = vector.broadcast %jit3A_2182 : i32 to vector<16xi32>
      %broadcast_in_dim3A_2185 = vector.broadcast %jit3A_2183 : i32 to vector<16xi32>
      %select_n3A_2186 = arith.select %lt3A_2166, %broadcast_in_dim3A_2184, %broadcast_in_dim3A_2185 : vector<16xi1>, vector<16xi32>
      %add3A_2187 = vector.broadcast %add3A_2181 : i32 to vector<16xi32>
      %add3A_2188 = arith.addi %add3A_2187, %select_n3A_2186 : vector<16xi32>
      %lt3A_2189 = vector.broadcast %add3A_1973 : i32 to vector<16xi32>
      %lt3A_2190 = arith.cmpi slt, %lt3A_2189, %get3A_2164 : vector<16xi32>
      %select_n3A_2191 = arith.select %lt3A_2190, %add3A_2179, %add3A_2188 : vector<16xi1>, vector<16xi32>
      %swap3A_2192 = arith.constant 80 : index
      %swap3A_2193 = tpu.vector_load %arg11[%swap3A_2192] {strides = array<i32>} : memref<128xi32, #tpu.memory_space<vmem>>, vector<16xi32>,
      %swap3A_2194 = vector.shape_cast %swap3A_2193 : vector<16xi32> to vector<16xi32>
      %swap3A_2195 = vector.shape_cast %select_n3A_2191 : vector<16xi32> to vector<16xi32>
      tpu.vector_store %arg11[%swap3A_2192], %swap3A_2195 {strides = array<i32>} : memref<128xi32, #tpu.memory_space<vmem>>, vector<16xi32>,
      %get3A_2196 = arith.constant 96 : index
      %get3A_2197 = tpu.vector_load %arg6[%get3A_2196] {strides = array<i32>} : memref<128xi32, #tpu.memory_space<vmem>>, vector<16xi32>,
      %get3A_2198 = vector.shape_cast %get3A_2197 : vector<16xi32> to vector<16xi32>
      %get3A_2199 = arith.constant 96 : index
      %get3A_2200 = tpu.vector_load %arg7[%get3A_2199] {strides = array<i32>} : memref<128xi32, #tpu.memory_space<vmem>>, vector<16xi32>,
      %get3A_2201 = vector.shape_cast %get3A_2200 : vector<16xi32> to vector<16xi32>
      %lt3A_2202 = vector.broadcast %add3A_1973 : i32 to vector<16xi32>
      %lt3A_2203 = arith.cmpi slt, %lt3A_2202, %get3A_2198 : vector<16xi32>
      %sub3A_2204 = vector.broadcast %add3A_1973 : i32 to vector<16xi32>
      %sub3A_2205 = arith.subi %get3A_2198, %sub3A_2204 : vector<16xi32>
      %add3A_2206 = arith.constant 1 : i32
      %add3A_2207 = arith.addi %add3A_1973, %add3A_2206 : i32
      %sub3A_2208 = vector.broadcast %add3A_2207 : i32 to vector<16xi32>
      %sub3A_2209 = arith.subi %sub3A_2208, %get3A_2198 : vector<16xi32>
      %select_n3A_2210 = arith.select %lt3A_2203, %sub3A_2205, %sub3A_2209 : vector<16xi1>, vector<16xi32>
      %jit3A_2211 = arith.constant 0 : i32
      %jit3A_2212 = arith.constant 201 : i32
      %broadcast_in_dim3A_2213 = vector.broadcast %jit3A_2211 : i32 to vector<16xi32>
      %broadcast_in_dim3A_2214 = vector.broadcast %jit3A_2212 : i32 to vector<16xi32>
      %select_n3A_2215 = arith.select %lt3A_2203, %broadcast_in_dim3A_2213, %broadcast_in_dim3A_2214 : vector<16xi1>, vector<16xi32>
      %add3A_2216 = arith.addi %select_n3A_2210, %select_n3A_2215 : vector<16xi32>
      %add3A_2217 = arith.constant 402 : i32
      %add3A_2218 = arith.addi %add3A_2217, %add3A : i32
      %jit3A_2219 = arith.constant 0 : i32
      %jit3A_2220 = arith.constant 32 : i32
      %broadcast_in_dim3A_2221 = vector.broadcast %jit3A_2219 : i32 to vector<16xi32>
      %broadcast_in_dim3A_2222 = vector.broadcast %jit3A_2220 : i32 to vector<16xi32>
      %select_n3A_2223 = arith.select %lt3A_2203, %broadcast_in_dim3A_2221, %broadcast_in_dim3A_2222 : vector<16xi1>, vector<16xi32>
      %add3A_2224 = vector.broadcast %add3A_2218 : i32 to vector<16xi32>
      %add3A_2225 = arith.addi %add3A_2224, %select_n3A_2223 : vector<16xi32>
      %lt3A_2226 = vector.broadcast %add3A_1973 : i32 to vector<16xi32>
      %lt3A_2227 = arith.cmpi slt, %lt3A_2226, %get3A_2201 : vector<16xi32>
      %select_n3A_2228 = arith.select %lt3A_2227, %add3A_2216, %add3A_2225 : vector<16xi1>, vector<16xi32>
      %swap3A_2229 = arith.constant 96 : index
      %swap3A_2230 = tpu.vector_load %arg11[%swap3A_2229] {strides = array<i32>} : memref<128xi32, #tpu.memory_space<vmem>>, vector<16xi32>,
      %swap3A_2231 = vector.shape_cast %swap3A_2230 : vector<16xi32> to vector<16xi32>
      %swap3A_2232 = vector.shape_cast %select_n3A_2228 : vector<16xi32> to vector<16xi32>
      tpu.vector_store %arg11[%swap3A_2229], %swap3A_2232 {strides = array<i32>} : memref<128xi32, #tpu.memory_space<vmem>>, vector<16xi32>,
      %get3A_2233 = arith.constant 112 : index
      %get3A_2234 = tpu.vector_load %arg6[%get3A_2233] {strides = array<i32>} : memref<128xi32, #tpu.memory_space<vmem>>, vector<16xi32>,
      %get3A_2235 = vector.shape_cast %get3A_2234 : vector<16xi32> to vector<16xi32>
      %get3A_2236 = arith.constant 112 : index
      %get3A_2237 = tpu.vector_load %arg7[%get3A_2236] {strides = array<i32>} : memref<128xi32, #tpu.memory_space<vmem>>, vector<16xi32>,
      %get3A_2238 = vector.shape_cast %get3A_2237 : vector<16xi32> to vector<16xi32>
      %lt3A_2239 = vector.broadcast %add3A_1973 : i32 to vector<16xi32>
      %lt3A_2240 = arith.cmpi slt, %lt3A_2239, %get3A_2235 : vector<16xi32>
      %sub3A_2241 = vector.broadcast %add3A_1973 : i32 to vector<16xi32>
      %sub3A_2242 = arith.subi %get3A_2235, %sub3A_2241 : vector<16xi32>
      %add3A_2243 = arith.constant 1 : i32
      %add3A_2244 = arith.addi %add3A_1973, %add3A_2243 : i32
      %sub3A_2245 = vector.broadcast %add3A_2244 : i32 to vector<16xi32>
      %sub3A_2246 = arith.subi %sub3A_2245, %get3A_2235 : vector<16xi32>
      %select_n3A_2247 = arith.select %lt3A_2240, %sub3A_2242, %sub3A_2246 : vector<16xi1>, vector<16xi32>
      %jit3A_2248 = arith.constant 0 : i32
      %jit3A_2249 = arith.constant 201 : i32
      %broadcast_in_dim3A_2250 = vector.broadcast %jit3A_2248 : i32 to vector<16xi32>
      %broadcast_in_dim3A_2251 = vector.broadcast %jit3A_2249 : i32 to vector<16xi32>
      %select_n3A_2252 = arith.select %lt3A_2240, %broadcast_in_dim3A_2250, %broadcast_in_dim3A_2251 : vector<16xi1>, vector<16xi32>
      %add3A_2253 = arith.addi %select_n3A_2247, %select_n3A_2252 : vector<16xi32>
      %add3A_2254 = arith.constant 402 : i32
      %add3A_2255 = arith.addi %add3A_2254, %add3A : i32
      %jit3A_2256 = arith.constant 0 : i32
      %jit3A_2257 = arith.constant 32 : i32
      %broadcast_in_dim3A_2258 = vector.broadcast %jit3A_2256 : i32 to vector<16xi32>
      %broadcast_in_dim3A_2259 = vector.broadcast %jit3A_2257 : i32 to vector<16xi32>
      %select_n3A_2260 = arith.select %lt3A_2240, %broadcast_in_dim3A_2258, %broadcast_in_dim3A_2259 : vector<16xi1>, vector<16xi32>
      %add3A_2261 = vector.broadcast %add3A_2255 : i32 to vector<16xi32>
      %add3A_2262 = arith.addi %add3A_2261, %select_n3A_2260 : vector<16xi32>
      %lt3A_2263 = vector.broadcast %add3A_1973 : i32 to vector<16xi32>
      %lt3A_2264 = arith.cmpi slt, %lt3A_2263, %get3A_2238 : vector<16xi32>
      %select_n3A_2265 = arith.select %lt3A_2264, %add3A_2253, %add3A_2262 : vector<16xi1>, vector<16xi32>
      %swap3A_2266 = arith.constant 112 : index
      %swap3A_2267 = tpu.vector_load %arg11[%swap3A_2266] {strides = array<i32>} : memref<128xi32, #tpu.memory_space<vmem>>, vector<16xi32>,
      %swap3A_2268 = vector.shape_cast %swap3A_2267 : vector<16xi32> to vector<16xi32>
      %swap3A_2269 = vector.shape_cast %select_n3A_2265 : vector<16xi32> to vector<16xi32>
      tpu.vector_store %arg11[%swap3A_2266], %swap3A_2269 {strides = array<i32>} : memref<128xi32, #tpu.memory_space<vmem>>, vector<16xi32>,
      %mul3A_2270 = arith.constant 4096 : i32
      %mul3A_2271 = arith.muli %add3A_1973, %mul3A_2270 : i32
      %add3A_2272 = arith.addi %mul3A_2271, %mul3A_2 : i32
      %dma_wait3A_2273 = arith.constant 0 : i32
      %dma_wait3A_2274 = tpu.memref_slice %arg5[%add3A_2272, %dma_wait3A_2273] : memref<819200x128xf32, #tpu.memory_space<hbm>> -> memref<128x128xf32, #tpu.memory_space<hbm>>
      %dma_wait3A_2275 = arith.constant 0 : i32
      %dma_wait3A_2276 = tpu.memref_slice %arg5[%add3A_2272, %dma_wait3A_2275] : memref<819200x128xf32, #tpu.memory_space<hbm>> -> memref<128x128xf32, #tpu.memory_space<hbm>>
      tpu.wait_dma2 semaphore(%arg23 : memref<!tpu.dma_semaphore, #tpu.memory_space<semaphore_mem>>) src(%arg15 : memref<128x128xf32, #tpu.memory_space<vmem>>) dst(%dma_wait3A_2276 : memref<128x128xf32, #tpu.memory_space<hbm>>)
      %dma_start3A_2277 = arith.constant 0 : i32
      %dma_start3A_2278 = arith.constant 0 : i32
      %dma_start3A_2279 = tpu.memref_slice %arg8[%dma_start3A_2277, %dma_start3A_2278] : memref<512x128xf32, #tpu.memory_space<vmem_shared>> -> memref<512x128xf32, #tpu.memory_space<vmem_shared>>
      tpu.enqueue_indirect_dma source(%dma_start3A_2279 : memref<512x128xf32, #tpu.memory_space<vmem_shared>>) target(%arg15 : memref<128x128xf32, #tpu.memory_space<vmem>>) offsets(%arg11 : memref<128xi32, #tpu.memory_space<vmem>>) semaphore(%arg19 : memref<!tpu.dma_semaphore, #tpu.memory_space<semaphore_mem>>)
      %dma_wait3A_2280 = arith.constant 0 : i32
      %dma_wait3A_2281 = arith.constant 0 : i32
      %dma_wait3A_2282 = tpu.memref_slice %arg8[%dma_wait3A_2280, %dma_wait3A_2281] : memref<512x128xf32, #tpu.memory_space<vmem_shared>> -> memref<512x128xf32, #tpu.memory_space<vmem_shared>>
      tpu.wait_indirect_dma semaphore(%arg17 : memref<!tpu.dma_semaphore, #tpu.memory_space<semaphore_mem>>) src(%dma_wait3A_2282 : memref<512x128xf32, #tpu.memory_space<vmem_shared>>) dst(%arg13 : memref<128x128xf32, #tpu.memory_space<vmem>>)
      %sub3A_2283 = arith.constant 2 : i32
      %sub3A_2284 = arith.subi %add3A_1973, %sub3A_2283 : i32
      %mul3A_2285 = arith.constant 4096 : i32
      %mul3A_2286 = arith.muli %sub3A_2284, %mul3A_2285 : i32
      %add3A_2287 = arith.addi %mul3A_2286, %mul3A_2 : i32
      %dma_start3A_2288 = arith.constant 0 : i32
      %dma_start3A_2289 = tpu.memref_slice %arg5[%add3A_2287, %dma_start3A_2288] : memref<819200x128xf32, #tpu.memory_space<hbm>> -> memref<128x128xf32, #tpu.memory_space<hbm>>
      %dma_start3A_2290 = arith.constant 0 : i32
      %dma_start3A_2291 = tpu.memref_slice %arg5[%add3A_2287, %dma_start3A_2290] : memref<819200x128xf32, #tpu.memory_space<hbm>> -> memref<128x128xf32, #tpu.memory_space<hbm>>
      tpu.enqueue_dma source(%arg13 : memref<128x128xf32, #tpu.memory_space<vmem>>) target(%dma_start3A_2291 : memref<128x128xf32, #tpu.memory_space<hbm>>) target_semaphore(%arg21 : memref<!tpu.dma_semaphore, #tpu.memory_space<semaphore_mem>>)
      %mul3A_2292 = arith.constant 4 : i32
      %mul3A_2293 = arith.muli %mul3A_2292, %scan3A_1320 : i32
      %add3A_2294 = arith.constant 4 : i32
      %add3A_2295 = arith.addi %add3A_2294, %mul3A_2293 : i32
      %add3A_2296 = arith.constant 3 : i32
      %add3A_2297 = arith.addi %add3A_2295, %add3A_2296 : i32
      %get3A_2298 = arith.constant 0 : index
      %get3A_2299 = tpu.vector_load %arg6[%get3A_2298] {strides = array<i32>} : memref<128xi32, #tpu.memory_space<vmem>>, vector<16xi32>,
      %get3A_2300 = vector.shape_cast %get3A_2299 : vector<16xi32> to vector<16xi32>
      %get3A_2301 = arith.constant 0 : index
      %get3A_2302 = tpu.vector_load %arg7[%get3A_2301] {strides = array<i32>} : memref<128xi32, #tpu.memory_space<vmem>>, vector<16xi32>,
      %get3A_2303 = vector.shape_cast %get3A_2302 : vector<16xi32> to vector<16xi32>
      %lt3A_2304 = vector.broadcast %add3A_2297 : i32 to vector<16xi32>
      %lt3A_2305 = arith.cmpi slt, %lt3A_2304, %get3A_2300 : vector<16xi32>
      %sub3A_2306 = vector.broadcast %add3A_2297 : i32 to vector<16xi32>
      %sub3A_2307 = arith.subi %get3A_2300, %sub3A_2306 : vector<16xi32>
      %add3A_2308 = arith.constant 1 : i32
      %add3A_2309 = arith.addi %add3A_2297, %add3A_2308 : i32
      %sub3A_2310 = vector.broadcast %add3A_2309 : i32 to vector<16xi32>
      %sub3A_2311 = arith.subi %sub3A_2310, %get3A_2300 : vector<16xi32>
      %select_n3A_2312 = arith.select %lt3A_2305, %sub3A_2307, %sub3A_2311 : vector<16xi1>, vector<16xi32>
      %jit3A_2313 = arith.constant 0 : i32
      %jit3A_2314 = arith.constant 201 : i32
      %broadcast_in_dim3A_2315 = vector.broadcast %jit3A_2313 : i32 to vector<16xi32>
      %broadcast_in_dim3A_2316 = vector.broadcast %jit3A_2314 : i32 to vector<16xi32>
      %select_n3A_2317 = arith.select %lt3A_2305, %broadcast_in_dim3A_2315, %broadcast_in_dim3A_2316 : vector<16xi1>, vector<16xi32>
      %add3A_2318 = arith.addi %select_n3A_2312, %select_n3A_2317 : vector<16xi32>
      %add3A_2319 = arith.constant 402 : i32
      %add3A_2320 = arith.addi %add3A_2319, %add3A : i32
      %jit3A_2321 = arith.constant 0 : i32
      %jit3A_2322 = arith.constant 32 : i32
      %broadcast_in_dim3A_2323 = vector.broadcast %jit3A_2321 : i32 to vector<16xi32>
      %broadcast_in_dim3A_2324 = vector.broadcast %jit3A_2322 : i32 to vector<16xi32>
      %select_n3A_2325 = arith.select %lt3A_2305, %broadcast_in_dim3A_2323, %broadcast_in_dim3A_2324 : vector<16xi1>, vector<16xi32>
      %add3A_2326 = vector.broadcast %add3A_2320 : i32 to vector<16xi32>
      %add3A_2327 = arith.addi %add3A_2326, %select_n3A_2325 : vector<16xi32>
      %lt3A_2328 = vector.broadcast %add3A_2297 : i32 to vector<16xi32>
      %lt3A_2329 = arith.cmpi slt, %lt3A_2328, %get3A_2303 : vector<16xi32>
      %select_n3A_2330 = arith.select %lt3A_2329, %add3A_2318, %add3A_2327 : vector<16xi1>, vector<16xi32>
      %swap3A_2331 = arith.constant 0 : index
      %swap3A_2332 = tpu.vector_load %arg12[%swap3A_2331] {strides = array<i32>} : memref<128xi32, #tpu.memory_space<vmem>>, vector<16xi32>,
      %swap3A_2333 = vector.shape_cast %swap3A_2332 : vector<16xi32> to vector<16xi32>
      %swap3A_2334 = vector.shape_cast %select_n3A_2330 : vector<16xi32> to vector<16xi32>
      tpu.vector_store %arg12[%swap3A_2331], %swap3A_2334 {strides = array<i32>} : memref<128xi32, #tpu.memory_space<vmem>>, vector<16xi32>,
      %get3A_2335 = arith.constant 16 : index
      %get3A_2336 = tpu.vector_load %arg6[%get3A_2335] {strides = array<i32>} : memref<128xi32, #tpu.memory_space<vmem>>, vector<16xi32>,
      %get3A_2337 = vector.shape_cast %get3A_2336 : vector<16xi32> to vector<16xi32>
      %get3A_2338 = arith.constant 16 : index
      %get3A_2339 = tpu.vector_load %arg7[%get3A_2338] {strides = array<i32>} : memref<128xi32, #tpu.memory_space<vmem>>, vector<16xi32>,
      %get3A_2340 = vector.shape_cast %get3A_2339 : vector<16xi32> to vector<16xi32>
      %lt3A_2341 = vector.broadcast %add3A_2297 : i32 to vector<16xi32>
      %lt3A_2342 = arith.cmpi slt, %lt3A_2341, %get3A_2337 : vector<16xi32>
      %sub3A_2343 = vector.broadcast %add3A_2297 : i32 to vector<16xi32>
      %sub3A_2344 = arith.subi %get3A_2337, %sub3A_2343 : vector<16xi32>
      %add3A_2345 = arith.constant 1 : i32
      %add3A_2346 = arith.addi %add3A_2297, %add3A_2345 : i32
      %sub3A_2347 = vector.broadcast %add3A_2346 : i32 to vector<16xi32>
      %sub3A_2348 = arith.subi %sub3A_2347, %get3A_2337 : vector<16xi32>
      %select_n3A_2349 = arith.select %lt3A_2342, %sub3A_2344, %sub3A_2348 : vector<16xi1>, vector<16xi32>
      %jit3A_2350 = arith.constant 0 : i32
      %jit3A_2351 = arith.constant 201 : i32
      %broadcast_in_dim3A_2352 = vector.broadcast %jit3A_2350 : i32 to vector<16xi32>
      %broadcast_in_dim3A_2353 = vector.broadcast %jit3A_2351 : i32 to vector<16xi32>
      %select_n3A_2354 = arith.select %lt3A_2342, %broadcast_in_dim3A_2352, %broadcast_in_dim3A_2353 : vector<16xi1>, vector<16xi32>
      %add3A_2355 = arith.addi %select_n3A_2349, %select_n3A_2354 : vector<16xi32>
      %add3A_2356 = arith.constant 402 : i32
      %add3A_2357 = arith.addi %add3A_2356, %add3A : i32
      %jit3A_2358 = arith.constant 0 : i32
      %jit3A_2359 = arith.constant 32 : i32
      %broadcast_in_dim3A_2360 = vector.broadcast %jit3A_2358 : i32 to vector<16xi32>
      %broadcast_in_dim3A_2361 = vector.broadcast %jit3A_2359 : i32 to vector<16xi32>
      %select_n3A_2362 = arith.select %lt3A_2342, %broadcast_in_dim3A_2360, %broadcast_in_dim3A_2361 : vector<16xi1>, vector<16xi32>
      %add3A_2363 = vector.broadcast %add3A_2357 : i32 to vector<16xi32>
      %add3A_2364 = arith.addi %add3A_2363, %select_n3A_2362 : vector<16xi32>
      %lt3A_2365 = vector.broadcast %add3A_2297 : i32 to vector<16xi32>
      %lt3A_2366 = arith.cmpi slt, %lt3A_2365, %get3A_2340 : vector<16xi32>
      %select_n3A_2367 = arith.select %lt3A_2366, %add3A_2355, %add3A_2364 : vector<16xi1>, vector<16xi32>
      %swap3A_2368 = arith.constant 16 : index
      %swap3A_2369 = tpu.vector_load %arg12[%swap3A_2368] {strides = array<i32>} : memref<128xi32, #tpu.memory_space<vmem>>, vector<16xi32>,
      %swap3A_2370 = vector.shape_cast %swap3A_2369 : vector<16xi32> to vector<16xi32>
      %swap3A_2371 = vector.shape_cast %select_n3A_2367 : vector<16xi32> to vector<16xi32>
      tpu.vector_store %arg12[%swap3A_2368], %swap3A_2371 {strides = array<i32>} : memref<128xi32, #tpu.memory_space<vmem>>, vector<16xi32>,
      %get3A_2372 = arith.constant 32 : index
      %get3A_2373 = tpu.vector_load %arg6[%get3A_2372] {strides = array<i32>} : memref<128xi32, #tpu.memory_space<vmem>>, vector<16xi32>,
      %get3A_2374 = vector.shape_cast %get3A_2373 : vector<16xi32> to vector<16xi32>
      %get3A_2375 = arith.constant 32 : index
      %get3A_2376 = tpu.vector_load %arg7[%get3A_2375] {strides = array<i32>} : memref<128xi32, #tpu.memory_space<vmem>>, vector<16xi32>,
      %get3A_2377 = vector.shape_cast %get3A_2376 : vector<16xi32> to vector<16xi32>
      %lt3A_2378 = vector.broadcast %add3A_2297 : i32 to vector<16xi32>
      %lt3A_2379 = arith.cmpi slt, %lt3A_2378, %get3A_2374 : vector<16xi32>
      %sub3A_2380 = vector.broadcast %add3A_2297 : i32 to vector<16xi32>
      %sub3A_2381 = arith.subi %get3A_2374, %sub3A_2380 : vector<16xi32>
      %add3A_2382 = arith.constant 1 : i32
      %add3A_2383 = arith.addi %add3A_2297, %add3A_2382 : i32
      %sub3A_2384 = vector.broadcast %add3A_2383 : i32 to vector<16xi32>
      %sub3A_2385 = arith.subi %sub3A_2384, %get3A_2374 : vector<16xi32>
      %select_n3A_2386 = arith.select %lt3A_2379, %sub3A_2381, %sub3A_2385 : vector<16xi1>, vector<16xi32>
      %jit3A_2387 = arith.constant 0 : i32
      %jit3A_2388 = arith.constant 201 : i32
      %broadcast_in_dim3A_2389 = vector.broadcast %jit3A_2387 : i32 to vector<16xi32>
      %broadcast_in_dim3A_2390 = vector.broadcast %jit3A_2388 : i32 to vector<16xi32>
      %select_n3A_2391 = arith.select %lt3A_2379, %broadcast_in_dim3A_2389, %broadcast_in_dim3A_2390 : vector<16xi1>, vector<16xi32>
      %add3A_2392 = arith.addi %select_n3A_2386, %select_n3A_2391 : vector<16xi32>
      %add3A_2393 = arith.constant 402 : i32
      %add3A_2394 = arith.addi %add3A_2393, %add3A : i32
      %jit3A_2395 = arith.constant 0 : i32
      %jit3A_2396 = arith.constant 32 : i32
      %broadcast_in_dim3A_2397 = vector.broadcast %jit3A_2395 : i32 to vector<16xi32>
      %broadcast_in_dim3A_2398 = vector.broadcast %jit3A_2396 : i32 to vector<16xi32>
      %select_n3A_2399 = arith.select %lt3A_2379, %broadcast_in_dim3A_2397, %broadcast_in_dim3A_2398 : vector<16xi1>, vector<16xi32>
      %add3A_2400 = vector.broadcast %add3A_2394 : i32 to vector<16xi32>
      %add3A_2401 = arith.addi %add3A_2400, %select_n3A_2399 : vector<16xi32>
      %lt3A_2402 = vector.broadcast %add3A_2297 : i32 to vector<16xi32>
      %lt3A_2403 = arith.cmpi slt, %lt3A_2402, %get3A_2377 : vector<16xi32>
      %select_n3A_2404 = arith.select %lt3A_2403, %add3A_2392, %add3A_2401 : vector<16xi1>, vector<16xi32>
      %swap3A_2405 = arith.constant 32 : index
      %swap3A_2406 = tpu.vector_load %arg12[%swap3A_2405] {strides = array<i32>} : memref<128xi32, #tpu.memory_space<vmem>>, vector<16xi32>,
      %swap3A_2407 = vector.shape_cast %swap3A_2406 : vector<16xi32> to vector<16xi32>
      %swap3A_2408 = vector.shape_cast %select_n3A_2404 : vector<16xi32> to vector<16xi32>
      tpu.vector_store %arg12[%swap3A_2405], %swap3A_2408 {strides = array<i32>} : memref<128xi32, #tpu.memory_space<vmem>>, vector<16xi32>,
      %get3A_2409 = arith.constant 48 : index
      %get3A_2410 = tpu.vector_load %arg6[%get3A_2409] {strides = array<i32>} : memref<128xi32, #tpu.memory_space<vmem>>, vector<16xi32>,
      %get3A_2411 = vector.shape_cast %get3A_2410 : vector<16xi32> to vector<16xi32>
      %get3A_2412 = arith.constant 48 : index
      %get3A_2413 = tpu.vector_load %arg7[%get3A_2412] {strides = array<i32>} : memref<128xi32, #tpu.memory_space<vmem>>, vector<16xi32>,
      %get3A_2414 = vector.shape_cast %get3A_2413 : vector<16xi32> to vector<16xi32>
      %lt3A_2415 = vector.broadcast %add3A_2297 : i32 to vector<16xi32>
      %lt3A_2416 = arith.cmpi slt, %lt3A_2415, %get3A_2411 : vector<16xi32>
      %sub3A_2417 = vector.broadcast %add3A_2297 : i32 to vector<16xi32>
      %sub3A_2418 = arith.subi %get3A_2411, %sub3A_2417 : vector<16xi32>
      %add3A_2419 = arith.constant 1 : i32
      %add3A_2420 = arith.addi %add3A_2297, %add3A_2419 : i32
      %sub3A_2421 = vector.broadcast %add3A_2420 : i32 to vector<16xi32>
      %sub3A_2422 = arith.subi %sub3A_2421, %get3A_2411 : vector<16xi32>
      %select_n3A_2423 = arith.select %lt3A_2416, %sub3A_2418, %sub3A_2422 : vector<16xi1>, vector<16xi32>
      %jit3A_2424 = arith.constant 0 : i32
      %jit3A_2425 = arith.constant 201 : i32
      %broadcast_in_dim3A_2426 = vector.broadcast %jit3A_2424 : i32 to vector<16xi32>
      %broadcast_in_dim3A_2427 = vector.broadcast %jit3A_2425 : i32 to vector<16xi32>
      %select_n3A_2428 = arith.select %lt3A_2416, %broadcast_in_dim3A_2426, %broadcast_in_dim3A_2427 : vector<16xi1>, vector<16xi32>
      %add3A_2429 = arith.addi %select_n3A_2423, %select_n3A_2428 : vector<16xi32>
      %add3A_2430 = arith.constant 402 : i32
      %add3A_2431 = arith.addi %add3A_2430, %add3A : i32
      %jit3A_2432 = arith.constant 0 : i32
      %jit3A_2433 = arith.constant 32 : i32
      %broadcast_in_dim3A_2434 = vector.broadcast %jit3A_2432 : i32 to vector<16xi32>
      %broadcast_in_dim3A_2435 = vector.broadcast %jit3A_2433 : i32 to vector<16xi32>
      %select_n3A_2436 = arith.select %lt3A_2416, %broadcast_in_dim3A_2434, %broadcast_in_dim3A_2435 : vector<16xi1>, vector<16xi32>
      %add3A_2437 = vector.broadcast %add3A_2431 : i32 to vector<16xi32>
      %add3A_2438 = arith.addi %add3A_2437, %select_n3A_2436 : vector<16xi32>
      %lt3A_2439 = vector.broadcast %add3A_2297 : i32 to vector<16xi32>
      %lt3A_2440 = arith.cmpi slt, %lt3A_2439, %get3A_2414 : vector<16xi32>
      %select_n3A_2441 = arith.select %lt3A_2440, %add3A_2429, %add3A_2438 : vector<16xi1>, vector<16xi32>
      %swap3A_2442 = arith.constant 48 : index
      %swap3A_2443 = tpu.vector_load %arg12[%swap3A_2442] {strides = array<i32>} : memref<128xi32, #tpu.memory_space<vmem>>, vector<16xi32>,
      %swap3A_2444 = vector.shape_cast %swap3A_2443 : vector<16xi32> to vector<16xi32>
      %swap3A_2445 = vector.shape_cast %select_n3A_2441 : vector<16xi32> to vector<16xi32>
      tpu.vector_store %arg12[%swap3A_2442], %swap3A_2445 {strides = array<i32>} : memref<128xi32, #tpu.memory_space<vmem>>, vector<16xi32>,
      %get3A_2446 = arith.constant 64 : index
      %get3A_2447 = tpu.vector_load %arg6[%get3A_2446] {strides = array<i32>} : memref<128xi32, #tpu.memory_space<vmem>>, vector<16xi32>,
      %get3A_2448 = vector.shape_cast %get3A_2447 : vector<16xi32> to vector<16xi32>
      %get3A_2449 = arith.constant 64 : index
      %get3A_2450 = tpu.vector_load %arg7[%get3A_2449] {strides = array<i32>} : memref<128xi32, #tpu.memory_space<vmem>>, vector<16xi32>,
      %get3A_2451 = vector.shape_cast %get3A_2450 : vector<16xi32> to vector<16xi32>
      %lt3A_2452 = vector.broadcast %add3A_2297 : i32 to vector<16xi32>
      %lt3A_2453 = arith.cmpi slt, %lt3A_2452, %get3A_2448 : vector<16xi32>
      %sub3A_2454 = vector.broadcast %add3A_2297 : i32 to vector<16xi32>
      %sub3A_2455 = arith.subi %get3A_2448, %sub3A_2454 : vector<16xi32>
      %add3A_2456 = arith.constant 1 : i32
      %add3A_2457 = arith.addi %add3A_2297, %add3A_2456 : i32
      %sub3A_2458 = vector.broadcast %add3A_2457 : i32 to vector<16xi32>
      %sub3A_2459 = arith.subi %sub3A_2458, %get3A_2448 : vector<16xi32>
      %select_n3A_2460 = arith.select %lt3A_2453, %sub3A_2455, %sub3A_2459 : vector<16xi1>, vector<16xi32>
      %jit3A_2461 = arith.constant 0 : i32
      %jit3A_2462 = arith.constant 201 : i32
      %broadcast_in_dim3A_2463 = vector.broadcast %jit3A_2461 : i32 to vector<16xi32>
      %broadcast_in_dim3A_2464 = vector.broadcast %jit3A_2462 : i32 to vector<16xi32>
      %select_n3A_2465 = arith.select %lt3A_2453, %broadcast_in_dim3A_2463, %broadcast_in_dim3A_2464 : vector<16xi1>, vector<16xi32>
      %add3A_2466 = arith.addi %select_n3A_2460, %select_n3A_2465 : vector<16xi32>
      %add3A_2467 = arith.constant 402 : i32
      %add3A_2468 = arith.addi %add3A_2467, %add3A : i32
      %jit3A_2469 = arith.constant 0 : i32
      %jit3A_2470 = arith.constant 32 : i32
      %broadcast_in_dim3A_2471 = vector.broadcast %jit3A_2469 : i32 to vector<16xi32>
      %broadcast_in_dim3A_2472 = vector.broadcast %jit3A_2470 : i32 to vector<16xi32>
      %select_n3A_2473 = arith.select %lt3A_2453, %broadcast_in_dim3A_2471, %broadcast_in_dim3A_2472 : vector<16xi1>, vector<16xi32>
      %add3A_2474 = vector.broadcast %add3A_2468 : i32 to vector<16xi32>
      %add3A_2475 = arith.addi %add3A_2474, %select_n3A_2473 : vector<16xi32>
      %lt3A_2476 = vector.broadcast %add3A_2297 : i32 to vector<16xi32>
      %lt3A_2477 = arith.cmpi slt, %lt3A_2476, %get3A_2451 : vector<16xi32>
      %select_n3A_2478 = arith.select %lt3A_2477, %add3A_2466, %add3A_2475 : vector<16xi1>, vector<16xi32>
      %swap3A_2479 = arith.constant 64 : index
      %swap3A_2480 = tpu.vector_load %arg12[%swap3A_2479] {strides = array<i32>} : memref<128xi32, #tpu.memory_space<vmem>>, vector<16xi32>,
      %swap3A_2481 = vector.shape_cast %swap3A_2480 : vector<16xi32> to vector<16xi32>
      %swap3A_2482 = vector.shape_cast %select_n3A_2478 : vector<16xi32> to vector<16xi32>
      tpu.vector_store %arg12[%swap3A_2479], %swap3A_2482 {strides = array<i32>} : memref<128xi32, #tpu.memory_space<vmem>>, vector<16xi32>,
      %get3A_2483 = arith.constant 80 : index
      %get3A_2484 = tpu.vector_load %arg6[%get3A_2483] {strides = array<i32>} : memref<128xi32, #tpu.memory_space<vmem>>, vector<16xi32>,
      %get3A_2485 = vector.shape_cast %get3A_2484 : vector<16xi32> to vector<16xi32>
      %get3A_2486 = arith.constant 80 : index
      %get3A_2487 = tpu.vector_load %arg7[%get3A_2486] {strides = array<i32>} : memref<128xi32, #tpu.memory_space<vmem>>, vector<16xi32>,
      %get3A_2488 = vector.shape_cast %get3A_2487 : vector<16xi32> to vector<16xi32>
      %lt3A_2489 = vector.broadcast %add3A_2297 : i32 to vector<16xi32>
      %lt3A_2490 = arith.cmpi slt, %lt3A_2489, %get3A_2485 : vector<16xi32>
      %sub3A_2491 = vector.broadcast %add3A_2297 : i32 to vector<16xi32>
      %sub3A_2492 = arith.subi %get3A_2485, %sub3A_2491 : vector<16xi32>
      %add3A_2493 = arith.constant 1 : i32
      %add3A_2494 = arith.addi %add3A_2297, %add3A_2493 : i32
      %sub3A_2495 = vector.broadcast %add3A_2494 : i32 to vector<16xi32>
      %sub3A_2496 = arith.subi %sub3A_2495, %get3A_2485 : vector<16xi32>
      %select_n3A_2497 = arith.select %lt3A_2490, %sub3A_2492, %sub3A_2496 : vector<16xi1>, vector<16xi32>
      %jit3A_2498 = arith.constant 0 : i32
      %jit3A_2499 = arith.constant 201 : i32
      %broadcast_in_dim3A_2500 = vector.broadcast %jit3A_2498 : i32 to vector<16xi32>
      %broadcast_in_dim3A_2501 = vector.broadcast %jit3A_2499 : i32 to vector<16xi32>
      %select_n3A_2502 = arith.select %lt3A_2490, %broadcast_in_dim3A_2500, %broadcast_in_dim3A_2501 : vector<16xi1>, vector<16xi32>
      %add3A_2503 = arith.addi %select_n3A_2497, %select_n3A_2502 : vector<16xi32>
      %add3A_2504 = arith.constant 402 : i32
      %add3A_2505 = arith.addi %add3A_2504, %add3A : i32
      %jit3A_2506 = arith.constant 0 : i32
      %jit3A_2507 = arith.constant 32 : i32
      %broadcast_in_dim3A_2508 = vector.broadcast %jit3A_2506 : i32 to vector<16xi32>
      %broadcast_in_dim3A_2509 = vector.broadcast %jit3A_2507 : i32 to vector<16xi32>
      %select_n3A_2510 = arith.select %lt3A_2490, %broadcast_in_dim3A_2508, %broadcast_in_dim3A_2509 : vector<16xi1>, vector<16xi32>
      %add3A_2511 = vector.broadcast %add3A_2505 : i32 to vector<16xi32>
      %add3A_2512 = arith.addi %add3A_2511, %select_n3A_2510 : vector<16xi32>
      %lt3A_2513 = vector.broadcast %add3A_2297 : i32 to vector<16xi32>
      %lt3A_2514 = arith.cmpi slt, %lt3A_2513, %get3A_2488 : vector<16xi32>
      %select_n3A_2515 = arith.select %lt3A_2514, %add3A_2503, %add3A_2512 : vector<16xi1>, vector<16xi32>
      %swap3A_2516 = arith.constant 80 : index
      %swap3A_2517 = tpu.vector_load %arg12[%swap3A_2516] {strides = array<i32>} : memref<128xi32, #tpu.memory_space<vmem>>, vector<16xi32>,
      %swap3A_2518 = vector.shape_cast %swap3A_2517 : vector<16xi32> to vector<16xi32>
      %swap3A_2519 = vector.shape_cast %select_n3A_2515 : vector<16xi32> to vector<16xi32>
      tpu.vector_store %arg12[%swap3A_2516], %swap3A_2519 {strides = array<i32>} : memref<128xi32, #tpu.memory_space<vmem>>, vector<16xi32>,
      %get3A_2520 = arith.constant 96 : index
      %get3A_2521 = tpu.vector_load %arg6[%get3A_2520] {strides = array<i32>} : memref<128xi32, #tpu.memory_space<vmem>>, vector<16xi32>,
      %get3A_2522 = vector.shape_cast %get3A_2521 : vector<16xi32> to vector<16xi32>
      %get3A_2523 = arith.constant 96 : index
      %get3A_2524 = tpu.vector_load %arg7[%get3A_2523] {strides = array<i32>} : memref<128xi32, #tpu.memory_space<vmem>>, vector<16xi32>,
      %get3A_2525 = vector.shape_cast %get3A_2524 : vector<16xi32> to vector<16xi32>
      %lt3A_2526 = vector.broadcast %add3A_2297 : i32 to vector<16xi32>
      %lt3A_2527 = arith.cmpi slt, %lt3A_2526, %get3A_2522 : vector<16xi32>
      %sub3A_2528 = vector.broadcast %add3A_2297 : i32 to vector<16xi32>
      %sub3A_2529 = arith.subi %get3A_2522, %sub3A_2528 : vector<16xi32>
      %add3A_2530 = arith.constant 1 : i32
      %add3A_2531 = arith.addi %add3A_2297, %add3A_2530 : i32
      %sub3A_2532 = vector.broadcast %add3A_2531 : i32 to vector<16xi32>
      %sub3A_2533 = arith.subi %sub3A_2532, %get3A_2522 : vector<16xi32>
      %select_n3A_2534 = arith.select %lt3A_2527, %sub3A_2529, %sub3A_2533 : vector<16xi1>, vector<16xi32>
      %jit3A_2535 = arith.constant 0 : i32
      %jit3A_2536 = arith.constant 201 : i32
      %broadcast_in_dim3A_2537 = vector.broadcast %jit3A_2535 : i32 to vector<16xi32>
      %broadcast_in_dim3A_2538 = vector.broadcast %jit3A_2536 : i32 to vector<16xi32>
      %select_n3A_2539 = arith.select %lt3A_2527, %broadcast_in_dim3A_2537, %broadcast_in_dim3A_2538 : vector<16xi1>, vector<16xi32>
      %add3A_2540 = arith.addi %select_n3A_2534, %select_n3A_2539 : vector<16xi32>
      %add3A_2541 = arith.constant 402 : i32
      %add3A_2542 = arith.addi %add3A_2541, %add3A : i32
      %jit3A_2543 = arith.constant 0 : i32
      %jit3A_2544 = arith.constant 32 : i32
      %broadcast_in_dim3A_2545 = vector.broadcast %jit3A_2543 : i32 to vector<16xi32>
      %broadcast_in_dim3A_2546 = vector.broadcast %jit3A_2544 : i32 to vector<16xi32>
      %select_n3A_2547 = arith.select %lt3A_2527, %broadcast_in_dim3A_2545, %broadcast_in_dim3A_2546 : vector<16xi1>, vector<16xi32>
      %add3A_2548 = vector.broadcast %add3A_2542 : i32 to vector<16xi32>
      %add3A_2549 = arith.addi %add3A_2548, %select_n3A_2547 : vector<16xi32>
      %lt3A_2550 = vector.broadcast %add3A_2297 : i32 to vector<16xi32>
      %lt3A_2551 = arith.cmpi slt, %lt3A_2550, %get3A_2525 : vector<16xi32>
      %select_n3A_2552 = arith.select %lt3A_2551, %add3A_2540, %add3A_2549 : vector<16xi1>, vector<16xi32>
      %swap3A_2553 = arith.constant 96 : index
      %swap3A_2554 = tpu.vector_load %arg12[%swap3A_2553] {strides = array<i32>} : memref<128xi32, #tpu.memory_space<vmem>>, vector<16xi32>,
      %swap3A_2555 = vector.shape_cast %swap3A_2554 : vector<16xi32> to vector<16xi32>
      %swap3A_2556 = vector.shape_cast %select_n3A_2552 : vector<16xi32> to vector<16xi32>
      tpu.vector_store %arg12[%swap3A_2553], %swap3A_2556 {strides = array<i32>} : memref<128xi32, #tpu.memory_space<vmem>>, vector<16xi32>,
      %get3A_2557 = arith.constant 112 : index
      %get3A_2558 = tpu.vector_load %arg6[%get3A_2557] {strides = array<i32>} : memref<128xi32, #tpu.memory_space<vmem>>, vector<16xi32>,
      %get3A_2559 = vector.shape_cast %get3A_2558 : vector<16xi32> to vector<16xi32>
      %get3A_2560 = arith.constant 112 : index
      %get3A_2561 = tpu.vector_load %arg7[%get3A_2560] {strides = array<i32>} : memref<128xi32, #tpu.memory_space<vmem>>, vector<16xi32>,
      %get3A_2562 = vector.shape_cast %get3A_2561 : vector<16xi32> to vector<16xi32>
      %lt3A_2563 = vector.broadcast %add3A_2297 : i32 to vector<16xi32>
      %lt3A_2564 = arith.cmpi slt, %lt3A_2563, %get3A_2559 : vector<16xi32>
      %sub3A_2565 = vector.broadcast %add3A_2297 : i32 to vector<16xi32>
      %sub3A_2566 = arith.subi %get3A_2559, %sub3A_2565 : vector<16xi32>
      %add3A_2567 = arith.constant 1 : i32
      %add3A_2568 = arith.addi %add3A_2297, %add3A_2567 : i32
      %sub3A_2569 = vector.broadcast %add3A_2568 : i32 to vector<16xi32>
      %sub3A_2570 = arith.subi %sub3A_2569, %get3A_2559 : vector<16xi32>
      %select_n3A_2571 = arith.select %lt3A_2564, %sub3A_2566, %sub3A_2570 : vector<16xi1>, vector<16xi32>
      %jit3A_2572 = arith.constant 0 : i32
      %jit3A_2573 = arith.constant 201 : i32
      %broadcast_in_dim3A_2574 = vector.broadcast %jit3A_2572 : i32 to vector<16xi32>
      %broadcast_in_dim3A_2575 = vector.broadcast %jit3A_2573 : i32 to vector<16xi32>
      %select_n3A_2576 = arith.select %lt3A_2564, %broadcast_in_dim3A_2574, %broadcast_in_dim3A_2575 : vector<16xi1>, vector<16xi32>
      %add3A_2577 = arith.addi %select_n3A_2571, %select_n3A_2576 : vector<16xi32>
      %add3A_2578 = arith.constant 402 : i32
      %add3A_2579 = arith.addi %add3A_2578, %add3A : i32
      %jit3A_2580 = arith.constant 0 : i32
      %jit3A_2581 = arith.constant 32 : i32
      %broadcast_in_dim3A_2582 = vector.broadcast %jit3A_2580 : i32 to vector<16xi32>
      %broadcast_in_dim3A_2583 = vector.broadcast %jit3A_2581 : i32 to vector<16xi32>
      %select_n3A_2584 = arith.select %lt3A_2564, %broadcast_in_dim3A_2582, %broadcast_in_dim3A_2583 : vector<16xi1>, vector<16xi32>
      %add3A_2585 = vector.broadcast %add3A_2579 : i32 to vector<16xi32>
      %add3A_2586 = arith.addi %add3A_2585, %select_n3A_2584 : vector<16xi32>
      %lt3A_2587 = vector.broadcast %add3A_2297 : i32 to vector<16xi32>
      %lt3A_2588 = arith.cmpi slt, %lt3A_2587, %get3A_2562 : vector<16xi32>
      %select_n3A_2589 = arith.select %lt3A_2588, %add3A_2577, %add3A_2586 : vector<16xi1>, vector<16xi32>
      %swap3A_2590 = arith.constant 112 : index
      %swap3A_2591 = tpu.vector_load %arg12[%swap3A_2590] {strides = array<i32>} : memref<128xi32, #tpu.memory_space<vmem>>, vector<16xi32>,
      %swap3A_2592 = vector.shape_cast %swap3A_2591 : vector<16xi32> to vector<16xi32>
      %swap3A_2593 = vector.shape_cast %select_n3A_2589 : vector<16xi32> to vector<16xi32>
      tpu.vector_store %arg12[%swap3A_2590], %swap3A_2593 {strides = array<i32>} : memref<128xi32, #tpu.memory_space<vmem>>, vector<16xi32>,
      %mul3A_2594 = arith.constant 4096 : i32
      %mul3A_2595 = arith.muli %add3A_2297, %mul3A_2594 : i32
      %add3A_2596 = arith.addi %mul3A_2595, %mul3A_2 : i32
      %dma_wait3A_2597 = arith.constant 0 : i32
      %dma_wait3A_2598 = tpu.memref_slice %arg5[%add3A_2596, %dma_wait3A_2597] : memref<819200x128xf32, #tpu.memory_space<hbm>> -> memref<128x128xf32, #tpu.memory_space<hbm>>
      %dma_wait3A_2599 = arith.constant 0 : i32
      %dma_wait3A_2600 = tpu.memref_slice %arg5[%add3A_2596, %dma_wait3A_2599] : memref<819200x128xf32, #tpu.memory_space<hbm>> -> memref<128x128xf32, #tpu.memory_space<hbm>>
      tpu.wait_dma2 semaphore(%arg24 : memref<!tpu.dma_semaphore, #tpu.memory_space<semaphore_mem>>) src(%arg16 : memref<128x128xf32, #tpu.memory_space<vmem>>) dst(%dma_wait3A_2600 : memref<128x128xf32, #tpu.memory_space<hbm>>)
      %dma_start3A_2601 = arith.constant 0 : i32
      %dma_start3A_2602 = arith.constant 0 : i32
      %dma_start3A_2603 = tpu.memref_slice %arg8[%dma_start3A_2601, %dma_start3A_2602] : memref<512x128xf32, #tpu.memory_space<vmem_shared>> -> memref<512x128xf32, #tpu.memory_space<vmem_shared>>
      tpu.enqueue_indirect_dma source(%dma_start3A_2603 : memref<512x128xf32, #tpu.memory_space<vmem_shared>>) target(%arg16 : memref<128x128xf32, #tpu.memory_space<vmem>>) offsets(%arg12 : memref<128xi32, #tpu.memory_space<vmem>>) semaphore(%arg20 : memref<!tpu.dma_semaphore, #tpu.memory_space<semaphore_mem>>)
      %dma_wait3A_2604 = arith.constant 0 : i32
      %dma_wait3A_2605 = arith.constant 0 : i32
      %dma_wait3A_2606 = tpu.memref_slice %arg8[%dma_wait3A_2604, %dma_wait3A_2605] : memref<512x128xf32, #tpu.memory_space<vmem_shared>> -> memref<512x128xf32, #tpu.memory_space<vmem_shared>>
      tpu.wait_indirect_dma semaphore(%arg18 : memref<!tpu.dma_semaphore, #tpu.memory_space<semaphore_mem>>) src(%dma_wait3A_2606 : memref<512x128xf32, #tpu.memory_space<vmem_shared>>) dst(%arg14 : memref<128x128xf32, #tpu.memory_space<vmem>>)
      %sub3A_2607 = arith.constant 2 : i32
      %sub3A_2608 = arith.subi %add3A_2297, %sub3A_2607 : i32
      %mul3A_2609 = arith.constant 4096 : i32
      %mul3A_2610 = arith.muli %sub3A_2608, %mul3A_2609 : i32
      %add3A_2611 = arith.addi %mul3A_2610, %mul3A_2 : i32
      %dma_start3A_2612 = arith.constant 0 : i32
      %dma_start3A_2613 = tpu.memref_slice %arg5[%add3A_2611, %dma_start3A_2612] : memref<819200x128xf32, #tpu.memory_space<hbm>> -> memref<128x128xf32, #tpu.memory_space<hbm>>
      %dma_start3A_2614 = arith.constant 0 : i32
      %dma_start3A_2615 = tpu.memref_slice %arg5[%add3A_2611, %dma_start3A_2614] : memref<819200x128xf32, #tpu.memory_space<hbm>> -> memref<128x128xf32, #tpu.memory_space<hbm>>
      tpu.enqueue_dma source(%arg14 : memref<128x128xf32, #tpu.memory_space<vmem>>) target(%dma_start3A_2615 : memref<128x128xf32, #tpu.memory_space<hbm>>) target_semaphore(%arg22 : memref<!tpu.dma_semaphore, #tpu.memory_space<semaphore_mem>>)
    }
    %scan3A_1277 = arith.constant 49 : i32
    %dma_wait3A_1278 = arith.constant 0 : i32
    %dma_wait3A_1279 = arith.constant 0 : i32
    %dma_wait3A_1280 = tpu.memref_slice %arg8[%dma_wait3A_1278, %dma_wait3A_1279] : memref<512x128xf32, #tpu.memory_space<vmem_shared>> -> memref<512x128xf32, #tpu.memory_space<vmem_shared>>
    tpu.wait_indirect_dma semaphore(%arg19 : memref<!tpu.dma_semaphore, #tpu.memory_space<semaphore_mem>>) src(%dma_wait3A_1280 : memref<512x128xf32, #tpu.memory_space<vmem_shared>>) dst(%arg15 : memref<128x128xf32, #tpu.memory_space<vmem>>)
    %add3A_1281 = arith.constant 811008 : i32
    %add3A_1282 = arith.addi %add3A_1281, %mul3A_2 : i32
    %dma_start3A_1283 = arith.constant 0 : i32
    %dma_start3A_1284 = tpu.memref_slice %arg5[%add3A_1282, %dma_start3A_1283] : memref<819200x128xf32, #tpu.memory_space<hbm>> -> memref<128x128xf32, #tpu.memory_space<hbm>>
    %dma_start3A_1285 = arith.constant 0 : i32
    %dma_start3A_1286 = tpu.memref_slice %arg5[%add3A_1282, %dma_start3A_1285] : memref<819200x128xf32, #tpu.memory_space<hbm>> -> memref<128x128xf32, #tpu.memory_space<hbm>>
    tpu.enqueue_dma source(%arg15 : memref<128x128xf32, #tpu.memory_space<vmem>>) target(%dma_start3A_1286 : memref<128x128xf32, #tpu.memory_space<hbm>>) target_semaphore(%arg23 : memref<!tpu.dma_semaphore, #tpu.memory_space<semaphore_mem>>)
    %dma_wait3A_1287 = arith.constant 0 : i32
    %dma_wait3A_1288 = arith.constant 0 : i32
    %dma_wait3A_1289 = tpu.memref_slice %arg8[%dma_wait3A_1287, %dma_wait3A_1288] : memref<512x128xf32, #tpu.memory_space<vmem_shared>> -> memref<512x128xf32, #tpu.memory_space<vmem_shared>>
    tpu.wait_indirect_dma semaphore(%arg20 : memref<!tpu.dma_semaphore, #tpu.memory_space<semaphore_mem>>) src(%dma_wait3A_1289 : memref<512x128xf32, #tpu.memory_space<vmem_shared>>) dst(%arg16 : memref<128x128xf32, #tpu.memory_space<vmem>>)
    %add3A_1290 = arith.constant 815104 : i32
    %add3A_1291 = arith.addi %add3A_1290, %mul3A_2 : i32
    %dma_start3A_1292 = arith.constant 0 : i32
    %dma_start3A_1293 = tpu.memref_slice %arg5[%add3A_1291, %dma_start3A_1292] : memref<819200x128xf32, #tpu.memory_space<hbm>> -> memref<128x128xf32, #tpu.memory_space<hbm>>
    %dma_start3A_1294 = arith.constant 0 : i32
    %dma_start3A_1295 = tpu.memref_slice %arg5[%add3A_1291, %dma_start3A_1294] : memref<819200x128xf32, #tpu.memory_space<hbm>> -> memref<128x128xf32, #tpu.memory_space<hbm>>
    tpu.enqueue_dma source(%arg16 : memref<128x128xf32, #tpu.memory_space<vmem>>) target(%dma_start3A_1295 : memref<128x128xf32, #tpu.memory_space<hbm>>) target_semaphore(%arg24 : memref<!tpu.dma_semaphore, #tpu.memory_space<semaphore_mem>>)
    %add3A_1296 = arith.constant 0 : i32
    %add3A_1297 = arith.addi %add3A_1296, %mul3A_2 : i32
    %dma_wait3A_1298 = arith.constant 0 : i32
    %dma_wait3A_1299 = tpu.memref_slice %arg5[%add3A_1297, %dma_wait3A_1298] : memref<819200x128xf32, #tpu.memory_space<hbm>> -> memref<128x128xf32, #tpu.memory_space<hbm>>
    %dma_wait3A_1300 = arith.constant 0 : i32
    %dma_wait3A_1301 = tpu.memref_slice %arg5[%add3A_1297, %dma_wait3A_1300] : memref<819200x128xf32, #tpu.memory_space<hbm>> -> memref<128x128xf32, #tpu.memory_space<hbm>>
    tpu.wait_dma2 semaphore(%arg21 : memref<!tpu.dma_semaphore, #tpu.memory_space<semaphore_mem>>) src(%arg13 : memref<128x128xf32, #tpu.memory_space<vmem>>) dst(%dma_wait3A_1301 : memref<128x128xf32, #tpu.memory_space<hbm>>)
    %add3A_1302 = arith.constant 0 : i32
    %add3A_1303 = arith.addi %add3A_1302, %mul3A_2 : i32
    %dma_wait3A_1304 = arith.constant 0 : i32
    %dma_wait3A_1305 = tpu.memref_slice %arg5[%add3A_1303, %dma_wait3A_1304] : memref<819200x128xf32, #tpu.memory_space<hbm>> -> memref<128x128xf32, #tpu.memory_space<hbm>>
    %dma_wait3A_1306 = arith.constant 0 : i32
    %dma_wait3A_1307 = tpu.memref_slice %arg5[%add3A_1303, %dma_wait3A_1306] : memref<819200x128xf32, #tpu.memory_space<hbm>> -> memref<128x128xf32, #tpu.memory_space<hbm>>
    tpu.wait_dma2 semaphore(%arg22 : memref<!tpu.dma_semaphore, #tpu.memory_space<semaphore_mem>>) src(%arg14 : memref<128x128xf32, #tpu.memory_space<vmem>>) dst(%dma_wait3A_1307 : memref<128x128xf32, #tpu.memory_space<hbm>>)
    %add3A_1308 = arith.constant 0 : i32
    %add3A_1309 = arith.addi %add3A_1308, %mul3A_2 : i32
    %dma_wait3A_1310 = arith.constant 0 : i32
    %dma_wait3A_1311 = tpu.memref_slice %arg5[%add3A_1309, %dma_wait3A_1310] : memref<819200x128xf32, #tpu.memory_space<hbm>> -> memref<128x128xf32, #tpu.memory_space<hbm>>
    %dma_wait3A_1312 = arith.constant 0 : i32
    %dma_wait3A_1313 = tpu.memref_slice %arg5[%add3A_1309, %dma_wait3A_1312] : memref<819200x128xf32, #tpu.memory_space<hbm>> -> memref<128x128xf32, #tpu.memory_space<hbm>>
    tpu.wait_dma2 semaphore(%arg23 : memref<!tpu.dma_semaphore, #tpu.memory_space<semaphore_mem>>) src(%arg15 : memref<128x128xf32, #tpu.memory_space<vmem>>) dst(%dma_wait3A_1313 : memref<128x128xf32, #tpu.memory_space<hbm>>)
    %add3A_1314 = arith.constant 0 : i32
    %add3A_1315 = arith.addi %add3A_1314, %mul3A_2 : i32
    %dma_wait3A_1316 = arith.constant 0 : i32
    %dma_wait3A_1317 = tpu.memref_slice %arg5[%add3A_1315, %dma_wait3A_1316] : memref<819200x128xf32, #tpu.memory_space<hbm>> -> memref<128x128xf32, #tpu.memory_space<hbm>>
    %dma_wait3A_1318 = arith.constant 0 : i32
    %dma_wait3A_1319 = tpu.memref_slice %arg5[%add3A_1315, %dma_wait3A_1318] : memref<819200x128xf32, #tpu.memory_space<hbm>> -> memref<128x128xf32, #tpu.memory_space<hbm>>
    tpu.wait_dma2 semaphore(%arg24 : memref<!tpu.dma_semaphore, #tpu.memory_space<semaphore_mem>>) src(%arg16 : memref<128x128xf32, #tpu.memory_space<vmem>>) dst(%dma_wait3A_1319 : memref<128x128xf32, #tpu.memory_space<hbm>>)
    return
  }
}

module attributes {stable_mosaic.version = 14 : i64} {
  func.func @_build_tbl_body(%arg0: memref<201x128xf32, #tpu.memory_space<vmem>>, %arg1: memref<2x128xf32, #tpu.memory_space<vmem>>, %arg2: memref<512x128xf32, #tpu.memory_space<vmem>>) attributes {dimension_semantics = [], scalar_prefetch = 0 : i64, scratch_operands = 0 : i64, tpu.core_type = #tpu.core_type<tc>} {
    %get3A = arith.constant 0 : index
    %get3A_0 = arith.constant 0 : index
    %get3A_1 = vector.load %arg0[%get3A, %get3A_0] : memref<201x128xf32, #tpu.memory_space<vmem>>, vector<201x128xf32>
    %get3A_2 = arith.constant 0 : index
    %get3A_3 = arith.constant 0 : index
    %get3A_4 = vector.load %arg1[%get3A_2, %get3A_3] : memref<2x128xf32, #tpu.memory_space<vmem>>, vector<1x128xf32>
    %get3A_5 = arith.constant 1 : index
    %get3A_6 = arith.constant 0 : index
    %get3A_7 = vector.load %arg1[%get3A_5, %get3A_6] : memref<2x128xf32, #tpu.memory_space<vmem>>, vector<1x128xf32>
    %add3A = vector.broadcast %get3A_4 : vector<1x128xf32> to vector<201x128xf32>
    %add3A_8 = arith.addf %get3A_1, %add3A : vector<201x128xf32>
    %swap3A = arith.constant 0 : index
    %swap3A_9 = arith.constant 0 : index
    %swap3A_10 = vector.load %arg2[%swap3A, %swap3A_9] : memref<512x128xf32, #tpu.memory_space<vmem>>, vector<201x128xf32>
    tpu.vector_store %arg2[%swap3A, %swap3A_9], %add3A_8 {strides = array<i32>} : memref<512x128xf32, #tpu.memory_space<vmem>>, vector<201x128xf32>,
    %add3A_11 = vector.broadcast %get3A_7 : vector<1x128xf32> to vector<201x128xf32>
    %add3A_12 = arith.addf %get3A_1, %add3A_11 : vector<201x128xf32>
    %swap3A_13 = arith.constant 201 : index
    %swap3A_14 = arith.constant 0 : index
    %swap3A_15 = vector.load %arg2[%swap3A_13, %swap3A_14] : memref<512x128xf32, #tpu.memory_space<vmem>>, vector<201x128xf32>
    tpu.vector_store %arg2[%swap3A_13, %swap3A_14], %add3A_12 {strides = array<i32>} : memref<512x128xf32, #tpu.memory_space<vmem>>, vector<201x128xf32>,
    %broadcast_in_dim3A = arith.constant 0.000000e+00 : f32
    %broadcast_in_dim3A_16 = vector.broadcast %broadcast_in_dim3A : f32 to vector<110x128xf32>
    %slice3A = vector.extract_strided_slice %broadcast_in_dim3A_16 {offsets = [0, 0], sizes = [32, 128], strides = [1, 1]} : vector<110x128xf32> to vector<32x128xf32>
    %add3A_17 = vector.broadcast %get3A_4 : vector<1x128xf32> to vector<32x128xf32>
    %add3A_18 = arith.addf %slice3A, %add3A_17 : vector<32x128xf32>
    %swap3A_19 = arith.constant 402 : index
    %swap3A_20 = arith.constant 0 : index
    %swap3A_21 = vector.load %arg2[%swap3A_19, %swap3A_20] : memref<512x128xf32, #tpu.memory_space<vmem>>, vector<32x128xf32>
    tpu.vector_store %arg2[%swap3A_19, %swap3A_20], %add3A_18 {strides = array<i32>} : memref<512x128xf32, #tpu.memory_space<vmem>>, vector<32x128xf32>,
    %slice3A_22 = vector.extract_strided_slice %broadcast_in_dim3A_16 {offsets = [0, 0], sizes = [78, 128], strides = [1, 1]} : vector<110x128xf32> to vector<78x128xf32>
    %add3A_23 = vector.broadcast %get3A_7 : vector<1x128xf32> to vector<78x128xf32>
    %add3A_24 = arith.addf %slice3A_22, %add3A_23 : vector<78x128xf32>
    %swap3A_25 = arith.constant 434 : index
    %swap3A_26 = arith.constant 0 : index
    %swap3A_27 = vector.load %arg2[%swap3A_25, %swap3A_26] : memref<512x128xf32, #tpu.memory_space<vmem>>, vector<78x128xf32>
    tpu.vector_store %arg2[%swap3A_25, %swap3A_26], %add3A_24 {strides = array<i32>} : memref<512x128xf32, #tpu.memory_space<vmem>>, vector<78x128xf32>,
    return
  }
}

</mosaic_0001>

<sc_bundles>
// kernel: kernel.4.cloned.1.call-start
scs
__scs_entry_jumppad:
0x0: {  	(pc) =	sbr.rel $0x88, $3  }
0x1: {  	(tag) =	ssettag $0x0;
	lr =	simm.s32 $0x1  }
0x2: {  	[smem:$0x3F9D] =	sst lr;
	_ =	strace $0xD0000000  }
0x3: {  	_ = 	snop  }
0x4: {  	_ = 	snop  }
0x5: {  	_ = 	snop  }
0x6: {  	_ = 	snop  }
0x7: {  	_ = 	snop  }
__scs_overlays_trampoline_lowered:
0x8: {  	[smem:$0x3FAC] =	sst s0  }
0x9: {  	[smem:$0x3FAD] =	sst s1  }
0xa: {  	[smem:$0x3FAE] =	sst s2  }
0xb: {  	[smem:$0x3FAF] =	sst s3  }
0xc: {  	[smem:$0x3FB0] =	sst s4  }
0xd: {  	[smem:$0x3FB1] =	sst s5  }
0xe: {  	[smem:$0x3FB2] =	sst s6  }
0xf: {  	[smem:$0x3FB3] =	sst s7  }
0x10: {  	[smem:$0x3FB4] =	sst s8  }
0x11: {  	[smem:$0x3FB5] =	sst s9;
	s0 =	simm.s32 @!p0 $0x0  }
0x12: {  	s1 =	sld [smem:$0x3F9B];
	s0 =	simm.s32 @p0 $0x1  }
0x13: {  	[smem:$0x3FB6] =	sst s0;
	s0 =	simm.s32 @!p1 $0x0  }
0x14: {  	s2 =	sld [smem:$0x3F9A];
	s0 =	simm.s32 @p1 $0x1  }
0x15: {  	[smem:$0x3FB7] =	sst s0;
	s0 =	simm.s32 @!p2 $0x0  }
0x16: {  	s3 =	sld [smem:$0x3FDB];
	s0 =	simm.s32 @p2 $0x1  }
0x17: {  	s4 =	simm.s32 $0x1BF5;
	[smem:$0x3FB9] =	sst s0  }
0x18: {  	s0 =	sld [smem:$0x3F9C];
	_ =	swait.ge [sflag:s4], $0x0  }
0x19: {  	s7 =	sld [smem:$0x3F9D]  }
0x1a: {  	s8 =	sadd.s32 $0xFFFFE003, lr  }
0x1b: {  	s9 =	sadd.s32 $0xFFFFFEF7, lr;
	s5 =	simm.s32 $0xFFFFFFFF;
	p2 =	slt.u32 s8, $0xFFFFF086  }
0x1c: {  	p1 =	slt.u32 s9, $0xF7A;
	s5 =	simm.s32 @!p2 $0x0  }
0x1d: {  	s5 =	simm.s32 @p1 $0x1;
	p0 =	seq.s32 s7, s2  }
0x1e: {  	s7 =	smul.u32 @!p0 $0xF7A, s2;
	p2 =	seq.s32 @!p0 s5, $0x0  }
0x1f: {  	s9 =	smul.u32 $0xF7A, s1;
	s8 =	simm.s32 @!p0 $0x1BF5;
	p2 =	por !p2, p0  }
0x20: {  	[sflag:s8] =	ssyncset.s32 @!p0 $0xFFFFF086;
	s6 =	sadd.s32 @!p0 s3, s7;
	s7 =	simm.s32 @!p0 $0x108  }
0x21: {  	s3 =	sadd.s32 s3, s9;
	s6 =	sadd.s32 @!p0 $0x88, s6;
	s7 =	simm.s32 @p2 $0x1082  }
0x22: {  	[simem:s7], [sflag:s8] =	dma.local @!p0 [hbm:s6], $0xF7A  }
0x23: {  	s9 =	sor.u32 $0xD0000000, s2;
	s6 =	simm.s32 $0x108;
	_ =	swait.ge @!p0 [sflag:s8], $0x0  }
0x24: {  	s3 =	sadd.s32 $0x88, s3;
	s6 =	simm.s32 @!p1 $0x1082;
	[sflag:s4] =	ssyncset.s32 $0xFFFFF086  }
0x25: {  	[simem:s6], [sflag:s4] =	dma.local [hbm:s3], $0xF7A  }
0x26: {  	[smem:$0x3F9D] =	sst s1;
	(tag) =	ssettag s2;
	_ =	strace s9  }
0x27: {  	s1 =	sld [smem:$0x3FAD]  }
0x28: {  	s2 =	sld [smem:$0x3FAE]  }
0x29: {  	s4 =	sld [smem:$0x3FB0]  }
0x2a: {  	p0 =	seq.s32 s5, $0x0;
	s5 =	sld [smem:$0x3FB1]  }
0x2b: {  	s6 =	sld [smem:$0x3FB2]  }
0x2c: {  	s7 =	sld [smem:$0x3FB3]  }
0x2d: {  	s3 =	simm.s32 $0x108;
	s8 =	sld [smem:$0x3FB4]  }
0x2e: {  	s3 =	simm.s32 @!p0 $0x1082;
	s9 =	sld [smem:$0x3FB5]  }
0x2f: {  	lr =	sadd.s32 s0, s3;
	s0 =	sld [smem:$0x3FAC]  }
0x30: {  	s3 =	sld [smem:$0x3FAF]  }
0x31: {  	[smem:$0x3FB8] =	sst s10  }
0x32: {  	s10 =	sld [smem:$0x3FB6];
	_ =	sdelay $0x3  }
0x33: {  	p0 =	seq.s32 s10, $0x1;
	s10 =	sld [smem:$0x3FB8];
	_ =	sdelay $0x3  }
0x34: {  	[smem:$0x3FB8] =	sst s10  }
0x35: {  	s10 =	sld [smem:$0x3FB7];
	_ =	sdelay $0x3  }
0x36: {  	p1 =	seq.s32 s10, $0x1;
	s10 =	sld [smem:$0x3FB8];
	_ =	sdelay $0x3  }
0x37: {  	[smem:$0x3FB8] =	sst s10  }
0x38: {  	s10 =	sld [smem:$0x3FB9]  }
0x39: {  	_ = 	snop;
	(pc) =	sbr.ind lr, $3  }
0x3a: {  	_ = 	snop  }
0x3b: {  	_ = 	snop  }
0x3c: {  	p2 =	seq.s32 s10, $0x1;
	s10 =	sld [smem:$0x3FB8]  }
0x3d: {  	_ =	shalt  }
0x3e: {  	_ =	shalt  }
0x3f: {  	_ =	shalt  }
0x40: {  	_ =	shalt  }
0x41: {  	_ =	shalt  }
0x42: {  	_ =	shalt  }
0x43: {  	_ =	shalt  }
0x44: {  	_ =	shalt  }
0x45: {  	_ =	shalt  }
0x46: {  	_ =	shalt  }
0x47: {  	_ =	shalt  }
0x48: {  	_ =	shalt  }
0x49: {  	_ =	shalt  }
0x4a: {  	_ =	shalt  }
0x4b: {  	_ =	shalt  }
0x4c: {  	_ =	shalt  }
0x4d: {  	_ =	shalt  }
0x4e: {  	_ =	shalt  }
0x4f: {  	_ =	shalt  }
0x50: {  	_ =	shalt  }
0x51: {  	_ =	shalt  }
0x52: {  	_ =	shalt  }
0x53: {  	_ =	shalt  }
0x54: {  	_ =	shalt  }
0x55: {  	_ =	shalt  }
0x56: {  	_ =	shalt  }
0x57: {  	_ =	shalt  }
0x58: {  	_ =	shalt  }
0x59: {  	_ =	shalt  }
0x5a: {  	_ =	shalt  }
0x5b: {  	_ =	shalt  }
0x5c: {  	_ =	shalt  }
0x5d: {  	_ =	shalt  }
0x5e: {  	_ =	shalt  }
0x5f: {  	_ =	shalt  }
0x60: {  	_ =	shalt  }
0x61: {  	_ =	shalt  }
0x62: {  	_ =	shalt  }
0x63: {  	_ =	shalt  }
0x64: {  	_ =	shalt  }
0x65: {  	_ =	shalt  }
0x66: {  	_ =	shalt  }
0x67: {  	_ =	shalt  }
0x68: {  	_ =	shalt  }
0x69: {  	_ =	shalt  }
0x6a: {  	_ =	shalt  }
0x6b: {  	_ =	shalt  }
0x6c: {  	_ =	shalt  }
0x6d: {  	_ =	shalt  }
0x6e: {  	_ =	shalt  }
0x6f: {  	_ =	shalt  }
0x70: {  	_ =	shalt  }
0x71: {  	_ =	shalt  }
0x72: {  	_ =	shalt  }
0x73: {  	_ =	shalt  }
0x74: {  	_ =	shalt  }
0x75: {  	_ =	shalt  }
0x76: {  	_ =	shalt  }
0x77: {  	_ =	shalt  }
0x78: {  	_ =	shalt  }
0x79: {  	_ =	shalt  }
0x7a: {  	_ =	shalt  }
0x7b: {  	_ =	shalt  }
0x7c: {  	_ =	shalt  }
0x7d: {  	_ =	shalt  }
0x7e: {  	_ =	shalt  }
0x7f: {  	_ =	shalt  }
0x80: {  	_ =	shalt  }
0x81: {  	_ =	shalt  }
0x82: {  	_ =	shalt  }
0x83: {  	_ =	shalt  }
0x84: {  	_ =	shalt  }
0x85: {  	_ =	shalt  }
0x86: {  	_ =	shalt  }
0x87: {  	_ =	shalt  }
.Lfunc_end0:
.L_simem_size_0:
called_computation_lowered:
.L_overlay_start_0:
0x88: {  	s2 =	sld [smem:$0x3FD9]  }
0x89: {  	s3 =	sld [smem:$0x3FFE];
	_ =	sdelay $0x1  }
0x8a: {  	s1 =	srdreg.scid  }
0x8b: {  	s0 =	sand.u32 $0x1, s1  }
0x8c: {  	s17 =	sshll.u32 s0, $0xA;
	s2 =	sadd.s32 s3, s2  }
0x8d: {  	s2 =	sadd.s32 s2, s17  }
0x8e: {  	[smem:$0x3FC4] =	sst s2  }
0x8f: {  	_ = 	snop  }
0x90: {  	s2 =	sld [smem:$0x3FC9]  }
0x91: {  	s18 =	sld [smem:$0x3FC8]  }
0x92: {  	s4 =	sld [smem:$0x3FD0];
	(tm) =	ssettm $0x1  }
0x93: {  	s5 =	sld [smem:$0x3FFB];
	_ =	sdelay $0x3  }
0x94: {  	_ =	strace s5  }
0x95: {  	s5 =	sld [smem:$0x3FFC];
	_ =	sdelay $0x3  }
0x96: {  	_ =	strace s5  }
0x97: {  	s5 =	sld [smem:$0x3FFD];
	_ =	sdelay $0x3  }
0x98: {  	_ =	strace s5  }
0x99: {  	_ =	strace $0x8FFFFFFF  }
0x9a: {  	s19 =	sld [smem:$0x3FDB];
	_ =	sdelay $0x1  }
0x9b: {  	s6 =	simm.s32 $_scs_section_size  }
0x9c: {  	s7 =	simm.s32 $_size__tile_overlayer_lowered;
	s8 =	simm.s32 $_tile_overlayer_lowered  }
0x9d: {  	s22 =	simm.s32 $0x1BFF;
	s21 =	sshll.u32 s8, $0x1;
	s5 =	sadd.s32 s6, s19  }
0x9e: {  	s9 =	simm.s32 $0x0;
	s20 =	sshll.u32 s7, $0x1;
	s7 =	sadd.s32 s21, s5  }
0x9f: {  	[timem:s9], [sflag:s22] =	dma.local [hbm:s7], s20  }
0xa0: {  	_ =	swait.ge [sflag:s22], s20  }
0xa1: {  	s6 =	ssub.s32 $0x0, s20;
	[sflag:s22] =	ssyncset.done $0x0  }
0xa2: {  	[sflag:s22] =	ssyncadd.s32 s6;
	_ =	sdelay $0x1  }
0xa3: {  	s23 =	simm.s32 $0x1B8B  }
0xa4: {  	_ =	swait.ge [sflag:s23], $0x1  }
0xa5: {  	[sflag:s23] =	ssyncset.done $0x0  }
0xa6: {  	s25 =	simm.s32 $0x1B8E;
	s24 =	sld [smem:$0x3FFE];
	[sflag:s23] =	ssyncadd.s32 $0xFFFFFFFF  }
0xa7: {  	s26 =	simm.s32 $execute0_lowered;
	[smem:$0x3FD2] =	sst s25  }
0xa8: {  	s7 =	sshll.u32 s26, $0x1;
	_ =	strace $0x80000046;
	[dreg:$0x1] =	wrdreg $0xFFFFFFFF  }
0xa9: {  	s28 =	simm.s32 $_size_execute0_lowered;
	s5 =	sadd.s32 s5, s7;
	[dreg:$0x0] =	wrdreg $0x0  }
0xaa: {  	s7 =	sshll.u32 s28, $0x1;
	[dreg:$0x2] =	wrdreg s5  }
0xab: {  	[dreg:$0x3] =	wrdreg s7  }
0xac: {  	[dreg:$0x4] =	wrdreg $0xC0  }
0xad: {  	_ =	task [dreg:s9], $0x5FFFF  }
0xae: {  	[dreg:$0x1] =	wrdreg $0xFFFFFFFF  }
0xaf: {  	[dreg:$0x0] =	wrdreg $0x60  }
0xb0: {  	[dreg:$0x2] =	wrdreg s18  }
0xb1: {  	[dreg:$0x3] =	wrdreg s2  }
0xb2: {  	[dreg:$0x4] =	wrdreg s24  }
0xb3: {  	[dreg:$0x5] =	wrdreg s4  }
0xb4: {  	[dreg:$0x6] =	wrdreg $0x1000  }
0xb5: {  	[dreg:$0x7] =	wrdreg $0x9  }
0xb6: {  	_ =	task.clear_ibuf [dreg:s9], $0x8FFFF;
	_ =	strace $0x90000046  }
0xb7: {  	s29 =	simm.s32 $0x9;
	_ =	strace $0x80000048  }
0xb8: {  	_ =	swait.ge [sflag:s29], $0x1  }
0xb9: {  	[sflag:s29] =	ssyncadd.s32 $0xFFFFFFFF  }
0xba: {  	_ =	strace $0x90000048  }
0xbb: {  	_ =	sfence  }
0xbc: {  	s30 =	sld [smem:$0x0];
	_ =	sdelay $0x2  }
0xbd: {  	s31 =	sshll.u32 s1, $0xD;
	s1 =	sshrl.u32 s1, $0x2  }
0xbe: {  	s3 =	sand.u32 $0x4000, s31;
	s1 =	sadd.s32 s1, s30  }
0xbf: {  	s0 =	sor.u32 s3, s0;
	s1 =	sshll.u32 s1, $0x11  }
0xc0: {  	s0 =	sor.u32 s1, s0  }
0xc1: {  	s0 =	sadd.s32 $0x8F2B, s0  }
0xc2: {  	[sflag:s0] =	ssyncadd.remote.s32 $0x1  }
0xc3: {  	_ =	sfence.sel $0xFFFF  }
0xc4: {  	[dreg:$0x0] =	wrdreg $0xFFFFFFFF;
	(pc) =	sbr.abs _section_cstart, $3  }
0xc5: {  	[dreg:$0x1] =	wrdreg $0xFFFFFFFF  }
0xc6: {  	_ =	task.clear_ibuf [dreg:s9], $0x2FFFF;
	_ =	strace $0x9FFFFFFF  }
0xc7: {  	(tm) =	ssettm $0x7FFFFFFF  }
tec
execute0_lowered:
.L_overlay_start_1:
0x0: {  	(tag) =	ssettag $0x1  }
0x1: {  	s0 =	rddreg [dreg:$0x0]  }
0x2: {  	s3 =	rddreg [dreg:$0x1]  }
0x3: {  	s4 =	rddreg [dreg:$0x2]  }
0x4: {  	s5 =	rddreg [dreg:$0x3]  }
0x5: {  	s1 =	rddreg [dreg:$0x4];
	s2 =	simm.s32 $0x0;
	s6 =	srdreg.scid  }
0x6: {  	s11 =	stileid.u32;
	s14 =	simm.s32 $0x1300;
	s15 =	simm.s32 $0x9  }
0x7: {  	s16 =	simm.s32 $0x80;
	s17 =	simm.s32 $0x1100;
	s18 =	simm.s32 $0x1180  }
0x8: {  	s19 =	simm.s32 $0x5300;
	s20 =	simm.s32 $0x1200;
	s21 =	simm.s32 $0x9300  }
0x9: {  	s28 =	simm.s32 $0x3;
	s29 =	simm.s32 $0x6;
	s30 =	simm.s32 $0x4  }
0xa: {  	s31 =	simm.s32 $0x7;
	[smem:$0x7FF] =	sst s2;
	s6 =	sand.u32 $0x1, s6  }
0xb: {  	s8 =	sshll.u32 s11, $0x9;
	s10 =	sshll.u32 s11, $0x1;
	s24 =	sshll.u32 s11, $0xC  }
0xc: {  	_ =	strace $0x80000047;
	s7 =	ssub.s32 $0x2, s6;
	s4 =	sadd.s32 s8, s4  }
0xd: {  	s22 =	sor.u32 s6, s10;
	s26 =	sadd.s32 s24, s1;
	s9 =	sshrl.u32 s7, $0x1  }
0xe: {  	s23 =	sshll.u32 s22, $0xB;
	s25 =	sshll.u32 s22, $0x4;
	s4 =	sadd.s32 $0x800, s4  }
0xf: {  	[dreg:$0x7] =	wrdreg s26;
	s13 =	sadd.s32 $0x192, s22;
	s26 =	sshll.u32 s6, $0xB  }
0x10: {  	s22 =	simm.s32 $0x1;
	s7 =	ssub.s32 s7, s9;
	[dreg:$0x6] =	wrdreg s4  }
0x11: {  	s0 =	sadd.s32 s0, s25;
	s12 =	sadd.s32 s3, s25;
	s8 =	sadd.s32 s5, s23  }
0x12: {  	s25 =	sadd.s32 s24, s5;
	s23 =	simm.s32 $0x1280;
	[dreg:$0x8] =	wrdreg s0  }
0x13: {  	s24 =	simm.s32 $0xD300;
	[dreg:$0x9] =	wrdreg s12;
	s9 =	sadd.s32 $0x10000, s8  }
0x14: {  	s10 =	sadd.s32 $0xC60000, s8;
	s11 =	sadd.s32 $0xC70000, s8;
	s3 =	sadd.s32 s26, s25  }
0x15: {  	s12 =	smax.u32 s7, $0x1;
	s25 =	simm.s32 $0x2;
	s26 =	simm.s32 $0x5  }
0x16: {  	v1 =	vimm.s32 $0x20;
	v0 =	vmov s13;
	s0 =	simm.s32 $0x8;
	s4 =	sadd.s32 $0x50000, s3;
	s3 =	simm.s32 $0x0  }
.LBB2_1:
0x17: {  	s5 =	rddreg [dreg:$0x6]  }
0x18: {  	[tilespmem:s14], [sflag:$0x9] =	stream.linear.gather [hbm4b:s5+s2], $0x1000, $0x38;
	[tilespmem:$0x11300] =	vst v63  }
0x19: {  	_ =	swait.ge [sflag:s15], $0x1000  }
0x1a: {  	[sflag:s15] =	ssyncset.done $0x0  }
0x1b: {  	s6 =	rddreg [dreg:$0x7];
	[sflag:s15] =	ssyncadd.s32 $0xFFFFF000  }
0x1c: {  	[spmem:s6] =	stream.linear.scatter [tilespmem:s14], [sflag:$0x9], $0x1000, $0x38;
	[tilespmem:$0x11300] =	vst v63  }
0x1d: {  	_ =	swait.ge [sflag:s15], $0x1000  }
0x1e: {  	[sflag:s15] =	ssyncset.done $0x0  }
0x1f: {  	[sflag:s15] =	ssyncadd.s32 $0xFFFFF000  }
0x20: {  	[bflag:$0x0] =	sbarrier.arrive $0xFFFF  }
0x21: {  	s7 =	rddreg [dreg:$0x8]  }
0x22: {  	[tilespmem:s2], [sflag:$0x9] =	stream.linear.gather [hbm4b:s7+s2], $0x80, $0x38;
	[tilespmem:$0x11300] =	vst v63  }
0x23: {  	_ =	swait.ge [sflag:s15], $0x80  }
0x24: {  	[sflag:s15] =	ssyncset.done $0x0  }
0x25: {  	s13 =	rddreg [dreg:$0x9];
	[sflag:s15] =	ssyncadd.s32 $0xFFFFFF80  }
0x26: {  	[tilespmem:s16], [sflag:$0x9] =	stream.linear.gather [hbm4b:s13+s2], $0x80, $0x38;
	[tilespmem:$0x11300] =	vst v63  }
0x27: {  	_ =	swait.ge [sflag:s15], $0x80  }
0x28: {  	[sflag:s15] =	ssyncset.done $0x0  }
0x29: {  	[sflag:s15] =	ssyncadd.s32 $0xFFFFFF80  }
0x2a: {  	v2 =	vld [tilespmem:$0x0]  }
0x2b: {  	v3 =	vld [tilespmem:$0x80]  }
0x2c: {  	v4 =	vld [tilespmem:$0x10]  }
0x2d: {  	v5 =	vld [tilespmem:$0x20]  }
0x2e: {  	v7 =	vld [tilespmem:$0x90]  }
0x2f: {  	v8 =	vld [tilespmem:$0xA0]  }
0x30: {  	v10 =	vld [tilespmem:$0xB0]  }
0x31: {  	v33 =	vld [tilespmem:$0x40]  }
0x32: {  	v36 =	vld [tilespmem:$0x50]  }
0x33: {  	v38 =	vld [tilespmem:$0xC0]  }
0x34: {  	v40 =	vld [tilespmem:$0xD0]  }
0x35: {  	v41 =	vld [tilespmem:$0x60];
	vm0 =	vgt.s32 v2, $0x0  }
0x36: {  	v13 =	vld [tilespmem:$0xE0];
	v6 =	vsub.s32 $0xCA, v2;
	vm15 =	vgt.s32 v3, $0x0;
	vm1 =	vgt.s32 v4, $0x0  }
0x37: {  	v31 =	vsub.s32 $0xCA, v4;
	vm4 =	vgt.s32 v5, $0x0;
	vm5 =	vgt.s32 v7, $0x0  }
0x38: {  	v34 =	vsub.s32 $0xCA, v5;
	vm6 =	vgt.s32 v8, $0x0;
	vm8 =	vgt.s32 v10, $0x0  }
0x39: {  	vm9 =	vgt.s32 v33, $0x0;
	v42 =	vsub.s32 $0xCA, v33;
	vm10 =	vgt.s32 v36, $0x0  }
0x3a: {  	vm11 =	vgt.s32 v38, $0x0;
	v45 =	vsub.s32 $0xCA, v36;
	vm12 =	vgt.s32 v40, $0x0  }
0x3b: {  	vm13 =	vgt.s32 v41, $0x0;
	v49 =	vsub.s32 $0xCA, v41;
	vm14 =	vgt.s32 v13, $0x0  }
0x3c: {  	v3 =	vld [tilespmem:$0x30];
	v2 =	vsel vm0, v2, v6;
	v30 =	vsel vm0, $0x0, v1;
	v9 =	vsel vm1, $0x0, v1  }
0x3d: {  	v4 =	vsel vm1, v4, v31;
	v11 =	vsel vm4, $0x0, v1;
	v5 =	vsel vm4, v5, v34  }
0x3e: {  	v12 =	vsel vm9, $0x0, v1;
	v14 =	vsel vm10, $0x0, v1;
	v46 =	vsel vm10, v36, v45  }
0x3f: {  	v44 =	vld [tilespmem:$0x70];
	v51 =	vsel vm13, $0x0, v1;
	v6 =	vadd.s32 v0, v30;
	v32 =	vadd.s32 v0, v9  }
0x40: {  	v35 =	vadd.s32 v0, v11;
	v43 =	vadd.s32 v0, v12;
	v47 =	vadd.s32 v0, v14  }
0x41: {  	v2 =	vsel vm15, v2, v6;
	v4 =	vsel vm5, v4, v32;
	vm7 =	vgt.s32 v3, $0x0  }
0x42: {  	v48 =	vld [tilespmem:$0xF0];
	v5 =	vsel vm6, v5, v35;
	[tilespmem:$0x1100] =	vst v2;
	v37 =	vsub.s32 $0xCA, v3;
	v39 =	vsel vm7, $0x0, v1  }
0x43: {  	v50 =	vsel vm12, v46, v47;
	[tilespmem:$0x1110] =	vst v4;
	v3 =	vsel vm7, v3, v37;
	v6 =	vadd.s32 v0, v39  }
0x44: {  	vm15 =	vgt.s32 v44, $0x0;
	[tilespmem:$0x1120] =	vst v5;
	v3 =	vsel vm8, v3, v6;
	v6 =	vsel vm9, v33, v42  }
0x45: {  	v4 =	vsel vm13, v41, v49;
	v2 =	vsel vm11, v6, v43;
	[tilespmem:$0x1130] =	vst v3;
	v3 =	vadd.s32 v0, v51  }
0x46: {  	v52 =	vsel vm15, $0x0, v1;
	[tilespmem:$0x1140] =	vst v2;
	v2 =	vsel vm14, v4, v3;
	v3 =	vsub.s32 $0xCA, v44  }
0x47: {  	vm4 =	vgt.s32 v48, $0x0;
	[tilespmem:$0x1150] =	vst v50;
	v4 =	vadd.s32 v0, v52;
	v3 =	vsel vm15, v44, v3  }
0x48: {  	[tilespmem:$0x1160] =	vst v2;
	v2 =	vsel vm4, v3, v4  }
0x49: {  	[tilespmem:$0x1170] =	vst v2  }
0x4a: {  	[tilespmem:s14], [sflag:$0x1] =	stream.indirect.gather [spmem:s1], $0x80, s17, s16, $0xb8;
	[tilespmem:$0x11300] =	vst v63  }
0x4b: {  	v2 =	vld [tilespmem:$0x0]  }
0x4c: {  	v3 =	vld [tilespmem:$0x80]  }
0x4d: {  	v53 =	vld [tilespmem:$0x10]  }
0x4e: {  	v54 =	vld [tilespmem:$0x90]  }
0x4f: {  	v57 =	vld [tilespmem:$0x20]  }
0x50: {  	v59 =	vld [tilespmem:$0x30]  }
0x51: {  	v63 =	vld [tilespmem:$0xB0]  }
0x52: {  	v16 =	vld [tilespmem:$0x40]  }
0x53: {  	v21 =	vld [tilespmem:$0x50]  }
0x54: {  	v23 =	vld [tilespmem:$0xD0];
	vm5 =	vgt.s32 v2, $0x1;
	v55 =	vadd.s32 $0xFFFFFFFF, v2;
	v2 =	vsub.s32 $0xCB, v2  }
0x55: {  	v24 =	vld [tilespmem:$0x60];
	vm6 =	vgt.s32 v3, $0x1;
	vm7 =	vgt.s32 v53, $0x1;
	v60 =	vadd.s32 $0xFFFFFFFF, v53  }
0x56: {  	v29 =	vld [tilespmem:$0x70];
	v4 =	vsub.s32 $0xCB, v53;
	vm8 =	vgt.s32 v54, $0x1;
	vm9 =	vgt.s32 v57, $0x1  }
0x57: {  	v15 =	vadd.s32 $0xFFFFFFFF, v57;
	v8 =	vsub.s32 $0xCB, v57;
	vm11 =	vgt.s32 v59, $0x1  }
0x58: {  	v19 =	vadd.s32 $0xFFFFFFFF, v59;
	v6 =	vsub.s32 $0xCB, v59;
	vm12 =	vgt.s32 v63, $0x1  }
0x59: {  	v3 =	vld [tilespmem:$0xA0];
	vm13 =	vgt.s32 v16, $0x1;
	v25 =	vadd.s32 $0xFFFFFFFF, v16;
	v10 =	vsub.s32 $0xCB, v16  }
0x5a: {  	vm15 =	vgt.s32 v21, $0x1;
	v28 =	vadd.s32 $0xFFFFFFFF, v21;
	v12 =	vsub.s32 $0xCB, v21  }
0x5b: {  	vm4 =	vgt.s32 v23, $0x1;
	v33 =	vadd.s32 $0xFFFFFFFF, v24;
	v36 =	vadd.s32 $0xFFFFFFFF, v29  }
0x5c: {  	v37 =	vsub.s32 $0xCB, v29;
	v56 =	vsel vm5, $0x0, v1;
	v2 =	vsel vm5, v55, v2  }
0x5d: {  	v61 =	vsel vm7, $0x0, v1;
	v4 =	vsel vm7, v60, v4;
	v17 =	vsel vm9, v15, v8  }
0x5e: {  	v18 =	vsel vm9, $0x0, v1;
	v20 =	vsel vm11, $0x0, v1;
	vm10 =	vgt.s32 v3, $0x1;
	v3 =	vld [tilespmem:$0xC0]  }
0x5f: {  	v6 =	vsel vm11, v19, v6;
	v26 =	vsel vm13, $0x0, v1;
	v9 =	vsel vm13, v25, v10  }
0x60: {  	v30 =	vsel vm15, v28, v12;
	v31 =	vsel vm15, $0x0, v1;
	vm5 =	vgt.s32 v24, $0x1  }
0x61: {  	v32 =	vld [tilespmem:$0xF0];
	vm7 =	vgt.s32 v29, $0x1;
	v58 =	vadd.s32 v0, v56;
	v62 =	vadd.s32 v0, v61  }
0x62: {  	v8 =	vadd.s32 v0, v18;
	v22 =	vadd.s32 v0, v20;
	v2 =	vsel vm6, v2, v58  }
0x63: {  	v27 =	vadd.s32 v0, v26;
	v4 =	vsel vm8, v4, v62;
	[tilespmem:$0x1180] =	vst v2;
	vm14 =	vgt.s32 v3, $0x1;
	v3 =	vld [tilespmem:$0xE0]  }
0x64: {  	v38 =	vsel vm7, $0x0, v1;
	v6 =	vsel vm12, v6, v22;
	v2 =	vadd.s32 v0, v31;
	[tilespmem:$0x1190] =	vst v4  }
0x65: {  	v34 =	vsel vm5, $0x0, v1;
	v39 =	vadd.s32 v0, v38;
	[tilespmem:$0x11B0] =	vst v6;
	v2 =	vsel vm4, v30, v2  }
0x66: {  	vm8 =	vgt.s32 v32, $0x1;
	v7 =	vsel vm10, v17, v8;
	[tilespmem:$0x11D0] =	vst v2;
	v2 =	vsel vm7, v36, v37  }
0x67: {  	v35 =	vadd.s32 v0, v34;
	v8 =	vsub.s32 $0xCB, v24;
	[tilespmem:$0x11A0] =	vst v7;
	v2 =	vsel vm8, v2, v39  }
0x68: {  	v4 =	vsel vm5, v33, v8;
	[tilespmem:$0x11F0] =	vst v2;
	v9 =	vsel vm14, v9, v27;
	vm6 =	vgt.s32 v3, $0x1  }
0x69: {  	[tilespmem:$0x11C0] =	vst v9;
	v3 =	vsel vm6, v4, v35  }
0x6a: {  	[tilespmem:$0x11E0] =	vst v3  }
0x6b: {  	[tilespmem:s19], [sflag:$0x2] =	stream.indirect.gather [spmem:s1], $0x80, s18, s16, $0xb8;
	[tilespmem:$0x11300] =	vst v63  }
0x6c: {  	v2 =	vld [tilespmem:$0x0]  }
0x6d: {  	v3 =	vld [tilespmem:$0x80]  }
0x6e: {  	v40 =	vld [tilespmem:$0x10]  }
0x6f: {  	v41 =	vld [tilespmem:$0x90]  }
0x70: {  	v44 =	vld [tilespmem:$0x20]  }
0x71: {  	v46 =	vld [tilespmem:$0x30]  }
0x72: {  	v50 =	vld [tilespmem:$0xB0]  }
0x73: {  	v52 =	vld [tilespmem:$0x40]  }
0x74: {  	v57 =	vld [tilespmem:$0x50]  }
0x75: {  	v59 =	vld [tilespmem:$0xD0];
	vm9 =	vgt.s32 v2, $0x2;
	v42 =	vadd.s32 $0xFFFFFFFE, v2;
	v2 =	vsub.s32 $0xCC, v2  }
0x76: {  	v60 =	vld [tilespmem:$0x60];
	vm10 =	vgt.s32 v3, $0x2;
	vm11 =	vgt.s32 v40, $0x2;
	v47 =	vadd.s32 $0xFFFFFFFE, v40  }
0x77: {  	v17 =	vld [tilespmem:$0x70];
	v4 =	vsub.s32 $0xCC, v40;
	vm12 =	vgt.s32 v41, $0x2;
	vm13 =	vgt.s32 v44, $0x2  }
0x78: {  	v51 =	vadd.s32 $0xFFFFFFFE, v44;
	v8 =	vsub.s32 $0xCC, v44;
	vm15 =	vgt.s32 v46, $0x2  }
0x79: {  	v55 =	vadd.s32 $0xFFFFFFFE, v46;
	v6 =	vsub.s32 $0xCC, v46;
	vm4 =	vgt.s32 v50, $0x2  }
0x7a: {  	v3 =	vld [tilespmem:$0xA0];
	vm5 =	vgt.s32 v52, $0x2;
	v61 =	vadd.s32 $0xFFFFFFFE, v52;
	v10 =	vsub.s32 $0xCC, v52  }
0x7b: {  	vm7 =	vgt.s32 v57, $0x2;
	v16 =	vadd.s32 $0xFFFFFFFE, v57;
	v12 =	vsub.s32 $0xCC, v57  }
0x7c: {  	vm8 =	vgt.s32 v59, $0x2;
	v21 =	vadd.s32 $0xFFFFFFFE, v60;
	v24 =	vadd.s32 $0xFFFFFFFE, v17  }
0x7d: {  	v25 =	vsub.s32 $0xCC, v17;
	v43 =	vsel vm9, $0x0, v1;
	v2 =	vsel vm9, v42, v2  }
0x7e: {  	v48 =	vsel vm11, $0x0, v1;
	v4 =	vsel vm11, v47, v4;
	v53 =	vsel vm13, v51, v8  }
0x7f: {  	v54 =	vsel vm13, $0x0, v1;
	v56 =	vsel vm15, $0x0, v1;
	vm14 =	vgt.s32 v3, $0x2;
	v3 =	vld [tilespmem:$0xC0]  }
0x80: {  	v6 =	vsel vm15, v55, v6;
	v62 =	vsel vm5, $0x0, v1;
	v9 =	vsel vm5, v61, v10  }
0x81: {  	v18 =	vsel vm7, v16, v12;
	v19 =	vsel vm7, $0x0, v1;
	vm9 =	vgt.s32 v60, $0x2  }
0x82: {  	v20 =	vld [tilespmem:$0xF0];
	vm11 =	vgt.s32 v17, $0x2;
	v45 =	vadd.s32 v0, v43;
	v49 =	vadd.s32 v0, v48  }
0x83: {  	v8 =	vadd.s32 v0, v54;
	v58 =	vadd.s32 v0, v56;
	v2 =	vsel vm10, v2, v45  }
0x84: {  	v63 =	vadd.s32 v0, v62;
	v4 =	vsel vm12, v4, v49;
	[tilespmem:$0x1200] =	vst v2;
	vm6 =	vgt.s32 v3, $0x2;
	v3 =	vld [tilespmem:$0xE0]  }
0x85: {  	v26 =	vsel vm11, $0x0, v1;
	v6 =	vsel vm4, v6, v58;
	v2 =	vadd.s32 v0, v19;
	[tilespmem:$0x1210] =	vst v4  }
0x86: {  	v22 =	vsel vm9, $0x0, v1;
	v27 =	vadd.s32 v0, v26;
	[tilespmem:$0x1230] =	vst v6;
	v2 =	vsel vm8, v18, v2  }
0x87: {  	vm12 =	vgt.s32 v20, $0x2;
	v7 =	vsel vm14, v53, v8;
	[tilespmem:$0x1250] =	vst v2;
	v2 =	vsel vm11, v24, v25  }
0x88: {  	v23 =	vadd.s32 v0, v22;
	v8 =	vsub.s32 $0xCC, v60;
	[tilespmem:$0x1220] =	vst v7;
	v2 =	vsel vm12, v2, v27  }
0x89: {  	v4 =	vsel vm9, v21, v8;
	[tilespmem:$0x1270] =	vst v2;
	v9 =	vsel vm6, v9, v63;
	vm10 =	vgt.s32 v3, $0x2  }
0x8a: {  	[tilespmem:$0x1240] =	vst v9;
	v3 =	vsel vm10, v4, v23  }
0x8b: {  	[tilespmem:$0x1260] =	vst v3  }
0x8c: {  	[tilespmem:s21], [sflag:$0x3] =	stream.indirect.gather [spmem:s1], $0x80, s20, s16, $0xb8;
	[tilespmem:$0x11300] =	vst v63  }
0x8d: {  	_ =	swait.ge [sflag:s22], $0x4000  }
0x8e: {  	[sflag:s22] =	ssyncset.done $0x0  }
0x8f: {  	[sflag:s22] =	ssyncadd.s32 $0xFFFFC000  }
0x90: {  	[hbm4b:s8+s2] =	stream.linear.scatter [tilespmem:s14], [sflag:$0x5], $0x4000, $0x38;
	[tilespmem:$0x11300] =	vst v63  }
0x91: {  	v2 =	vld [tilespmem:$0x0]  }
0x92: {  	v3 =	vld [tilespmem:$0x80]  }
0x93: {  	v28 =	vld [tilespmem:$0x10]  }
0x94: {  	v29 =	vld [tilespmem:$0x90]  }
0x95: {  	v32 =	vld [tilespmem:$0x20]  }
0x96: {  	v34 =	vld [tilespmem:$0x30]  }
0x97: {  	v38 =	vld [tilespmem:$0xB0]  }
0x98: {  	v40 =	vld [tilespmem:$0x40]  }
0x99: {  	v45 =	vld [tilespmem:$0x50]  }
0x9a: {  	v47 =	vld [tilespmem:$0x60];
	vm13 =	vgt.s32 v2, $0x3;
	v30 =	vadd.s32 $0xFFFFFFFD, v2;
	v2 =	vsub.s32 $0xCD, v2  }
0x9b: {  	v51 =	vld [tilespmem:$0xD0];
	vm14 =	vgt.s32 v3, $0x3;
	vm15 =	vgt.s32 v28, $0x3;
	v35 =	vadd.s32 $0xFFFFFFFD, v28  }
0x9c: {  	v54 =	vld [tilespmem:$0x70];
	v4 =	vsub.s32 $0xCD, v28;
	vm4 =	vgt.s32 v29, $0x3;
	vm5 =	vgt.s32 v32, $0x3  }
0x9d: {  	v3 =	vld [tilespmem:$0xA0];
	v39 =	vadd.s32 $0xFFFFFFFD, v32;
	v8 =	vsub.s32 $0xCD, v32;
	vm7 =	vgt.s32 v34, $0x3  }
0x9e: {  	v43 =	vadd.s32 $0xFFFFFFFD, v34;
	v6 =	vsub.s32 $0xCD, v34;
	vm8 =	vgt.s32 v38, $0x3  }
0x9f: {  	vm9 =	vgt.s32 v40, $0x3;
	v48 =	vadd.s32 $0xFFFFFFFD, v40;
	v49 =	vsub.s32 $0xCD, v40  }
0xa0: {  	vm11 =	vgt.s32 v45, $0x3;
	v53 =	vadd.s32 $0xFFFFFFFD, v45;
	v12 =	vsub.s32 $0xCD, v45  }
0xa1: {  	vm2 =	vgt.s32 v47, $0x3;
	v55 =	vadd.s32 $0xFFFFFFFD, v47;
	v5 =	vsub.s32 $0xCD, v47  }
0xa2: {  	vm12 =	vgt.s32 v51, $0x3;
	v60 =	vadd.s32 $0xFFFFFFFD, v54;
	vm6 =	vgt.s32 v3, $0x3;
	v3 =	vld [tilespmem:$0xC0]  }
0xa3: {  	v56 =	vld [tilespmem:$0xF0];
	v61 =	vsub.s32 $0xCD, v54;
	v31 =	vsel vm13, $0x0, v1;
	v2 =	vsel vm13, v30, v2  }
0xa4: {  	v36 =	vsel vm15, $0x0, v1;
	v4 =	vsel vm15, v35, v4;
	v41 =	vsel vm5, v39, v8  }
0xa5: {  	v42 =	vsel vm5, $0x0, v1;
	v44 =	vsel vm7, $0x0, v1;
	v6 =	vsel vm7, v43, v6  }
0xa6: {  	v50 =	vsel vm9, $0x0, v1;
	v5 =	vsel vm2, v55, v5;
	v57 =	vsel vm11, $0x0, v1  }
0xa7: {  	v58 =	vsel vm2, $0x0, v1;
	v33 =	vadd.s32 v0, v31;
	vm10 =	vgt.s32 v3, $0x3;
	v3 =	vld [tilespmem:$0xE0]  }
0xa8: {  	vm15 =	vgt.s32 v56, $0x3;
	v37 =	vadd.s32 v0, v36;
	v2 =	vsel vm14, v2, v33  }
0xa9: {  	v8 =	vadd.s32 v0, v42;
	v46 =	vadd.s32 v0, v44;
	v4 =	vsel vm4, v4, v37;
	[tilespmem:$0x1280] =	vst v2  }
0xaa: {  	v52 =	vadd.s32 v0, v50;
	v6 =	vsel vm8, v6, v46;
	vm14 =	vgt.s32 v54, $0x3;
	[tilespmem:$0x1290] =	vst v4  }
0xab: {  	v2 =	vsel vm11, v53, v12;
	[tilespmem:$0x12B0] =	vst v6;
	v7 =	vsel vm6, v41, v8;
	v8 =	vsel vm9, v48, v49  }
0xac: {  	[tilespmem:$0x12A0] =	vst v7;
	v8 =	vsel vm10, v8, v52;
	vm13 =	vgt.s32 v3, $0x3;
	v3 =	vadd.s32 v0, v57  }
0xad: {  	v59 =	vadd.s32 v0, v58;
	v62 =	vsel vm14, $0x0, v1;
	[tilespmem:$0x12C0] =	vst v8;
	v2 =	vsel vm12, v2, v3  }
0xae: {  	v63 =	vadd.s32 v0, v62;
	v3 =	vsel vm13, v5, v59;
	[tilespmem:$0x12D0] =	vst v2;
	v2 =	vsel vm14, v60, v61  }
0xaf: {  	[tilespmem:$0x12E0] =	vst v3;
	v2 =	vsel vm15, v2, v63  }
0xb0: {  	[tilespmem:$0x12F0] =	vst v2  }
0xb1: {  	[tilespmem:s24], [sflag:$0x4] =	stream.indirect.gather [spmem:s1], $0x80, s23, s16, $0xb8;
	[tilespmem:$0x11300] =	vst v63  }
0xb2: {  	_ =	swait.ge [sflag:s25], $0x4000  }
0xb3: {  	[sflag:s25] =	ssyncset.done $0x0  }
0xb4: {  	s5 =	simm.s32 $0x8;
	s13 =	smov.u32 s4;
	[sflag:s25] =	ssyncadd.s32 $0xFFFFC000  }
0xb5: {  	[hbm4b:s9+s2] =	stream.linear.scatter [tilespmem:s19], [sflag:$0x6], $0x4000, $0x38;
	[tilespmem:$0x11300] =	vst v63  }
.LBB2_2:
0xb6: {  	v3 =	vld [tilespmem:$0x0]  }
0xb7: {  	v4 =	vld [tilespmem:$0x80]  }
0xb8: {  	v5 =	vld [tilespmem:$0x10]  }
0xb9: {  	v8 =	vld [tilespmem:$0x90]  }
0xba: {  	v11 =	vld [tilespmem:$0x20]  }
0xbb: {  	v47 =	vld [tilespmem:$0xA0]  }
0xbc: {  	v48 =	vld [tilespmem:$0x30]  }
0xbd: {  	v51 =	vld [tilespmem:$0xB0]  }
0xbe: {  	s6 =	sadd.s32 $0xFFFFFFFD, s5;
	v13 =	vld [tilespmem:$0x40]  }
0xbf: {  	s7 =	sadd.s32 $0xFFFFFFFC, s5;
	v55 =	vld [tilespmem:$0xC0];
	v2 =	vmov s6  }
0xc0: {  	v15 =	vld [tilespmem:$0x50];
	v6 =	vmov s7;
	v7 =	vadd.s32 $0xC9, v2  }
0xc1: {  	v58 =	vld [tilespmem:$0xD0];
	vm0 =	vgt.s32 v3, s7;
	v9 =	vsub.s32 v3, v6;
	v3 =	vsub.s32 v7, v3  }
0xc2: {  	v59 =	vld [tilespmem:$0x60];
	vm15 =	vlt.s32 v6, v4;
	vm4 =	vgt.s32 v5, s7;
	v49 =	vsub.s32 v5, v6  }
0xc3: {  	v63 =	vld [tilespmem:$0xE0];
	v5 =	vsub.s32 v7, v5;
	vm5 =	vlt.s32 v6, v8;
	vm1 =	vgt.s32 v11, s7  }
0xc4: {  	v16 =	vld [tilespmem:$0x70];
	v52 =	vsub.s32 v11, v6;
	v11 =	vsub.s32 v7, v11;
	vm6 =	vlt.s32 v6, v47  }
0xc5: {  	vm7 =	vgt.s32 v48, s7;
	v56 =	vsub.s32 v48, v6;
	vm8 =	vlt.s32 v6, v51  }
0xc6: {  	vm9 =	vgt.s32 v13, s7;
	v60 =	vsub.s32 v13, v6;
	v13 =	vsub.s32 v7, v13  }
0xc7: {  	vm10 =	vlt.s32 v6, v55;
	vm11 =	vgt.s32 v15, s7;
	v20 =	vsub.s32 v15, v6  }
0xc8: {  	v15 =	vsub.s32 v7, v15;
	vm12 =	vlt.s32 v6, v58;
	vm13 =	vgt.s32 v59, s7  }
0xc9: {  	v23 =	vld [tilespmem:$0xF0];
	v24 =	vsub.s32 v59, v6;
	vm14 =	vlt.s32 v6, v63;
	v27 =	vsub.s32 v16, v6  }
0xca: {  	v10 =	vsel vm0, $0x0, v1;
	v3 =	vsel vm0, v9, v3;
	v12 =	vsel vm4, $0x0, v1  }
0xcb: {  	v5 =	vsel vm4, v49, v5;
	v53 =	vsel vm1, v52, v11;
	v54 =	vsel vm1, $0x0, v1  }
0xcc: {  	v9 =	vsub.s32 v7, v48;
	v14 =	vsel vm7, $0x0, v1;
	v61 =	vsel vm9, $0x0, v1  }
0xcd: {  	v21 =	vsel vm11, v20, v15;
	v22 =	vsel vm11, $0x0, v1;
	v25 =	vsel vm13, $0x0, v1  }
0xce: {  	vm4 =	vlt.s32 v6, v23;
	v46 =	vadd.s32 v0, v10;
	v50 =	vadd.s32 v0, v12  }
0xcf: {  	v11 =	vadd.s32 v0, v54;
	v9 =	vsel vm7, v56, v9;
	v3 =	vsel vm15, v3, v46  }
0xd0: {  	v57 =	vadd.s32 v0, v14;
	v12 =	vsel vm9, v60, v13;
	v5 =	vsel vm5, v5, v50;
	[tilespmem:$0x1100] =	vst v3  }
0xd1: {  	v62 =	vadd.s32 v0, v61;
	v26 =	vadd.s32 v0, v25;
	v10 =	vsel vm6, v53, v11;
	[tilespmem:$0x1110] =	vst v5  }
0xd2: {  	v9 =	vsel vm8, v9, v57;
	v12 =	vsel vm10, v12, v62;
	v11 =	vsub.s32 v7, v59;
	[tilespmem:$0x1120] =	vst v10  }
0xd3: {  	vm15 =	vgt.s32 v16, s7;
	v7 =	vsub.s32 v7, v16;
	v3 =	vadd.s32 v0, v22;
	[tilespmem:$0x1130] =	vst v9  }
0xd4: {  	v5 =	vsel vm13, v24, v11;
	[tilespmem:$0x1140] =	vst v12;
	v28 =	vsel vm15, $0x0, v1;
	v3 =	vsel vm12, v21, v3  }
0xd5: {  	v4 =	vsel vm14, v5, v26;
	v29 =	vadd.s32 v0, v28;
	[tilespmem:$0x1150] =	vst v3;
	v3 =	vsel vm15, v27, v7  }
0xd6: {  	[tilespmem:$0x1160] =	vst v4;
	v3 =	vsel vm4, v3, v29  }
0xd7: {  	[tilespmem:$0x1170] =	vst v3  }
0xd8: {  	_ =	swait.ge [sflag:s26], $0x4000  }
0xd9: {  	[sflag:s26] =	ssyncset.done $0x0  }
0xda: {  	[sflag:s26] =	ssyncadd.s32 $0xFFFFC000  }
0xdb: {  	[tilespmem:s14], [sflag:$0x1] =	stream.indirect.gather [spmem:s1], $0x80, s17, s16, $0xb8;
	[tilespmem:$0x11300] =	vst v63  }
0xdc: {  	_ =	swait.ge [sflag:s28], $0x4000  }
0xdd: {  	[sflag:s28] =	ssyncset.done $0x0  }
0xde: {  	s7 =	sadd.s32 $0xFFFD0000, s13;
	[sflag:s28] =	ssyncadd.s32 $0xFFFFC000  }
0xdf: {  	[hbm4b:s7+s2] =	stream.linear.scatter [tilespmem:s21], [sflag:$0x7], $0x4000, $0x38;
	[tilespmem:$0x11300] =	vst v63  }
0xe0: {  	v30 =	vld [tilespmem:$0x0]  }
0xe1: {  	v31 =	vld [tilespmem:$0x80]  }
0xe2: {  	v32 =	vld [tilespmem:$0x10]  }
0xe3: {  	v34 =	vld [tilespmem:$0x90]  }
0xe4: {  	v37 =	vld [tilespmem:$0x20]  }
0xe5: {  	v39 =	vld [tilespmem:$0xA0]  }
0xe6: {  	v40 =	vld [tilespmem:$0x30]  }
0xe7: {  	s7 =	sadd.s32 $0xFFFFFFFE, s5;
	v44 =	vld [tilespmem:$0xB0]  }
0xe8: {  	v3 =	vmov s7;
	v46 =	vld [tilespmem:$0x40]  }
0xe9: {  	v49 =	vld [tilespmem:$0xC0];
	v33 =	vadd.s32 $0xC9, v3  }
0xea: {  	v52 =	vld [tilespmem:$0x50];
	vm5 =	vgt.s32 v30, s6;
	v35 =	vsub.s32 v30, v2;
	v4 =	vsub.s32 v33, v30  }
0xeb: {  	v54 =	vld [tilespmem:$0xD0];
	vm6 =	vlt.s32 v2, v31;
	vm7 =	vgt.s32 v32, s6;
	v41 =	vsub.s32 v32, v2  }
0xec: {  	v55 =	vld [tilespmem:$0x60];
	v6 =	vsub.s32 v33, v32;
	vm8 =	vlt.s32 v2, v34;
	vm9 =	vgt.s32 v37, s6  }
0xed: {  	v61 =	vld [tilespmem:$0x70];
	v45 =	vsub.s32 v37, v2;
	v11 =	vsub.s32 v33, v37;
	vm10 =	vlt.s32 v2, v39  }
0xee: {  	vm11 =	vgt.s32 v40, s6;
	v50 =	vsub.s32 v40, v2;
	v9 =	vsub.s32 v33, v40  }
0xef: {  	vm12 =	vlt.s32 v2, v44;
	vm13 =	vgt.s32 v46, s6;
	v56 =	vsub.s32 v46, v2  }
0xf0: {  	v13 =	vsub.s32 v33, v46;
	vm14 =	vlt.s32 v2, v49;
	vm15 =	vgt.s32 v52, s6  }
0xf1: {  	v60 =	vsub.s32 v52, v2;
	v15 =	vsub.s32 v33, v52;
	vm4 =	vlt.s32 v2, v54  }
0xf2: {  	v19 =	vsub.s32 v55, v2;
	v22 =	vsub.s32 v61, v2;
	v7 =	vsub.s32 v33, v61  }
0xf3: {  	v36 =	vsel vm5, $0x0, v1;
	v4 =	vsel vm5, v35, v4;
	v42 =	vsel vm7, $0x0, v1  }
0xf4: {  	v6 =	vsel vm7, v41, v6;
	v47 =	vsel vm9, v45, v11;
	v48 =	vsel vm9, $0x0, v1  }
0xf5: {  	v51 =	vsel vm11, $0x0, v1;
	v9 =	vsel vm11, v50, v9;
	v57 =	vsel vm13, $0x0, v1  }
0xf6: {  	v12 =	vsel vm13, v56, v13;
	v62 =	vsel vm15, v60, v15;
	v63 =	vsel vm15, $0x0, v1  }
0xf7: {  	vm5 =	vgt.s32 v55, s6;
	vm7 =	vgt.s32 v61, s6;
	v38 =	vadd.s32 v0, v36  }
0xf8: {  	v18 =	vld [tilespmem:$0xF0];
	v43 =	vadd.s32 v0, v42;
	v11 =	vadd.s32 v0, v48;
	v4 =	vsel vm6, v4, v38  }
0xf9: {  	v59 =	vld [tilespmem:$0xE0];
	v53 =	vadd.s32 v0, v51;
	v58 =	vadd.s32 v0, v57;
	v6 =	vsel vm8, v6, v43;
	[tilespmem:$0x1180] =	vst v4  }
0xfa: {  	v17 =	vadd.s32 v0, v63;
	v20 =	vsel vm5, $0x0, v1;
	v10 =	vsel vm10, v47, v11;
	[tilespmem:$0x1190] =	vst v6  }
0xfb: {  	v23 =	vsel vm7, $0x0, v1;
	v24 =	vsel vm7, v22, v7;
	v9 =	vsel vm12, v9, v53;
	[tilespmem:$0x11A0] =	vst v10  }
0xfc: {  	v12 =	vsel vm14, v12, v58;
	v11 =	vsub.s32 v33, v55;
	v21 =	vadd.s32 v0, v20;
	[tilespmem:$0x11B0] =	vst v9  }
0xfd: {  	v25 =	vadd.s32 v0, v23;
	vm8 =	vlt.s32 v2, v18;
	v4 =	vsel vm4, v62, v17;
	[tilespmem:$0x11C0] =	vst v12  }
0xfe: {  	vm6 =	vlt.s32 v2, v59;
	v6 =	vsel vm5, v19, v11;
	v2 =	vsel vm8, v24, v25;
	[tilespmem:$0x11D0] =	vst v4  }
0xff: {  	v5 =	vsel vm6, v6, v21;
	[tilespmem:$0x11F0] =	vst v2  }
0x100: {  	[tilespmem:$0x11E0] =	vst v5  }
0x101: {  	_ =	swait.ge [sflag:s29], $0x4000  }
0x102: {  	[sflag:s29] =	ssyncset.done $0x0  }
0x103: {  	[sflag:s29] =	ssyncadd.s32 $0xFFFFC000  }
0x104: {  	[tilespmem:s19], [sflag:$0x2] =	stream.indirect.gather [spmem:s1], $0x80, s18, s16, $0xb8;
	[tilespmem:$0x11300] =	vst v63  }
0x105: {  	_ =	swait.ge [sflag:s30], $0x4000  }
0x106: {  	[sflag:s30] =	ssyncset.done $0x0  }
0x107: {  	s6 =	sadd.s32 $0xFFFE0000, s13;
	[sflag:s30] =	ssyncadd.s32 $0xFFFFC000  }
0x108: {  	[hbm4b:s6+s2] =	stream.linear.scatter [tilespmem:s24], [sflag:$0x8], $0x4000, $0x38;
	[tilespmem:$0x11300] =	vst v63  }
0x109: {  	v26 =	vld [tilespmem:$0x0]  }
0x10a: {  	v27 =	vld [tilespmem:$0x80]  }
0x10b: {  	v28 =	vld [tilespmem:$0x10]  }
0x10c: {  	v30 =	vld [tilespmem:$0x90]  }
0x10d: {  	v33 =	vld [tilespmem:$0x20]  }
0x10e: {  	v35 =	vld [tilespmem:$0xA0]  }
0x10f: {  	v36 =	vld [tilespmem:$0x30]  }
0x110: {  	s6 =	sadd.s32 $0xFFFFFFFF, s5;
	v40 =	vld [tilespmem:$0xB0]  }
0x111: {  	v2 =	vmov s6;
	v42 =	vld [tilespmem:$0x40]  }
0x112: {  	v45 =	vld [tilespmem:$0xC0];
	v29 =	vadd.s32 $0xC9, v2  }
0x113: {  	v48 =	vld [tilespmem:$0x50];
	vm9 =	vgt.s32 v26, s7;
	v31 =	vsub.s32 v26, v3;
	v4 =	vsub.s32 v29, v26  }
0x114: {  	v50 =	vld [tilespmem:$0xD0];
	vm10 =	vlt.s32 v3, v27;
	vm11 =	vgt.s32 v28, s7;
	v37 =	vsub.s32 v28, v3  }
0x115: {  	v51 =	vld [tilespmem:$0x60];
	v6 =	vsub.s32 v29, v28;
	vm12 =	vlt.s32 v3, v30;
	vm13 =	vgt.s32 v33, s7  }
0x116: {  	v57 =	vld [tilespmem:$0x70];
	v41 =	vsub.s32 v33, v3;
	v11 =	vsub.s32 v29, v33;
	vm14 =	vlt.s32 v3, v35  }
0x117: {  	vm15 =	vgt.s32 v36, s7;
	v46 =	vsub.s32 v36, v3;
	v9 =	vsub.s32 v29, v36  }
0x118: {  	vm4 =	vlt.s32 v3, v40;
	vm5 =	vgt.s32 v42, s7;
	v52 =	vsub.s32 v42, v3  }
0x119: {  	v13 =	vsub.s32 v29, v42;
	vm6 =	vlt.s32 v3, v45;
	vm7 =	vgt.s32 v48, s7  }
0x11a: {  	v56 =	vsub.s32 v48, v3;
	v15 =	vsub.s32 v29, v48;
	vm8 =	vlt.s32 v3, v50  }
0x11b: {  	v62 =	vsub.s32 v51, v3;
	v18 =	vsub.s32 v57, v3;
	v7 =	vsub.s32 v29, v57  }
0x11c: {  	v32 =	vsel vm9, $0x0, v1;
	v4 =	vsel vm9, v31, v4;
	v38 =	vsel vm11, $0x0, v1  }
0x11d: {  	v6 =	vsel vm11, v37, v6;
	v43 =	vsel vm13, v41, v11;
	v44 =	vsel vm13, $0x0, v1  }
0x11e: {  	v47 =	vsel vm15, $0x0, v1;
	v9 =	vsel vm15, v46, v9;
	v53 =	vsel vm5, $0x0, v1  }
0x11f: {  	v12 =	vsel vm5, v52, v13;
	v58 =	vsel vm7, v56, v15;
	v59 =	vsel vm7, $0x0, v1  }
0x120: {  	vm9 =	vgt.s32 v51, s7;
	vm11 =	vgt.s32 v57, s7;
	v34 =	vadd.s32 v0, v32  }
0x121: {  	v61 =	vld [tilespmem:$0xF0];
	v39 =	vadd.s32 v0, v38;
	v11 =	vadd.s32 v0, v44;
	v4 =	vsel vm10, v4, v34  }
0x122: {  	v55 =	vld [tilespmem:$0xE0];
	v49 =	vadd.s32 v0, v47;
	v54 =	vadd.s32 v0, v53;
	v6 =	vsel vm12, v6, v39;
	[tilespmem:$0x1200] =	vst v4  }
0x123: {  	v60 =	vadd.s32 v0, v59;
	v63 =	vsel vm9, $0x0, v1;
	v10 =	vsel vm14, v43, v11;
	[tilespmem:$0x1210] =	vst v6  }
0x124: {  	v19 =	vsel vm11, $0x0, v1;
	v20 =	vsel vm11, v18, v7;
	v9 =	vsel vm4, v9, v49;
	[tilespmem:$0x1220] =	vst v10  }
0x125: {  	v12 =	vsel vm6, v12, v54;
	v11 =	vsub.s32 v29, v51;
	v17 =	vadd.s32 v0, v63;
	[tilespmem:$0x1230] =	vst v9  }
0x126: {  	v21 =	vadd.s32 v0, v19;
	vm12 =	vlt.s32 v3, v61;
	v4 =	vsel vm8, v58, v60;
	[tilespmem:$0x1240] =	vst v12  }
0x127: {  	vm10 =	vlt.s32 v3, v55;
	v6 =	vsel vm9, v62, v11;
	v3 =	vsel vm12, v20, v21;
	[tilespmem:$0x1250] =	vst v4  }
0x128: {  	v5 =	vsel vm10, v6, v17;
	[tilespmem:$0x1270] =	vst v3  }
0x129: {  	[tilespmem:$0x1260] =	vst v5  }
0x12a: {  	_ =	swait.ge [sflag:s31], $0x4000  }
0x12b: {  	[sflag:s31] =	ssyncset.done $0x0  }
0x12c: {  	[sflag:s31] =	ssyncadd.s32 $0xFFFFC000  }
0x12d: {  	[tilespmem:s21], [sflag:$0x3] =	stream.indirect.gather [spmem:s1], $0x80, s20, s16, $0xb8;
	[tilespmem:$0x11300] =	vst v63  }
0x12e: {  	_ =	swait.ge [sflag:s22], $0x4000  }
0x12f: {  	[sflag:s22] =	ssyncset.done $0x0  }
0x130: {  	s7 =	sadd.s32 $0xFFFF0000, s13;
	[sflag:s22] =	ssyncadd.s32 $0xFFFFC000  }
0x131: {  	[hbm4b:s7+s2] =	stream.linear.scatter [tilespmem:s14], [sflag:$0x5], $0x4000, $0x38;
	[tilespmem:$0x11300] =	vst v63  }
0x132: {  	v3 =	vld [tilespmem:$0x0]  }
0x133: {  	v22 =	vld [tilespmem:$0x80]  }
0x134: {  	v24 =	vld [tilespmem:$0x10]  }
0x135: {  	v25 =	vld [tilespmem:$0x90]  }
0x136: {  	v28 =	vld [tilespmem:$0x20]  }
0x137: {  	v23 =	vmov s5;
	v30 =	vld [tilespmem:$0xA0]  }
0x138: {  	v5 =	vadd.s32 $0xC9, v23;
	v31 =	vld [tilespmem:$0x30]  }
0x139: {  	v5 =	vbroadcast v5, $0x0;
	v35 =	vld [tilespmem:$0xB0]  }
0x13a: {  	v37 =	vld [tilespmem:$0x40]  }
0x13b: {  	v40 =	vld [tilespmem:$0xC0];
	vm13 =	vgt.s32 v3, s6;
	v26 =	vsub.s32 v3, v2;
	v3 =	vsub.s32 v5, v3  }
0x13c: {  	v43 =	vld [tilespmem:$0x50];
	vm14 =	vlt.s32 v2, v22;
	vm15 =	vgt.s32 v24, s6;
	v32 =	vsub.s32 v24, v2  }
0x13d: {  	v45 =	vld [tilespmem:$0x60];
	v6 =	vsub.s32 v5, v24;
	vm4 =	vlt.s32 v2, v25;
	vm5 =	vgt.s32 v28, s6  }
0x13e: {  	v49 =	vld [tilespmem:$0xD0];
	v36 =	vsub.s32 v28, v2;
	v10 =	vsub.s32 v5, v28;
	vm6 =	vlt.s32 v2, v30  }
0x13f: {  	v53 =	vld [tilespmem:$0x70];
	vm7 =	vgt.s32 v31, s6;
	v41 =	vsub.s32 v31, v2;
	v8 =	vsub.s32 v5, v31  }
0x140: {  	vm8 =	vlt.s32 v2, v35;
	vm9 =	vgt.s32 v37, s6;
	v46 =	vsub.s32 v37, v2  }
0x141: {  	v47 =	vsub.s32 v5, v37;
	vm10 =	vlt.s32 v2, v40;
	vm11 =	vgt.s32 v43, s6  }
0x142: {  	v52 =	vsub.s32 v43, v2;
	v14 =	vsub.s32 v5, v43;
	vm2 =	vgt.s32 v45, s6  }
0x143: {  	v54 =	vsub.s32 v45, v2;
	v7 =	vsub.s32 v5, v45;
	vm12 =	vlt.s32 v2, v49  }
0x144: {  	v51 =	vld [tilespmem:$0xE0];
	v61 =	vsub.s32 v53, v2;
	v5 =	vsub.s32 v5, v53;
	v27 =	vsel vm13, $0x0, v1  }
0x145: {  	v55 =	vld [tilespmem:$0xF0];
	v3 =	vsel vm13, v26, v3;
	v33 =	vsel vm15, $0x0, v1;
	v6 =	vsel vm15, v32, v6  }
0x146: {  	v38 =	vsel vm5, v36, v10;
	v39 =	vsel vm5, $0x0, v1;
	v42 =	vsel vm7, $0x0, v1  }
0x147: {  	v8 =	vsel vm7, v41, v8;
	v48 =	vsel vm9, $0x0, v1;
	v7 =	vsel vm2, v54, v7  }
0x148: {  	v56 =	vsel vm11, $0x0, v1;
	v57 =	vsel vm2, $0x0, v1;
	v29 =	vadd.s32 v0, v27  }
0x149: {  	vm13 =	vlt.s32 v2, v51;
	v34 =	vadd.s32 v0, v33;
	v3 =	vsel vm14, v3, v29  }
0x14a: {  	vm15 =	vlt.s32 v2, v55;
	v10 =	vadd.s32 v0, v39;
	v6 =	vsel vm4, v6, v34;
	[tilespmem:$0x1280] =	vst v3  }
0x14b: {  	v44 =	vadd.s32 v0, v42;
	v50 =	vadd.s32 v0, v48;
	v9 =	vsel vm6, v38, v10;
	[tilespmem:$0x1290] =	vst v6  }
0x14c: {  	v58 =	vadd.s32 v0, v56;
	v59 =	vadd.s32 v0, v57;
	v8 =	vsel vm8, v8, v44;
	[tilespmem:$0x12A0] =	vst v9  }
0x14d: {  	v60 =	vsel vm13, v7, v59;
	vm14 =	vgt.s32 v53, s6;
	v3 =	vsel vm11, v52, v14;
	[tilespmem:$0x12B0] =	vst v8  }
0x14e: {  	v10 =	vsel vm9, v46, v47;
	v62 =	vsel vm14, $0x0, v1;
	[tilespmem:$0x12E0] =	vst v60;
	v3 =	vsel vm12, v3, v58  }
0x14f: {  	v10 =	vsel vm10, v10, v50;
	v63 =	vadd.s32 v0, v62;
	[tilespmem:$0x12D0] =	vst v3;
	v3 =	vsel vm14, v61, v5  }
0x150: {  	[tilespmem:$0x12C0] =	vst v10;
	v2 =	vsel vm15, v3, v63  }
0x151: {  	[tilespmem:$0x12F0] =	vst v2  }
0x152: {  	_ =	swait.ge [sflag:s0], $0x4000  }
0x153: {  	[sflag:s0] =	ssyncset.done $0x0  }
0x154: {  	p0 =	sne.s32 s5, $0xC8;
	[sflag:s0] =	ssyncadd.s32 $0xFFFFC000  }
0x155: {  	[tilespmem:s24], [sflag:$0x4] =	stream.indirect.gather [spmem:s1], $0x80, s23, s16, $0xb8;
	[tilespmem:$0x11300] =	vst v63  }
.Ltmp0:
0x156: {  	_ =	swait.ge [sflag:s25], $0x4000;
	(pc) =	sbr.rel @p0 .LBB2_2-.Ltmp0, $4  }
0x157: {  	[sflag:s25] =	ssyncset.done $0x0  }
0x158: {  	[sflag:s25] =	ssyncadd.s32 $0xFFFFC000  }
0x159: {  	[hbm4b:s13+s2] =	stream.linear.scatter [tilespmem:s19], [sflag:$0x6], $0x4000, $0x38;
	[tilespmem:$0x11300] =	vst v63  }
0x15a: {  	s5 =	sadd.s32 $0x4, s5;
	s13 =	sadd.s32 $0x40000, s13  }
0x15b: {  	_ =	swait.ge [sflag:s28], $0x4000  }
0x15c: {  	[sflag:s28] =	ssyncset.done $0x0  }
0x15d: {  	[sflag:s28] =	ssyncadd.s32 $0xFFFFC000  }
0x15e: {  	[hbm4b:s10+s2] =	stream.linear.scatter [tilespmem:s21], [sflag:$0x7], $0x4000, $0x38;
	[tilespmem:$0x11300] =	vst v63  }
0x15f: {  	_ =	swait.ge [sflag:s30], $0x4000  }
0x160: {  	[sflag:s30] =	ssyncset.done $0x0  }
0x161: {  	[sflag:s30] =	ssyncadd.s32 $0xFFFFC000  }
0x162: {  	[hbm4b:s11+s2] =	stream.linear.scatter [tilespmem:s24], [sflag:$0x8], $0x4000, $0x38;
	[tilespmem:$0x11300] =	vst v63  }
0x163: {  	_ =	swait.ge [sflag:s26], $0x4000  }
0x164: {  	[sflag:s26] =	ssyncset.done $0x0  }
0x165: {  	[sflag:s26] =	ssyncadd.s32 $0xFFFFC000  }
0x166: {  	_ =	swait.ge [sflag:s29], $0x4000  }
0x167: {  	[sflag:s29] =	ssyncset.done $0x0  }
0x168: {  	s3 =	sadd.s32 $0x1, s3;
	[sflag:s29] =	ssyncadd.s32 $0xFFFFC000  }
0x169: {  	p0 =	sne.s32 s3, s12;
	_ =	swait.ge [sflag:s31], $0x4000  }
.Ltmp1:
0x16a: {  	[sflag:s31] =	ssyncset.done $0x0;
	(pc) =	sbr.rel @p0 .LBB2_1-.Ltmp1, $4  }
0x16b: {  	[sflag:s31] =	ssyncadd.s32 $0xFFFFC000  }
0x16c: {  	_ =	swait.ge [sflag:s0], $0x4000  }
0x16d: {  	[sflag:s0] =	ssyncset.done $0x0  }
0x16e: {  	[sflag:s0] =	ssyncadd.s32 $0xFFFFC000  }
0x16f: {  	_ =	sfence.sel $0x180000  }
0x170: {  	[bflag:$0x0] =	sbarrier.arrive $0xFFFF  }
0x171: {  	_ =	strace $0x90000047  }
0x172: {  	s0 =	stileid.u32;
	[bflag:$0x2] =	sbarrier.arrive $0xFFFF  }
0x173: {  	p0 =	sne.s32 s0, $0x0;
	s0 =	rddreg [dreg:$0x5]  }
0x174: {  	s0 =	sadd.s32 @!p0 $0x100000, s0  }
0x175: {  	[sflag:s0] =	ssyncadd.tile.s32 @!p0 $0x1;
	_ =	shalt  }
.Lfunc_end2:
_tile_overlayer_lowered:
.L_overlay_start_2:
0x176: {  	(tag) =	ssettag $0x2  }
0x177: {  	s0 =	rddreg [dreg:$0x0];
	s2 =	stileid.u32  }
0x178: {  	s1 =	rddreg [dreg:$0x1];
	p0 =	sne.s32 s2, $0x0  }
0x179: {  	s3 =	rddreg [dreg:$0x2];
	[bflag:$0x3] =	sbarrier.arrive $0xFFFF;
	s2 =	simm.s32 @!p0 $0x1C09  }
0x17a: {  	[timem:s3], [sflag:s2] =	dma.local @!p0 [hbm:s0], s1  }
0x17b: {  	s0 =	simm.s32 @!p0 $0x9  }
0x17c: {  	_ =	swait.ge @!p0 [sflag:s0], s1  }
0x17d: {  	s1 =	ssub.s32 @!p0 $0x0, s1;
	[sflag:s0] =	ssyncset.done @!p0 $0x0  }
0x17e: {  	[sflag:s0] =	ssyncadd.s32 @!p0 s1  }
0x17f: {  	[bflag:$0x3] =	sbarrier.arrive $0xFFFF  }
0x180: {  	_ =	shalt  }

</sc_bundles>
